<compile_context>
chip_gen: v7x
topology: tpu7x:2x2x1
jax: 0.10.2.dev20260603
libtpu: 0.0.44.dev20260713+nightly
codegen_flags: <defaults>
</compile_context>

<pallas_src>
import functools

import numpy as np

import jax
import jax.numpy as jnp
from jax import lax
from jax.experimental import pallas as pl
from jax.experimental.pallas import tpu as pltpu
from jax.experimental.pallas import tpu_sc as plsc

_BM = 512
_K = 8
_RES = 256
_PLANE = _RES * _RES
_CHUNK = 128
_NW = 32

def _knn_body(coord_ref, pts_ref, dist_ref, idx_ref, s_ref, tex_ref, *,
              P, n0):
    n = n0 + pl.program_id(0)
    mb = pl.program_id(1)
    c = jnp.clip(coord_ref[0], -0.999, 0.999)
    pt = pts_ref[0]
    d2 = jnp.zeros((_BM, P), jnp.float32)
    for a in range(3):
        diff = c[:, a:a + 1] - pt[a:a + 1, :]
        d2 = d2 + diff * diff
    colidx_f = lax.broadcasted_iota(jnp.int32, (_BM, P), 1
                                    ).astype(jnp.float32)
    dcols = []
    icols = []
    for _ in range(_K):
        m = jnp.min(d2, axis=1, keepdims=True)
        am_f = jnp.min(jnp.where(d2 == m, colidx_f, jnp.float32(P)),
                       axis=1, keepdims=True)
        dcols.append(m)
        icols.append(am_f.astype(jnp.int32))
        d2 = jnp.where(colidx_f == am_f, jnp.float32(jnp.inf), d2)
    dist = jnp.concatenate(dcols, axis=1)
    dist_ref[0] = dist
    idx_ref[0] = jnp.concatenate(icols, axis=1) + n * P

    part = jnp.sum(1.0 / dist, axis=0, keepdims=True)

    @pl.when(mb == 0)
    def _():
        s_ref[0] = part

    @pl.when(mb != 0)
    def _():
        s_ref[0] = s_ref[0] + part

    cols = []
    for p, (a, b) in enumerate(((0, 1), (0, 2), (1, 2))):
        u = c[:, a:a + 1]
        v = c[:, b:b + 1]
        x = (u + 1.0) * 0.5 * float(_RES) - 0.5
        y = (v + 1.0) * 0.5 * float(_RES) - 0.5
        x0i = jnp.clip(jnp.floor(x).astype(jnp.int32), 0, _RES - 1)
        y0i = jnp.clip(jnp.floor(y).astype(jnp.int32), 0, _RES - 1)
        x1i = jnp.minimum(x0i + 1, _RES - 1)
        y1i = jnp.minimum(y0i + 1, _RES - 1)
        base = (n * 3 + p) * _PLANE
        cols += [base + y0i * _RES + x0i, base + y0i * _RES + x1i,
                 base + y1i * _RES + x0i, base + y1i * _RES + x1i]
    tex_ref[0] = jnp.concatenate(cols, axis=1)


def _knn_call(coordinates, pts_t, n0):
    N, M, _ = coordinates.shape
    P = pts_t.shape[2]
    grid = (N, M // _BM)
    return pl.pallas_call(
        functools.partial(_knn_body, P=P, n0=n0),
        grid=grid,
        in_specs=[
            pl.BlockSpec((1, _BM, 3), lambda n, mb: (n, mb, 0)),
            pl.BlockSpec((1, 3, P), lambda n, mb: (n, 0, 0)),
        ],
        out_specs=[
            pl.BlockSpec((1, _BM, _K), lambda n, mb: (n, mb, 0)),
            pl.BlockSpec((1, _BM, _K), lambda n, mb: (n, mb, 0)),
            pl.BlockSpec((1, 1, _K), lambda n, mb: (n, 0, 0)),
            pl.BlockSpec((1, _BM, 12), lambda n, mb: (n, mb, 0)),
        ],
        out_shape=[
            jax.ShapeDtypeStruct((N, M, _K), jnp.float32),
            jax.ShapeDtypeStruct((N, M, _K), jnp.int32),
            jax.ShapeDtypeStruct((N, 1, _K), jnp.float32),
            jax.ShapeDtypeStruct((N, M, 12), jnp.int32),
        ],
    )(coordinates, pts_t)


def _sc_gather(tab1, tab2, idx1, idx2):
    C1, C2 = idx1.shape[1], idx2.shape[1]
    D1, D2 = tab1.shape[1], tab2.shape[1]
    mesh = plsc.VectorSubcoreMesh(core_axis_name="c", subcore_axis_name="s")

    @functools.partial(
        pl.kernel,
        mesh=mesh,
        out_type=(
            jax.ShapeDtypeStruct((_NW * C1 * _CHUNK, D1), jnp.float32),
            jax.ShapeDtypeStruct((_NW * C2 * _CHUNK, D2), jnp.float32),
        ),
        scratch_types=[
            pltpu.VMEM((C1, _CHUNK), jnp.int32),
            pltpu.VMEM((C2, _CHUNK), jnp.int32),
            pltpu.VMEM((_CHUNK, D1), jnp.float32),
            pltpu.VMEM((_CHUNK, D2), jnp.float32),
            pltpu.SemaphoreType.DMA,
        ],
        compiler_params=pltpu.CompilerParams(use_tc_tiling_on_sc=False),
    )
    def gk(tab1_hbm, tab2_hbm, idx1_hbm, idx2_hbm, out1_hbm, out2_hbm,
           idx1_v, idx2_v, rows1_v, rows2_v, sem):
        wid = lax.axis_index("s") * 2 + lax.axis_index("c")
        pltpu.sync_copy(idx1_hbm.at[wid], idx1_v)
        pltpu.sync_copy(idx2_hbm.at[wid], idx2_v)

        def body1(j, carry):
            pltpu.async_copy(tab1_hbm.at[idx1_v.at[j]], rows1_v, sem).wait()
            pltpu.sync_copy(
                rows1_v,
                out1_hbm.at[pl.ds(wid * (C1 * _CHUNK) + j * _CHUNK,
                                  _CHUNK)])
            return carry

        lax.fori_loop(0, C1, body1, 0)

        def body2(j, carry):
            pltpu.async_copy(tab2_hbm.at[idx2_v.at[j]], rows2_v, sem).wait()
            pltpu.sync_copy(
                rows2_v,
                out2_hbm.at[pl.ds(wid * (C2 * _CHUNK) + j * _CHUNK,
                                  _CHUNK)])
            return carry

        lax.fori_loop(0, C2, body2, 0)

    return gk(tab1, tab2, idx1, idx2)


def _contract0(a, b):
    return lax.dot_general(a, b, (((0,), (0,)), ((), ())),
                           preferred_element_type=jnp.float32)


def _decode_body(coord_ref, coord_t_ref, dir_t_ref, dist_ref, s_ref,
                 comb_ref, tex_ref,
                 pqw0_ref, pqb0_ref, pqw1_ref, pqb1_ref,
                 fw0_ref, fb0_ref, fw1_ref, fb1_ref, fw2_ref, fb2_ref,
                 dw_ref, db_ref, rw0a_ref, rw0b_ref, rb0_ref,
                 rw1_ref, rb1_ref,
                 dens_ref, rgb_ref):
    c = jnp.clip(coord_ref[0], -0.999, 0.999)
    c_t = jnp.clip(coord_t_ref[0], -0.999, 0.999)

    tex_rows = tex_ref[0]
    tex = jnp.zeros((_BM, 32), jnp.float32)
    for p, (a, b) in enumerate(((0, 1), (0, 2), (1, 2))):
        u = c[:, a:a + 1]
        v = c[:, b:b + 1]
        x = (u + 1.0) * 0.5 * float(_RES) - 0.5
        y = (v + 1.0) * 0.5 * float(_RES) - 0.5
        wx = x - jnp.floor(x)
        wy = y - jnp.floor(y)
        w4 = ((1 - wx) * (1 - wy), wx * (1 - wy), (1 - wx) * wy, wx * wy)
        for ci in range(4):
            j = p * 4 + ci
            tex = tex + w4[ci] * tex_rows[:, j * 32:(j + 1) * 32]
    tex = tex / 3.0

    comb = comb_ref[0]
    comb_t = comb.T
    pf_t = jnp.concatenate(
        [comb_t[k * 48:k * 48 + 32, :] for k in range(_K)], axis=1)
    pos_t = jnp.concatenate(
        [comb_t[k * 48 + 32:k * 48 + 35, :] for k in range(_K)], axis=1)
    rel_t = jnp.concatenate([c_t] * _K, axis=1) - pos_t
    sins = [jnp.sin(rel_t)]
    coss = [jnp.cos(rel_t)]
    for _ in range(5):
        s_p, c_p = sins[-1], coss[-1]
        sins.append(2.0 * s_p * c_p)
        coss.append(1.0 - 2.0 * s_p * s_p)
    x_t = jnp.concatenate([pf_t] + sins + coss + [rel_t],
                          axis=0)

    wcols = []
    s = s_ref[0]
    dist = dist_ref[0]
    for k in range(_K):
        wcols.append((1.0 / dist[:, k:k + 1]) / s[0:1, k:k + 1])
    h = jnp.maximum(_contract0(x_t, pqw0_ref[...]) + pqb0_ref[...], 0.0)
    pfo = jnp.dot(h, pqw1_ref[...],
                  preferred_element_type=jnp.float32) + pqb1_ref[...]
    spf = jnp.zeros((_BM, 32), jnp.float32)
    for k in range(_K):
        spf = spf + pfo[k * _BM:(k + 1) * _BM] * wcols[k]

    feat = jnp.concatenate([tex, spf], axis=1)
    feat = jnp.maximum(
        jnp.dot(feat, fw0_ref[...], preferred_element_type=jnp.float32)
        + fb0_ref[...], 0.0)
    feat = jnp.maximum(
        jnp.dot(feat, fw1_ref[...], preferred_element_type=jnp.float32)
        + fb1_ref[...], 0.0)
    feat = jnp.dot(feat, fw2_ref[...],
                   preferred_element_type=jnp.float32) + fb2_ref[...]

    z = 10.0 * (jnp.dot(feat, dw_ref[...],
                        preferred_element_type=jnp.float32) + db_ref[...])
    raw_d = (jnp.maximum(z, 0.0) + jnp.log1p(jnp.exp(-jnp.abs(z)))) / 10.0
    dens_ref[0] = 1.0 - jnp.exp(-raw_d)

    d_t = dir_t_ref[0]
    nrm = jnp.sqrt(jnp.sum(d_t * d_t, axis=0, keepdims=True))
    rd_t = d_t / jnp.maximum(nrm, 1e-12)
    sins = [jnp.sin(rd_t)]
    coss = [jnp.cos(rd_t)]
    for _ in range(3):
        s_p, c_p = sins[-1], coss[-1]
        sins.append(2.0 * s_p * c_p)
        coss.append(1.0 - 2.0 * s_p * s_p)
    remb_t = jnp.concatenate(sins + coss + [rd_t], axis=0)
    rh = jnp.maximum(
        jnp.dot(feat, rw0a_ref[...], preferred_element_type=jnp.float32)
        + _contract0(remb_t, rw0b_ref[...]) + rb0_ref[...], 0.0)
    rgb = jnp.dot(rh, rw1_ref[...],
                  preferred_element_type=jnp.float32) + rb1_ref[...]
    lane = lax.broadcasted_iota(jnp.int32, rgb.shape, 1)
    srgb = jax.nn.sigmoid(rgb[:, :3]) * (1.0 + 2 * 0.001) - 0.001
    srgb = jnp.concatenate([srgb, rgb[:, 3:]], axis=1)
    rgb_ref[0] = jnp.where(lane < 3, srgb, rgb)


def _decode_call(coordinates, coords_t, dirs_t, dist, s, comb_rows,
                 tex_rows, weights):
    N, M, _ = coordinates.shape
    grid = (N, M // _BM)

    def full(arr):
        nd = arr.ndim
        return pl.BlockSpec(arr.shape, lambda n, mb: (0,) * nd)

    in_specs = [
        pl.BlockSpec((1, _BM, 3), lambda n, mb: (n, mb, 0)),
        pl.BlockSpec((1, 3, _BM), lambda n, mb: (n, 0, mb)),
        pl.BlockSpec((1, 3, _BM), lambda n, mb: (n, 0, mb)),
        pl.BlockSpec((1, _BM, _K), lambda n, mb: (n, mb, 0)),
        pl.BlockSpec((1, 1, _K), lambda n, mb: (n, 0, 0)),
        pl.BlockSpec((1, _BM, _K * 48), lambda n, mb: (n, mb, 0)),
        pl.BlockSpec((1, _BM, 12 * 32), lambda n, mb: (n, mb, 0)),
    ] + [full(w) for w in weights]

    dens, rgb = pl.pallas_call(
        _decode_body,
        grid=grid,
        in_specs=in_specs,
        out_specs=[
            pl.BlockSpec((1, _BM, 1), lambda n, mb: (n, mb, 0)),
            pl.BlockSpec((1, _BM, 32), lambda n, mb: (n, mb, 0)),
        ],
        out_shape=[
            jax.ShapeDtypeStruct((N, M, 1), jnp.float32),
            jax.ShapeDtypeStruct((N, M, 32), jnp.float32),
        ],
    )(coordinates, coords_t, dirs_t, dist, s, comb_rows, tex_rows,
      *weights)
    return dens, rgb


def kernel(coordinates, directions, points_position, points_features,
           tex_tplanes, pq_w0, pq_b0, pq_w1, pq_b1, f_w0, f_b0, f_w1, f_b1,
           f_w2, f_b2, d_w, d_b, r_w0, r_b0, r_w1, r_b1):
    N, M, _ = coordinates.shape
    P = points_position.shape[1]

    pts_t = jnp.transpose(points_position, (0, 2, 1))
    comb_tab = jnp.concatenate(
        [points_features, points_position,
         jnp.zeros((N, P, 13), jnp.float32)], axis=-1).reshape(N * P, 48)
    tex_tab = jnp.transpose(
        tex_tplanes, (0, 1, 3, 4, 2)).reshape(N * 3 * _PLANE, 32)

    def fmajor_perm(prefix, nfreq, total):
        perm = list(range(prefix))
        for blk in range(2):
            off = prefix + blk * 3 * nfreq
            perm += [off + a * nfreq + f for f in range(nfreq)
                     for a in range(3)]
        perm += list(range(prefix + 6 * nfreq, total))
        return np.array(perm)

    pq_w0 = pq_w0[fmajor_perm(32, 6, 71)]
    r_w0 = r_w0[fmajor_perm(128, 4, 155)]

    weights = (pq_w0, pq_b0.reshape(1, -1), pq_w1, pq_b1.reshape(1, -1),
               f_w0, f_b0.reshape(1, -1), f_w1, f_b1.reshape(1, -1),
               f_w2, f_b2.reshape(1, -1), d_w, d_b.reshape(1, -1),
               r_w0[:128], r_w0[128:], r_b0.reshape(1, -1),
               r_w1, r_b1.reshape(1, -1))

    coords_t = jnp.transpose(coordinates, (0, 2, 1))
    dirs_t = jnp.transpose(directions, (0, 2, 1))

    n1 = M * _K // (_NW * _CHUNK)
    n2 = M * 12 // (_NW * _CHUNK)
    knn = [_knn_call(coordinates[n:n + 1], pts_t[n:n + 1], n)
           for n in range(N)]
    dens_l, rgb_l, dist_l = [], [], []
    for n in range(N):
        dist, idxf, s, tex_idx = knn[n]
        comb_rows, tex_rows = _sc_gather(
            comb_tab, tex_tab,
            idxf.reshape(_NW, n1, _CHUNK),
            tex_idx.reshape(_NW, n2, _CHUNK))
        dens, rgb = _decode_call(
            coordinates[n:n + 1], coords_t[n:n + 1], dirs_t[n:n + 1],
            dist, s, comb_rows.reshape(1, M, _K * 48),
            tex_rows.reshape(1, M, 12 * 32), weights)
        dens_l.append(dens)
        rgb_l.append(rgb)
        dist_l.append(dist)
    return (jnp.concatenate(dens_l, axis=0), jnp.concatenate(rgb_l, axis=0),
            jnp.concatenate(dist_l, axis=0))

# --- scband reference (transcript-rebuilt; emitter-appended) ---
"""Pipeline reference for scband-points-decoder-59450937311381 (READ-ONLY COPY).

The authoritative reference and input builder live on the scoring server;
editing this copy changes nothing except your own understanding.
"""

import jax, jax.numpy as jnp
import numpy as np

N, M, P, K = 2, 4096, 4096, 8
IN_DIM = 32
OUT_DIM = 32
C_PLANE = 32
RES = 256

def harmonic(x, n):
    freqs = 2.0 ** jnp.arange(n, dtype=x.dtype)
    emb = (x[..., None] * freqs).reshape(x.shape[:-1] + (-1,))
    return jnp.concatenate([jnp.sin(emb), jnp.cos(emb), x], axis=-1)

def linear(x, w, b):
    return x @ w + b

def sample_plane(plane, uv):
    C, H, W = plane.shape
    x = (uv[..., 0] + 1.0) * 0.5 * W - 0.5
    y = (uv[..., 1] + 1.0) * 0.5 * H - 0.5
    x0 = jnp.floor(x)
    y0 = jnp.floor(y)
    wx = (x - x0)[..., None]
    wy = (y - y0)[..., None]
    x0i = jnp.clip(x0.astype(jnp.int32), 0, W - 1)
    x1i = jnp.clip(x0i + 1, 0, W - 1)
    y0i = jnp.clip(y0.astype(jnp.int32), 0, H - 1)
    y1i = jnp.clip(y0i + 1, 0, H - 1)
    img = jnp.transpose(plane, (1, 2, 0))
    v00 = img[y0i, x0i]
    v01 = img[y0i, x1i]
    v10 = img[y1i, x0i]
    v11 = img[y1i, x1i]
    return v00 * (1 - wx) * (1 - wy) + v01 * wx * (1 - wy) + v10 * (1 - wx) * wy + v11 * wx * wy

def sample_from_planes(coords, tplanes):
    dims = [(0, 1), (0, 2), (1, 2)]
    out = 0.0
    for p, (a, b) in enumerate(dims):
        uv = jnp.stack([coords[..., a], coords[..., b]], -1)
        out = out + jax.vmap(sample_plane)(tplanes[:, p], uv)
    return out / 3.0

def _forward(coordinates, directions, points_position, points_features, tex_tplanes, params):
    (pq_w0, pq_b0, pq_w1, pq_b1, f_w0, f_b0, f_w1, f_b1, f_w2, f_b2, d_w, d_b, r_w0, r_b0, r_w1, r_b1) = params
    coords = jnp.clip(coordinates, -0.999, 0.999)
    tex = sample_from_planes(coords, tex_tplanes)
    d2 = jnp.sum((coords[:, :, None, :] - points_position[:, None, :, :]) ** 2, -1)
    negv, idx = jax.lax.top_k(-d2, K)
    dist = -negv
    nn = jax.vmap(lambda pos, i: pos[i])(points_position, idx)
    pf = jax.vmap(lambda f, i: f[i])(points_features, idx)
    rel = coords[:, :, None, :] - nn
    rel_emb = harmonic(rel, 6)
    pf = jnp.concatenate([pf, rel_emb], -1)
    h = jax.nn.relu(linear(pf, pq_w0, pq_b0))
    pfo = linear(h, pq_w1, pq_b1)
    w = 1.0 / dist
    w = w / jnp.sum(w, axis=1, keepdims=True)
    spf = jnp.sum(pfo * w[..., None], axis=2)
    feat = jnp.concatenate([tex, spf], -1)
    feat = jax.nn.relu(linear(feat, f_w0, f_b0))
    feat = jax.nn.relu(linear(feat, f_w1, f_b1))
    feat = linear(feat, f_w2, f_b2)
    raw_d = jax.nn.softplus(10.0 * linear(feat, d_w, d_b)) / 10.0
    densities = 1.0 - jnp.exp(-raw_d)
    rdir = directions / jnp.clip(jnp.linalg.norm(directions, axis=-1, keepdims=True), 1e-12)
    remb = harmonic(rdir, 4)
    rh = jax.nn.relu(linear(jnp.concatenate([feat, remb], -1), r_w0, r_b0))
    rgb = linear(rh, r_w1, r_b1)
    rgb = rgb.at[..., :3].set(jax.nn.sigmoid(rgb[..., :3]) * (1.0 + 2 * 0.001) - 0.001)
    return densities, rgb, dist

def setup_inputs(seed: int = 0):
    key = jax.random.key(seed)
    ks = jax.random.split(key, 24)
    def p(k, shape, scale=0.05):
        return jax.random.normal(k, shape, jnp.float32) * scale
    emb_q = 6 * 2 * 3 + 3
    emb_d = 4 * 2 * 3 + 3
    inp = {}
    inp["coordinates"] = jax.random.uniform(ks[0], (N, M, 3), jnp.float32, -1.0, 1.0)
    inp["directions"] = jax.random.normal(ks[1], (N, M, 3), jnp.float32)
    inp["points_position"] = jax.random.normal(ks[2], (N, P, 3), jnp.float32)
    inp["points_features"] = jax.random.normal(ks[3], (N, P, IN_DIM), jnp.float32)
    inp["tex_tplanes"] = jax.random.normal(ks[4], (N, 3, C_PLANE, RES, RES), jnp.float32)
    inp["pq_w0"] = p(ks[5], (IN_DIM + emb_q, 64))
    inp["pq_b0"] = p(ks[6], (64,))
    inp["pq_w1"] = p(ks[7], (64, 32))
    inp["pq_b1"] = p(ks[8], (32,))
    inp["f_w0"] = p(ks[9], (64, 128))
    inp["f_b0"] = p(ks[10], (128,))
    inp["f_w1"] = p(ks[11], (128, 128))
    inp["f_b1"] = p(ks[12], (128,))
    inp["f_w2"] = p(ks[13], (128, 128))
    inp["f_b2"] = p(ks[14], (128,))
    inp["d_w"] = p(ks[15], (128, 1))
    inp["d_b"] = p(ks[16], (1,))
    inp["r_w0"] = p(ks[17], (128 + emb_d, 64))
    inp["r_b0"] = p(ks[18], (64,))
    inp["r_w1"] = p(ks[19], (64, OUT_DIM))
    inp["r_b1"] = p(ks[20], (OUT_DIM,))
    return inp

def reference(coordinates, directions, points_position, points_features, tex_tplanes, pq_w0, pq_b0, pq_w1, pq_b1, f_w0, f_b0, f_w1, f_b1, f_w2, f_b2, d_w, d_b, r_w0, r_b0, r_w1, r_b1):
    params = (pq_w0, pq_b0, pq_w1, pq_b1, f_w0, f_b0, f_w1, f_b1, f_w2, f_b2, d_w, d_b, r_w0, r_b0, r_w1, r_b1)
    return _forward(coordinates, directions, points_position, points_features, tex_tplanes, params)

if __name__ == "__main__":
    import jax
    _d = setup_inputs()
    print(jax.jit(kernel)(*tuple(_d.values())))

</pallas_src>

<mosaic_0001>
#map = affine_map<(d0, d1) -> (0, 0)>
#map1 = affine_map<(d0, d1) -> (0, 0, 0)>
module attributes {stable_mosaic.version = 14 : i64} {
  func.func @gk(%arg0: i32, %arg1: i32, %arg2: memref<8192x48xf32, #tpu.memory_space<hbm>>, %arg3: memref<393216x32xf32, #tpu.memory_space<hbm>>, %arg4: memref<32x8x128xi32, #tpu.memory_space<hbm>>, %arg5: memref<32x12x128xi32, #tpu.memory_space<hbm>>, %arg6: memref<32768x48xf32, #tpu.memory_space<hbm>>, %arg7: memref<49152x32xf32, #tpu.memory_space<hbm>>, %arg8: memref<8x128xi32, #tpu.memory_space<vmem>>, %arg9: memref<12x128xi32, #tpu.memory_space<vmem>>, %arg10: memref<128x48xf32, #tpu.memory_space<vmem>>, %arg11: memref<128x32xf32, #tpu.memory_space<vmem>>, %arg12: memref<!tpu.dma_semaphore, #tpu.memory_space<semaphore_mem>>) attributes {dimension_semantics = [#tpu.dimension_semantics<core_parallel>, #tpu.dimension_semantics<subcore_parallel>], iteration_bounds = array<i64: 2, 16>, scalar_prefetch = 0 : i64, scratch_operands = 5 : i64, tpu.core_type = #tpu.core_type<sc_vector_subcore>, window_params = [{transform_indices = #map}, {transform_indices = #map}, {transform_indices = #map1}, {transform_indices = #map1}, {transform_indices = #map}, {transform_indices = #map}]} {
    %mul3A = arith.constant 2 : i32
    %mul3A_0 = arith.muli %arg1, %mul3A : i32
    %add3A = arith.addi %mul3A_0, %arg0 : i32
    "tpu.region"() ({
      %run_scoped3A = tpu.sem_alloc : memref<!tpu.dma_semaphore, #tpu.memory_space<semaphore_mem>>
      %dma_start3A = arith.constant 0 : i32
      %dma_start3A_12 = arith.constant 0 : i32
      %dma_start3A_13 = tpu.memref_slice %arg4[%add3A, %dma_start3A, %dma_start3A_12] : memref<32x8x128xi32, #tpu.memory_space<hbm>> -> memref<1x8x128xi32, #tpu.memory_space<hbm>>
      %dma_start3A_14 = tpu.memref_squeeze %dma_start3A_13 : memref<1x8x128xi32, #tpu.memory_space<hbm>> -> memref<8x128xi32, #tpu.memory_space<hbm>>
      %dma_start3A_15 = arith.constant 0 : i32
      %dma_start3A_16 = arith.constant 0 : i32
      %dma_start3A_17 = tpu.memref_slice %arg4[%add3A, %dma_start3A_15, %dma_start3A_16] : memref<32x8x128xi32, #tpu.memory_space<hbm>> -> memref<1x8x128xi32, #tpu.memory_space<hbm>>
      %dma_start3A_18 = tpu.memref_squeeze %dma_start3A_17 : memref<1x8x128xi32, #tpu.memory_space<hbm>> -> memref<8x128xi32, #tpu.memory_space<hbm>>
      tpu.enqueue_dma source(%dma_start3A_18 : memref<8x128xi32, #tpu.memory_space<hbm>>) target(%arg8 : memref<8x128xi32, #tpu.memory_space<vmem>>) target_semaphore(%run_scoped3A : memref<!tpu.dma_semaphore, #tpu.memory_space<semaphore_mem>>)
      %dma_wait3A = arith.constant 0 : i32
      %dma_wait3A_19 = arith.constant 0 : i32
      %dma_wait3A_20 = tpu.memref_slice %arg4[%add3A, %dma_wait3A, %dma_wait3A_19] : memref<32x8x128xi32, #tpu.memory_space<hbm>> -> memref<1x8x128xi32, #tpu.memory_space<hbm>>
      %dma_wait3A_21 = tpu.memref_squeeze %dma_wait3A_20 : memref<1x8x128xi32, #tpu.memory_space<hbm>> -> memref<8x128xi32, #tpu.memory_space<hbm>>
      %dma_wait3A_22 = arith.constant 0 : i32
      %dma_wait3A_23 = arith.constant 0 : i32
      %dma_wait3A_24 = tpu.memref_slice %arg4[%add3A, %dma_wait3A_22, %dma_wait3A_23] : memref<32x8x128xi32, #tpu.memory_space<hbm>> -> memref<1x8x128xi32, #tpu.memory_space<hbm>>
      %dma_wait3A_25 = tpu.memref_squeeze %dma_wait3A_24 : memref<1x8x128xi32, #tpu.memory_space<hbm>> -> memref<8x128xi32, #tpu.memory_space<hbm>>
      tpu.wait_dma2 semaphore(%run_scoped3A : memref<!tpu.dma_semaphore, #tpu.memory_space<semaphore_mem>>) src(%dma_wait3A_25 : memref<8x128xi32, #tpu.memory_space<hbm>>) dst(%arg8 : memref<8x128xi32, #tpu.memory_space<vmem>>)
      tpu.yield
    }) : () -> ()
    "tpu.region"() ({
      %run_scoped3A = tpu.sem_alloc : memref<!tpu.dma_semaphore, #tpu.memory_space<semaphore_mem>>
      %dma_start3A = arith.constant 0 : i32
      %dma_start3A_12 = arith.constant 0 : i32
      %dma_start3A_13 = tpu.memref_slice %arg5[%add3A, %dma_start3A, %dma_start3A_12] : memref<32x12x128xi32, #tpu.memory_space<hbm>> -> memref<1x12x128xi32, #tpu.memory_space<hbm>>
      %dma_start3A_14 = tpu.memref_squeeze %dma_start3A_13 : memref<1x12x128xi32, #tpu.memory_space<hbm>> -> memref<12x128xi32, #tpu.memory_space<hbm>>
      %dma_start3A_15 = arith.constant 0 : i32
      %dma_start3A_16 = arith.constant 0 : i32
      %dma_start3A_17 = tpu.memref_slice %arg5[%add3A, %dma_start3A_15, %dma_start3A_16] : memref<32x12x128xi32, #tpu.memory_space<hbm>> -> memref<1x12x128xi32, #tpu.memory_space<hbm>>
      %dma_start3A_18 = tpu.memref_squeeze %dma_start3A_17 : memref<1x12x128xi32, #tpu.memory_space<hbm>> -> memref<12x128xi32, #tpu.memory_space<hbm>>
      tpu.enqueue_dma source(%dma_start3A_18 : memref<12x128xi32, #tpu.memory_space<hbm>>) target(%arg9 : memref<12x128xi32, #tpu.memory_space<vmem>>) target_semaphore(%run_scoped3A : memref<!tpu.dma_semaphore, #tpu.memory_space<semaphore_mem>>)
      %dma_wait3A = arith.constant 0 : i32
      %dma_wait3A_19 = arith.constant 0 : i32
      %dma_wait3A_20 = tpu.memref_slice %arg5[%add3A, %dma_wait3A, %dma_wait3A_19] : memref<32x12x128xi32, #tpu.memory_space<hbm>> -> memref<1x12x128xi32, #tpu.memory_space<hbm>>
      %dma_wait3A_21 = tpu.memref_squeeze %dma_wait3A_20 : memref<1x12x128xi32, #tpu.memory_space<hbm>> -> memref<12x128xi32, #tpu.memory_space<hbm>>
      %dma_wait3A_22 = arith.constant 0 : i32
      %dma_wait3A_23 = arith.constant 0 : i32
      %dma_wait3A_24 = tpu.memref_slice %arg5[%add3A, %dma_wait3A_22, %dma_wait3A_23] : memref<32x12x128xi32, #tpu.memory_space<hbm>> -> memref<1x12x128xi32, #tpu.memory_space<hbm>>
      %dma_wait3A_25 = tpu.memref_squeeze %dma_wait3A_24 : memref<1x12x128xi32, #tpu.memory_space<hbm>> -> memref<12x128xi32, #tpu.memory_space<hbm>>
      tpu.wait_dma2 semaphore(%run_scoped3A : memref<!tpu.dma_semaphore, #tpu.memory_space<semaphore_mem>>) src(%dma_wait3A_25 : memref<12x128xi32, #tpu.memory_space<hbm>>) dst(%arg9 : memref<12x128xi32, #tpu.memory_space<vmem>>)
      tpu.yield
    }) : () -> ()
    %scan3A = arith.constant 0 : i32
    %scan3A_1 = arith.constant 0 : i32
    %scan3A_2 = arith.constant 8 : i32
    %scan3A_3 = arith.addi %scan3A_1, %scan3A_2 : i32
    %scan3A_4 = arith.constant 1 : i32
    scf.for %scan3A_12 = %scan3A_1 to %scan3A_3 step %scan3A_4  : i32 {
      %dma_start3A = arith.constant 0 : i32
      %dma_start3A_13 = tpu.memref_slice %arg8[%scan3A_12, %dma_start3A] : memref<8x128xi32, #tpu.memory_space<vmem>> -> memref<1x128xi32, #tpu.memory_space<vmem>>
      %dma_start3A_14 = tpu.memref_squeeze %dma_start3A_13 : memref<1x128xi32, #tpu.memory_space<vmem>> -> memref<128xi32, #tpu.memory_space<vmem>>
      %dma_start3A_15 = arith.constant 0 : i32
      %dma_start3A_16 = arith.constant 0 : i32
      %dma_start3A_17 = tpu.memref_slice %arg2[%dma_start3A_15, %dma_start3A_16] : memref<8192x48xf32, #tpu.memory_space<hbm>> -> memref<8192x48xf32, #tpu.memory_space<hbm>>
      tpu.enqueue_indirect_dma source(%dma_start3A_17 : memref<8192x48xf32, #tpu.memory_space<hbm>>) target(%arg10 : memref<128x48xf32, #tpu.memory_space<vmem>>) offsets(%dma_start3A_14 : memref<128xi32, #tpu.memory_space<vmem>>) semaphore(%arg12 : memref<!tpu.dma_semaphore, #tpu.memory_space<semaphore_mem>>)
      %dma_wait3A = arith.constant 0 : i32
      %dma_wait3A_18 = tpu.memref_slice %arg8[%scan3A_12, %dma_wait3A] : memref<8x128xi32, #tpu.memory_space<vmem>> -> memref<1x128xi32, #tpu.memory_space<vmem>>
      %dma_wait3A_19 = tpu.memref_squeeze %dma_wait3A_18 : memref<1x128xi32, #tpu.memory_space<vmem>> -> memref<128xi32, #tpu.memory_space<vmem>>
      %dma_wait3A_20 = arith.constant 0 : i32
      %dma_wait3A_21 = arith.constant 0 : i32
      %dma_wait3A_22 = tpu.memref_slice %arg2[%dma_wait3A_20, %dma_wait3A_21] : memref<8192x48xf32, #tpu.memory_space<hbm>> -> memref<8192x48xf32, #tpu.memory_space<hbm>>
      tpu.wait_indirect_dma semaphore(%arg12 : memref<!tpu.dma_semaphore, #tpu.memory_space<semaphore_mem>>) src(%dma_wait3A_22 : memref<8192x48xf32, #tpu.memory_space<hbm>>) dst(%arg10 : memref<128x48xf32, #tpu.memory_space<vmem>>)
      %mul3A_23 = arith.constant 1024 : i32
      %mul3A_24 = arith.muli %add3A, %mul3A_23 : i32
      %mul3A_25 = arith.constant 128 : i32
      %mul3A_26 = arith.muli %scan3A_12, %mul3A_25 : i32
      %add3A_27 = arith.addi %mul3A_24, %mul3A_26 : i32
      "tpu.region"() ({
        %run_scoped3A = tpu.sem_alloc : memref<!tpu.dma_semaphore, #tpu.memory_space<semaphore_mem>>
        %dma_start3A_28 = arith.constant 0 : i32
        %dma_start3A_29 = tpu.memref_slice %arg6[%add3A_27, %dma_start3A_28] : memref<32768x48xf32, #tpu.memory_space<hbm>> -> memref<128x48xf32, #tpu.memory_space<hbm>>
        %dma_start3A_30 = arith.constant 0 : i32
        %dma_start3A_31 = tpu.memref_slice %arg6[%add3A_27, %dma_start3A_30] : memref<32768x48xf32, #tpu.memory_space<hbm>> -> memref<128x48xf32, #tpu.memory_space<hbm>>
        tpu.enqueue_dma source(%arg10 : memref<128x48xf32, #tpu.memory_space<vmem>>) target(%dma_start3A_31 : memref<128x48xf32, #tpu.memory_space<hbm>>) target_semaphore(%run_scoped3A : memref<!tpu.dma_semaphore, #tpu.memory_space<semaphore_mem>>)
        %dma_wait3A_32 = arith.constant 0 : i32
        %dma_wait3A_33 = tpu.memref_slice %arg6[%add3A_27, %dma_wait3A_32] : memref<32768x48xf32, #tpu.memory_space<hbm>> -> memref<128x48xf32, #tpu.memory_space<hbm>>
        %dma_wait3A_34 = arith.constant 0 : i32
        %dma_wait3A_35 = tpu.memref_slice %arg6[%add3A_27, %dma_wait3A_34] : memref<32768x48xf32, #tpu.memory_space<hbm>> -> memref<128x48xf32, #tpu.memory_space<hbm>>
        tpu.wait_dma2 semaphore(%run_scoped3A : memref<!tpu.dma_semaphore, #tpu.memory_space<semaphore_mem>>) src(%arg10 : memref<128x48xf32, #tpu.memory_space<vmem>>) dst(%dma_wait3A_35 : memref<128x48xf32, #tpu.memory_space<hbm>>)
        tpu.yield
      }) : () -> ()
    }
    %scan3A_5 = arith.constant 8 : i32
    %scan3A_6 = arith.constant 0 : i32
    %scan3A_7 = arith.constant 0 : i32
    %scan3A_8 = arith.constant 12 : i32
    %scan3A_9 = arith.addi %scan3A_7, %scan3A_8 : i32
    %scan3A_10 = arith.constant 1 : i32
    scf.for %scan3A_12 = %scan3A_7 to %scan3A_9 step %scan3A_10  : i32 {
      %dma_start3A = arith.constant 0 : i32
      %dma_start3A_13 = tpu.memref_slice %arg9[%scan3A_12, %dma_start3A] : memref<12x128xi32, #tpu.memory_space<vmem>> -> memref<1x128xi32, #tpu.memory_space<vmem>>
      %dma_start3A_14 = tpu.memref_squeeze %dma_start3A_13 : memref<1x128xi32, #tpu.memory_space<vmem>> -> memref<128xi32, #tpu.memory_space<vmem>>
      %dma_start3A_15 = arith.constant 0 : i32
      %dma_start3A_16 = arith.constant 0 : i32
      %dma_start3A_17 = tpu.memref_slice %arg3[%dma_start3A_15, %dma_start3A_16] : memref<393216x32xf32, #tpu.memory_space<hbm>> -> memref<393216x32xf32, #tpu.memory_space<hbm>>
      tpu.enqueue_indirect_dma source(%dma_start3A_17 : memref<393216x32xf32, #tpu.memory_space<hbm>>) target(%arg11 : memref<128x32xf32, #tpu.memory_space<vmem>>) offsets(%dma_start3A_14 : memref<128xi32, #tpu.memory_space<vmem>>) semaphore(%arg12 : memref<!tpu.dma_semaphore, #tpu.memory_space<semaphore_mem>>)
      %dma_wait3A = arith.constant 0 : i32
      %dma_wait3A_18 = tpu.memref_slice %arg9[%scan3A_12, %dma_wait3A] : memref<12x128xi32, #tpu.memory_space<vmem>> -> memref<1x128xi32, #tpu.memory_space<vmem>>
      %dma_wait3A_19 = tpu.memref_squeeze %dma_wait3A_18 : memref<1x128xi32, #tpu.memory_space<vmem>> -> memref<128xi32, #tpu.memory_space<vmem>>
      %dma_wait3A_20 = arith.constant 0 : i32
      %dma_wait3A_21 = arith.constant 0 : i32
      %dma_wait3A_22 = tpu.memref_slice %arg3[%dma_wait3A_20, %dma_wait3A_21] : memref<393216x32xf32, #tpu.memory_space<hbm>> -> memref<393216x32xf32, #tpu.memory_space<hbm>>
      tpu.wait_indirect_dma semaphore(%arg12 : memref<!tpu.dma_semaphore, #tpu.memory_space<semaphore_mem>>) src(%dma_wait3A_22 : memref<393216x32xf32, #tpu.memory_space<hbm>>) dst(%arg11 : memref<128x32xf32, #tpu.memory_space<vmem>>)
      %mul3A_23 = arith.constant 1536 : i32
      %mul3A_24 = arith.muli %add3A, %mul3A_23 : i32
      %mul3A_25 = arith.constant 128 : i32
      %mul3A_26 = arith.muli %scan3A_12, %mul3A_25 : i32
      %add3A_27 = arith.addi %mul3A_24, %mul3A_26 : i32
      "tpu.region"() ({
        %run_scoped3A = tpu.sem_alloc : memref<!tpu.dma_semaphore, #tpu.memory_space<semaphore_mem>>
        %dma_start3A_28 = arith.constant 0 : i32
        %dma_start3A_29 = tpu.memref_slice %arg7[%add3A_27, %dma_start3A_28] : memref<49152x32xf32, #tpu.memory_space<hbm>> -> memref<128x32xf32, #tpu.memory_space<hbm>>
        %dma_start3A_30 = arith.constant 0 : i32
        %dma_start3A_31 = tpu.memref_slice %arg7[%add3A_27, %dma_start3A_30] : memref<49152x32xf32, #tpu.memory_space<hbm>> -> memref<128x32xf32, #tpu.memory_space<hbm>>
        tpu.enqueue_dma source(%arg11 : memref<128x32xf32, #tpu.memory_space<vmem>>) target(%dma_start3A_31 : memref<128x32xf32, #tpu.memory_space<hbm>>) target_semaphore(%run_scoped3A : memref<!tpu.dma_semaphore, #tpu.memory_space<semaphore_mem>>)
        %dma_wait3A_32 = arith.constant 0 : i32
        %dma_wait3A_33 = tpu.memref_slice %arg7[%add3A_27, %dma_wait3A_32] : memref<49152x32xf32, #tpu.memory_space<hbm>> -> memref<128x32xf32, #tpu.memory_space<hbm>>
        %dma_wait3A_34 = arith.constant 0 : i32
        %dma_wait3A_35 = tpu.memref_slice %arg7[%add3A_27, %dma_wait3A_34] : memref<49152x32xf32, #tpu.memory_space<hbm>> -> memref<128x32xf32, #tpu.memory_space<hbm>>
        tpu.wait_dma2 semaphore(%run_scoped3A : memref<!tpu.dma_semaphore, #tpu.memory_space<semaphore_mem>>) src(%arg11 : memref<128x32xf32, #tpu.memory_space<vmem>>) dst(%dma_wait3A_35 : memref<128x32xf32, #tpu.memory_space<hbm>>)
        tpu.yield
      }) : () -> ()
    }
    %scan3A_11 = arith.constant 12 : i32
    return
  }
}

#map = affine_map<(d0, d1) -> (0, 0)>
#map1 = affine_map<(d0, d1) -> (0, 0, 0)>
module attributes {stable_mosaic.version = 14 : i64} {
  func.func @gk(%arg0: i32, %arg1: i32, %arg2: memref<8192x48xf32, #tpu.memory_space<hbm>>, %arg3: memref<393216x32xf32, #tpu.memory_space<hbm>>, %arg4: memref<32x8x128xi32, #tpu.memory_space<hbm>>, %arg5: memref<32x12x128xi32, #tpu.memory_space<hbm>>, %arg6: memref<32768x48xf32, #tpu.memory_space<hbm>>, %arg7: memref<49152x32xf32, #tpu.memory_space<hbm>>, %arg8: memref<8x128xi32, #tpu.memory_space<vmem>>, %arg9: memref<12x128xi32, #tpu.memory_space<vmem>>, %arg10: memref<128x48xf32, #tpu.memory_space<vmem>>, %arg11: memref<128x32xf32, #tpu.memory_space<vmem>>, %arg12: memref<!tpu.dma_semaphore, #tpu.memory_space<semaphore_mem>>) attributes {dimension_semantics = [#tpu.dimension_semantics<core_parallel>, #tpu.dimension_semantics<subcore_parallel>], iteration_bounds = array<i64: 2, 16>, scalar_prefetch = 0 : i64, scratch_operands = 5 : i64, tpu.core_type = #tpu.core_type<sc_vector_subcore>, window_params = [{transform_indices = #map}, {transform_indices = #map}, {transform_indices = #map1}, {transform_indices = #map1}, {transform_indices = #map}, {transform_indices = #map}]} {
    %mul3A = arith.constant 2 : i32
    %mul3A_0 = arith.muli %arg1, %mul3A : i32
    %add3A = arith.addi %mul3A_0, %arg0 : i32
    "tpu.region"() ({
      %run_scoped3A = tpu.sem_alloc : memref<!tpu.dma_semaphore, #tpu.memory_space<semaphore_mem>>
      %dma_start3A = arith.constant 0 : i32
      %dma_start3A_12 = arith.constant 0 : i32
      %dma_start3A_13 = tpu.memref_slice %arg4[%add3A, %dma_start3A, %dma_start3A_12] : memref<32x8x128xi32, #tpu.memory_space<hbm>> -> memref<1x8x128xi32, #tpu.memory_space<hbm>>
      %dma_start3A_14 = tpu.memref_squeeze %dma_start3A_13 : memref<1x8x128xi32, #tpu.memory_space<hbm>> -> memref<8x128xi32, #tpu.memory_space<hbm>>
      %dma_start3A_15 = arith.constant 0 : i32
      %dma_start3A_16 = arith.constant 0 : i32
      %dma_start3A_17 = tpu.memref_slice %arg4[%add3A, %dma_start3A_15, %dma_start3A_16] : memref<32x8x128xi32, #tpu.memory_space<hbm>> -> memref<1x8x128xi32, #tpu.memory_space<hbm>>
      %dma_start3A_18 = tpu.memref_squeeze %dma_start3A_17 : memref<1x8x128xi32, #tpu.memory_space<hbm>> -> memref<8x128xi32, #tpu.memory_space<hbm>>
      tpu.enqueue_dma source(%dma_start3A_18 : memref<8x128xi32, #tpu.memory_space<hbm>>) target(%arg8 : memref<8x128xi32, #tpu.memory_space<vmem>>) target_semaphore(%run_scoped3A : memref<!tpu.dma_semaphore, #tpu.memory_space<semaphore_mem>>)
      %dma_wait3A = arith.constant 0 : i32
      %dma_wait3A_19 = arith.constant 0 : i32
      %dma_wait3A_20 = tpu.memref_slice %arg4[%add3A, %dma_wait3A, %dma_wait3A_19] : memref<32x8x128xi32, #tpu.memory_space<hbm>> -> memref<1x8x128xi32, #tpu.memory_space<hbm>>
      %dma_wait3A_21 = tpu.memref_squeeze %dma_wait3A_20 : memref<1x8x128xi32, #tpu.memory_space<hbm>> -> memref<8x128xi32, #tpu.memory_space<hbm>>
      %dma_wait3A_22 = arith.constant 0 : i32
      %dma_wait3A_23 = arith.constant 0 : i32
      %dma_wait3A_24 = tpu.memref_slice %arg4[%add3A, %dma_wait3A_22, %dma_wait3A_23] : memref<32x8x128xi32, #tpu.memory_space<hbm>> -> memref<1x8x128xi32, #tpu.memory_space<hbm>>
      %dma_wait3A_25 = tpu.memref_squeeze %dma_wait3A_24 : memref<1x8x128xi32, #tpu.memory_space<hbm>> -> memref<8x128xi32, #tpu.memory_space<hbm>>
      tpu.wait_dma2 semaphore(%run_scoped3A : memref<!tpu.dma_semaphore, #tpu.memory_space<semaphore_mem>>) src(%dma_wait3A_25 : memref<8x128xi32, #tpu.memory_space<hbm>>) dst(%arg8 : memref<8x128xi32, #tpu.memory_space<vmem>>)
      tpu.yield
    }) : () -> ()
    "tpu.region"() ({
      %run_scoped3A = tpu.sem_alloc : memref<!tpu.dma_semaphore, #tpu.memory_space<semaphore_mem>>
      %dma_start3A = arith.constant 0 : i32
      %dma_start3A_12 = arith.constant 0 : i32
      %dma_start3A_13 = tpu.memref_slice %arg5[%add3A, %dma_start3A, %dma_start3A_12] : memref<32x12x128xi32, #tpu.memory_space<hbm>> -> memref<1x12x128xi32, #tpu.memory_space<hbm>>
      %dma_start3A_14 = tpu.memref_squeeze %dma_start3A_13 : memref<1x12x128xi32, #tpu.memory_space<hbm>> -> memref<12x128xi32, #tpu.memory_space<hbm>>
      %dma_start3A_15 = arith.constant 0 : i32
      %dma_start3A_16 = arith.constant 0 : i32
      %dma_start3A_17 = tpu.memref_slice %arg5[%add3A, %dma_start3A_15, %dma_start3A_16] : memref<32x12x128xi32, #tpu.memory_space<hbm>> -> memref<1x12x128xi32, #tpu.memory_space<hbm>>
      %dma_start3A_18 = tpu.memref_squeeze %dma_start3A_17 : memref<1x12x128xi32, #tpu.memory_space<hbm>> -> memref<12x128xi32, #tpu.memory_space<hbm>>
      tpu.enqueue_dma source(%dma_start3A_18 : memref<12x128xi32, #tpu.memory_space<hbm>>) target(%arg9 : memref<12x128xi32, #tpu.memory_space<vmem>>) target_semaphore(%run_scoped3A : memref<!tpu.dma_semaphore, #tpu.memory_space<semaphore_mem>>)
      %dma_wait3A = arith.constant 0 : i32
      %dma_wait3A_19 = arith.constant 0 : i32
      %dma_wait3A_20 = tpu.memref_slice %arg5[%add3A, %dma_wait3A, %dma_wait3A_19] : memref<32x12x128xi32, #tpu.memory_space<hbm>> -> memref<1x12x128xi32, #tpu.memory_space<hbm>>
      %dma_wait3A_21 = tpu.memref_squeeze %dma_wait3A_20 : memref<1x12x128xi32, #tpu.memory_space<hbm>> -> memref<12x128xi32, #tpu.memory_space<hbm>>
      %dma_wait3A_22 = arith.constant 0 : i32
      %dma_wait3A_23 = arith.constant 0 : i32
      %dma_wait3A_24 = tpu.memref_slice %arg5[%add3A, %dma_wait3A_22, %dma_wait3A_23] : memref<32x12x128xi32, #tpu.memory_space<hbm>> -> memref<1x12x128xi32, #tpu.memory_space<hbm>>
      %dma_wait3A_25 = tpu.memref_squeeze %dma_wait3A_24 : memref<1x12x128xi32, #tpu.memory_space<hbm>> -> memref<12x128xi32, #tpu.memory_space<hbm>>
      tpu.wait_dma2 semaphore(%run_scoped3A : memref<!tpu.dma_semaphore, #tpu.memory_space<semaphore_mem>>) src(%dma_wait3A_25 : memref<12x128xi32, #tpu.memory_space<hbm>>) dst(%arg9 : memref<12x128xi32, #tpu.memory_space<vmem>>)
      tpu.yield
    }) : () -> ()
    %scan3A = arith.constant 0 : i32
    %scan3A_1 = arith.constant 0 : i32
    %scan3A_2 = arith.constant 8 : i32
    %scan3A_3 = arith.addi %scan3A_1, %scan3A_2 : i32
    %scan3A_4 = arith.constant 1 : i32
    scf.for %scan3A_12 = %scan3A_1 to %scan3A_3 step %scan3A_4  : i32 {
      %dma_start3A = arith.constant 0 : i32
      %dma_start3A_13 = tpu.memref_slice %arg8[%scan3A_12, %dma_start3A] : memref<8x128xi32, #tpu.memory_space<vmem>> -> memref<1x128xi32, #tpu.memory_space<vmem>>
      %dma_start3A_14 = tpu.memref_squeeze %dma_start3A_13 : memref<1x128xi32, #tpu.memory_space<vmem>> -> memref<128xi32, #tpu.memory_space<vmem>>
      %dma_start3A_15 = arith.constant 0 : i32
      %dma_start3A_16 = arith.constant 0 : i32
      %dma_start3A_17 = tpu.memref_slice %arg2[%dma_start3A_15, %dma_start3A_16] : memref<8192x48xf32, #tpu.memory_space<hbm>> -> memref<8192x48xf32, #tpu.memory_space<hbm>>
      tpu.enqueue_indirect_dma source(%dma_start3A_17 : memref<8192x48xf32, #tpu.memory_space<hbm>>) target(%arg10 : memref<128x48xf32, #tpu.memory_space<vmem>>) offsets(%dma_start3A_14 : memref<128xi32, #tpu.memory_space<vmem>>) semaphore(%arg12 : memref<!tpu.dma_semaphore, #tpu.memory_space<semaphore_mem>>)
      %dma_wait3A = arith.constant 0 : i32
      %dma_wait3A_18 = tpu.memref_slice %arg8[%scan3A_12, %dma_wait3A] : memref<8x128xi32, #tpu.memory_space<vmem>> -> memref<1x128xi32, #tpu.memory_space<vmem>>
      %dma_wait3A_19 = tpu.memref_squeeze %dma_wait3A_18 : memref<1x128xi32, #tpu.memory_space<vmem>> -> memref<128xi32, #tpu.memory_space<vmem>>
      %dma_wait3A_20 = arith.constant 0 : i32
      %dma_wait3A_21 = arith.constant 0 : i32
      %dma_wait3A_22 = tpu.memref_slice %arg2[%dma_wait3A_20, %dma_wait3A_21] : memref<8192x48xf32, #tpu.memory_space<hbm>> -> memref<8192x48xf32, #tpu.memory_space<hbm>>
      tpu.wait_indirect_dma semaphore(%arg12 : memref<!tpu.dma_semaphore, #tpu.memory_space<semaphore_mem>>) src(%dma_wait3A_22 : memref<8192x48xf32, #tpu.memory_space<hbm>>) dst(%arg10 : memref<128x48xf32, #tpu.memory_space<vmem>>)
      %mul3A_23 = arith.constant 1024 : i32
      %mul3A_24 = arith.muli %add3A, %mul3A_23 : i32
      %mul3A_25 = arith.constant 128 : i32
      %mul3A_26 = arith.muli %scan3A_12, %mul3A_25 : i32
      %add3A_27 = arith.addi %mul3A_24, %mul3A_26 : i32
      "tpu.region"() ({
        %run_scoped3A = tpu.sem_alloc : memref<!tpu.dma_semaphore, #tpu.memory_space<semaphore_mem>>
        %dma_start3A_28 = arith.constant 0 : i32
        %dma_start3A_29 = tpu.memref_slice %arg6[%add3A_27, %dma_start3A_28] : memref<32768x48xf32, #tpu.memory_space<hbm>> -> memref<128x48xf32, #tpu.memory_space<hbm>>
        %dma_start3A_30 = arith.constant 0 : i32
        %dma_start3A_31 = tpu.memref_slice %arg6[%add3A_27, %dma_start3A_30] : memref<32768x48xf32, #tpu.memory_space<hbm>> -> memref<128x48xf32, #tpu.memory_space<hbm>>
        tpu.enqueue_dma source(%arg10 : memref<128x48xf32, #tpu.memory_space<vmem>>) target(%dma_start3A_31 : memref<128x48xf32, #tpu.memory_space<hbm>>) target_semaphore(%run_scoped3A : memref<!tpu.dma_semaphore, #tpu.memory_space<semaphore_mem>>)
        %dma_wait3A_32 = arith.constant 0 : i32
        %dma_wait3A_33 = tpu.memref_slice %arg6[%add3A_27, %dma_wait3A_32] : memref<32768x48xf32, #tpu.memory_space<hbm>> -> memref<128x48xf32, #tpu.memory_space<hbm>>
        %dma_wait3A_34 = arith.constant 0 : i32
        %dma_wait3A_35 = tpu.memref_slice %arg6[%add3A_27, %dma_wait3A_34] : memref<32768x48xf32, #tpu.memory_space<hbm>> -> memref<128x48xf32, #tpu.memory_space<hbm>>
        tpu.wait_dma2 semaphore(%run_scoped3A : memref<!tpu.dma_semaphore, #tpu.memory_space<semaphore_mem>>) src(%arg10 : memref<128x48xf32, #tpu.memory_space<vmem>>) dst(%dma_wait3A_35 : memref<128x48xf32, #tpu.memory_space<hbm>>)
        tpu.yield
      }) : () -> ()
    }
    %scan3A_5 = arith.constant 8 : i32
    %scan3A_6 = arith.constant 0 : i32
    %scan3A_7 = arith.constant 0 : i32
    %scan3A_8 = arith.constant 12 : i32
    %scan3A_9 = arith.addi %scan3A_7, %scan3A_8 : i32
    %scan3A_10 = arith.constant 1 : i32
    scf.for %scan3A_12 = %scan3A_7 to %scan3A_9 step %scan3A_10  : i32 {
      %dma_start3A = arith.constant 0 : i32
      %dma_start3A_13 = tpu.memref_slice %arg9[%scan3A_12, %dma_start3A] : memref<12x128xi32, #tpu.memory_space<vmem>> -> memref<1x128xi32, #tpu.memory_space<vmem>>
      %dma_start3A_14 = tpu.memref_squeeze %dma_start3A_13 : memref<1x128xi32, #tpu.memory_space<vmem>> -> memref<128xi32, #tpu.memory_space<vmem>>
      %dma_start3A_15 = arith.constant 0 : i32
      %dma_start3A_16 = arith.constant 0 : i32
      %dma_start3A_17 = tpu.memref_slice %arg3[%dma_start3A_15, %dma_start3A_16] : memref<393216x32xf32, #tpu.memory_space<hbm>> -> memref<393216x32xf32, #tpu.memory_space<hbm>>
      tpu.enqueue_indirect_dma source(%dma_start3A_17 : memref<393216x32xf32, #tpu.memory_space<hbm>>) target(%arg11 : memref<128x32xf32, #tpu.memory_space<vmem>>) offsets(%dma_start3A_14 : memref<128xi32, #tpu.memory_space<vmem>>) semaphore(%arg12 : memref<!tpu.dma_semaphore, #tpu.memory_space<semaphore_mem>>)
      %dma_wait3A = arith.constant 0 : i32
      %dma_wait3A_18 = tpu.memref_slice %arg9[%scan3A_12, %dma_wait3A] : memref<12x128xi32, #tpu.memory_space<vmem>> -> memref<1x128xi32, #tpu.memory_space<vmem>>
      %dma_wait3A_19 = tpu.memref_squeeze %dma_wait3A_18 : memref<1x128xi32, #tpu.memory_space<vmem>> -> memref<128xi32, #tpu.memory_space<vmem>>
      %dma_wait3A_20 = arith.constant 0 : i32
      %dma_wait3A_21 = arith.constant 0 : i32
      %dma_wait3A_22 = tpu.memref_slice %arg3[%dma_wait3A_20, %dma_wait3A_21] : memref<393216x32xf32, #tpu.memory_space<hbm>> -> memref<393216x32xf32, #tpu.memory_space<hbm>>
      tpu.wait_indirect_dma semaphore(%arg12 : memref<!tpu.dma_semaphore, #tpu.memory_space<semaphore_mem>>) src(%dma_wait3A_22 : memref<393216x32xf32, #tpu.memory_space<hbm>>) dst(%arg11 : memref<128x32xf32, #tpu.memory_space<vmem>>)
      %mul3A_23 = arith.constant 1536 : i32
      %mul3A_24 = arith.muli %add3A, %mul3A_23 : i32
      %mul3A_25 = arith.constant 128 : i32
      %mul3A_26 = arith.muli %scan3A_12, %mul3A_25 : i32
      %add3A_27 = arith.addi %mul3A_24, %mul3A_26 : i32
      "tpu.region"() ({
        %run_scoped3A = tpu.sem_alloc : memref<!tpu.dma_semaphore, #tpu.memory_space<semaphore_mem>>
        %dma_start3A_28 = arith.constant 0 : i32
        %dma_start3A_29 = tpu.memref_slice %arg7[%add3A_27, %dma_start3A_28] : memref<49152x32xf32, #tpu.memory_space<hbm>> -> memref<128x32xf32, #tpu.memory_space<hbm>>
        %dma_start3A_30 = arith.constant 0 : i32
        %dma_start3A_31 = tpu.memref_slice %arg7[%add3A_27, %dma_start3A_30] : memref<49152x32xf32, #tpu.memory_space<hbm>> -> memref<128x32xf32, #tpu.memory_space<hbm>>
        tpu.enqueue_dma source(%arg11 : memref<128x32xf32, #tpu.memory_space<vmem>>) target(%dma_start3A_31 : memref<128x32xf32, #tpu.memory_space<hbm>>) target_semaphore(%run_scoped3A : memref<!tpu.dma_semaphore, #tpu.memory_space<semaphore_mem>>)
        %dma_wait3A_32 = arith.constant 0 : i32
        %dma_wait3A_33 = tpu.memref_slice %arg7[%add3A_27, %dma_wait3A_32] : memref<49152x32xf32, #tpu.memory_space<hbm>> -> memref<128x32xf32, #tpu.memory_space<hbm>>
        %dma_wait3A_34 = arith.constant 0 : i32
        %dma_wait3A_35 = tpu.memref_slice %arg7[%add3A_27, %dma_wait3A_34] : memref<49152x32xf32, #tpu.memory_space<hbm>> -> memref<128x32xf32, #tpu.memory_space<hbm>>
        tpu.wait_dma2 semaphore(%run_scoped3A : memref<!tpu.dma_semaphore, #tpu.memory_space<semaphore_mem>>) src(%arg11 : memref<128x32xf32, #tpu.memory_space<vmem>>) dst(%dma_wait3A_35 : memref<128x32xf32, #tpu.memory_space<hbm>>)
        tpu.yield
      }) : () -> ()
    }
    %scan3A_11 = arith.constant 12 : i32
    return
  }
}

module attributes {stable_mosaic.version = 14 : i64} {
  func.func @_knn_body(%arg0: i32, %arg1: i32, %arg2: memref<1x512x3xf32, #tpu.memory_space<vmem>>, %arg3: memref<1x3x4096xf32, #tpu.memory_space<vmem>>, %arg4: memref<1x512x8xf32, #tpu.memory_space<vmem>>, %arg5: memref<1x512x8xi32, #tpu.memory_space<vmem>>, %arg6: memref<1x1x8xf32, #tpu.memory_space<vmem>>, %arg7: memref<1x512x12xi32, #tpu.memory_space<vmem>>) attributes {dimension_semantics = [#tpu.dimension_semantics<arbitrary>, #tpu.dimension_semantics<arbitrary>], iteration_bounds = array<i64: 1, 8>, scalar_prefetch = 0 : i64, scratch_operands = 0 : i64, tpu.core_type = #tpu.core_type<tc>, window_params = [{transform_indices = @transform_0, window_bounds = array<i64: 1, 512, 3>}, {transform_indices = @transform_1, window_bounds = array<i64: 1, 3, 4096>}, {transform_indices = @transform_2, window_bounds = array<i64: 1, 512, 8>}, {transform_indices = @transform_3, window_bounds = array<i64: 1, 512, 8>}, {transform_indices = @transform_4, window_bounds = array<i64: 1, 1, 8>}, {transform_indices = @transform_5, window_bounds = array<i64: 1, 512, 12>}]} {
    %add3A = arith.constant 0 : i32
    %add3A_0 = arith.addi %add3A, %arg0 : i32
    %get3A = arith.constant 0 : index
    %get3A_1 = arith.constant 0 : index
    %get3A_2 = arith.constant 0 : index
    %get3A_3 = vector.load %arg2[%get3A, %get3A_1, %get3A_2] : memref<1x512x3xf32, #tpu.memory_space<vmem>>, vector<1x512x3xf32>
    %get3A_4 = vector.shape_cast %get3A_3 : vector<1x512x3xf32> to vector<512x3xf32>
    %jit3A = arith.constant -9.990000e-01 : f32
    %jit3A_5 = arith.constant 9.990000e-01 : f32
    %max3A = vector.broadcast %jit3A : f32 to vector<512x3xf32>
    %max3A_6 = arith.maximumf %max3A, %get3A_4 : vector<512x3xf32>
    %min3A = vector.broadcast %jit3A_5 : f32 to vector<512x3xf32>
    %min3A_7 = arith.minimumf %min3A, %max3A_6 : vector<512x3xf32>
    %get3A_8 = arith.constant 0 : index
    %get3A_9 = arith.constant 0 : index
    %get3A_10 = arith.constant 0 : index
    %get3A_11 = vector.load %arg3[%get3A_8, %get3A_9, %get3A_10] : memref<1x3x4096xf32, #tpu.memory_space<vmem>>, vector<1x3x4096xf32>
    %get3A_12 = vector.shape_cast %get3A_11 : vector<1x3x4096xf32> to vector<3x4096xf32>
    %broadcast_in_dim3A = arith.constant 0.000000e+00 : f32
    %broadcast_in_dim3A_13 = vector.broadcast %broadcast_in_dim3A : f32 to vector<512x4096xf32>
    %slice3A = vector.extract_strided_slice %min3A_7 {offsets = [0, 0], sizes = [512, 1], strides = [1, 1]} : vector<512x3xf32> to vector<512x1xf32>
    %slice3A_14 = vector.extract_strided_slice %get3A_12 {offsets = [0, 0], sizes = [1, 4096], strides = [1, 1]} : vector<3x4096xf32> to vector<1x4096xf32>
    %sub3A = vector.broadcast %slice3A : vector<512x1xf32> to vector<512x4096xf32>
    %sub3A_15 = vector.broadcast %slice3A_14 : vector<1x4096xf32> to vector<512x4096xf32>
    %sub3A_16 = arith.subf %sub3A, %sub3A_15 : vector<512x4096xf32>
    %mul3A = arith.mulf %sub3A_16, %sub3A_16 : vector<512x4096xf32>
    %add3A_17 = arith.addf %broadcast_in_dim3A_13, %mul3A : vector<512x4096xf32>
    %slice3A_18 = vector.extract_strided_slice %min3A_7 {offsets = [0, 1], sizes = [512, 1], strides = [1, 1]} : vector<512x3xf32> to vector<512x1xf32>
    %slice3A_19 = vector.extract_strided_slice %get3A_12 {offsets = [1, 0], sizes = [1, 4096], strides = [1, 1]} : vector<3x4096xf32> to vector<1x4096xf32>
    %sub3A_20 = vector.broadcast %slice3A_18 : vector<512x1xf32> to vector<512x4096xf32>
    %sub3A_21 = vector.broadcast %slice3A_19 : vector<1x4096xf32> to vector<512x4096xf32>
    %sub3A_22 = arith.subf %sub3A_20, %sub3A_21 : vector<512x4096xf32>
    %mul3A_23 = arith.mulf %sub3A_22, %sub3A_22 : vector<512x4096xf32>
    %add3A_24 = arith.addf %add3A_17, %mul3A_23 : vector<512x4096xf32>
    %slice3A_25 = vector.extract_strided_slice %min3A_7 {offsets = [0, 2], sizes = [512, 1], strides = [1, 1]} : vector<512x3xf32> to vector<512x1xf32>
    %slice3A_26 = vector.extract_strided_slice %get3A_12 {offsets = [2, 0], sizes = [1, 4096], strides = [1, 1]} : vector<3x4096xf32> to vector<1x4096xf32>
    %sub3A_27 = vector.broadcast %slice3A_25 : vector<512x1xf32> to vector<512x4096xf32>
    %sub3A_28 = vector.broadcast %slice3A_26 : vector<1x4096xf32> to vector<512x4096xf32>
    %sub3A_29 = arith.subf %sub3A_27, %sub3A_28 : vector<512x4096xf32>
    %mul3A_30 = arith.mulf %sub3A_29, %sub3A_29 : vector<512x4096xf32>
    %add3A_31 = arith.addf %add3A_24, %mul3A_30 : vector<512x4096xf32>
    %iota3A = tpu.iota {dimensions = array<i32: 1>} : vector<512x4096xi32>
    %convert_element_type3A = arith.sitofp %iota3A : vector<512x4096xi32> to vector<512x4096xf32>
    %reduce_min3A = arith.constant dense<0x7F800000> : vector<512xf32>
    %reduce_min3A_32 = vector.multi_reduction <minimumf>, %add3A_31, %reduce_min3A [1] : vector<512x4096xf32> to vector<512xf32>
    %broadcast_in_dim3A_33 = vector.shape_cast %reduce_min3A_32 : vector<512xf32> to vector<512x1xf32>
    %eq3A = vector.broadcast %broadcast_in_dim3A_33 : vector<512x1xf32> to vector<512x4096xf32>
    %eq3A_34 = arith.cmpf oeq, %add3A_31, %eq3A : vector<512x4096xf32>
    %jit3A_35 = arith.constant 4.096000e+03 : f32
    %broadcast_in_dim3A_36 = vector.broadcast %jit3A_35 : f32 to vector<512x4096xf32>
    %select_n3A = arith.select %eq3A_34, %convert_element_type3A, %broadcast_in_dim3A_36 : vector<512x4096xi1>, vector<512x4096xf32>
    %reduce_min3A_37 = arith.constant dense<0x7F800000> : vector<512xf32>
    %reduce_min3A_38 = vector.multi_reduction <minimumf>, %select_n3A, %reduce_min3A_37 [1] : vector<512x4096xf32> to vector<512xf32>
    %broadcast_in_dim3A_39 = vector.shape_cast %reduce_min3A_38 : vector<512xf32> to vector<512x1xf32>
    %convert_element_type3A_40 = arith.fptosi %broadcast_in_dim3A_39 : vector<512x1xf32> to vector<512x1xi32>
    %eq3A_41 = vector.broadcast %broadcast_in_dim3A_39 : vector<512x1xf32> to vector<512x4096xf32>
    %eq3A_42 = arith.cmpf oeq, %convert_element_type3A, %eq3A_41 : vector<512x4096xf32>
    %jit3A_43 = arith.constant 0x7F800000 : f32
    %broadcast_in_dim3A_44 = vector.broadcast %jit3A_43 : f32 to vector<512x4096xf32>
    %select_n3A_45 = arith.select %eq3A_42, %broadcast_in_dim3A_44, %add3A_31 : vector<512x4096xi1>, vector<512x4096xf32>
    %reduce_min3A_46 = arith.constant dense<0x7F800000> : vector<512xf32>
    %reduce_min3A_47 = vector.multi_reduction <minimumf>, %select_n3A_45, %reduce_min3A_46 [1] : vector<512x4096xf32> to vector<512xf32>
    %broadcast_in_dim3A_48 = vector.shape_cast %reduce_min3A_47 : vector<512xf32> to vector<512x1xf32>
    %eq3A_49 = vector.broadcast %broadcast_in_dim3A_48 : vector<512x1xf32> to vector<512x4096xf32>
    %eq3A_50 = arith.cmpf oeq, %select_n3A_45, %eq3A_49 : vector<512x4096xf32>
    %jit3A_51 = arith.constant 4.096000e+03 : f32
    %broadcast_in_dim3A_52 = vector.broadcast %jit3A_51 : f32 to vector<512x4096xf32>
    %select_n3A_53 = arith.select %eq3A_50, %convert_element_type3A, %broadcast_in_dim3A_52 : vector<512x4096xi1>, vector<512x4096xf32>
    %reduce_min3A_54 = arith.constant dense<0x7F800000> : vector<512xf32>
    %reduce_min3A_55 = vector.multi_reduction <minimumf>, %select_n3A_53, %reduce_min3A_54 [1] : vector<512x4096xf32> to vector<512xf32>
    %broadcast_in_dim3A_56 = vector.shape_cast %reduce_min3A_55 : vector<512xf32> to vector<512x1xf32>
    %convert_element_type3A_57 = arith.fptosi %broadcast_in_dim3A_56 : vector<512x1xf32> to vector<512x1xi32>
    %eq3A_58 = vector.broadcast %broadcast_in_dim3A_56 : vector<512x1xf32> to vector<512x4096xf32>
    %eq3A_59 = arith.cmpf oeq, %convert_element_type3A, %eq3A_58 : vector<512x4096xf32>
    %jit3A_60 = arith.constant 0x7F800000 : f32
    %broadcast_in_dim3A_61 = vector.broadcast %jit3A_60 : f32 to vector<512x4096xf32>
    %select_n3A_62 = arith.select %eq3A_59, %broadcast_in_dim3A_61, %select_n3A_45 : vector<512x4096xi1>, vector<512x4096xf32>
    %reduce_min3A_63 = arith.constant dense<0x7F800000> : vector<512xf32>
    %reduce_min3A_64 = vector.multi_reduction <minimumf>, %select_n3A_62, %reduce_min3A_63 [1] : vector<512x4096xf32> to vector<512xf32>
    %broadcast_in_dim3A_65 = vector.shape_cast %reduce_min3A_64 : vector<512xf32> to vector<512x1xf32>
    %eq3A_66 = vector.broadcast %broadcast_in_dim3A_65 : vector<512x1xf32> to vector<512x4096xf32>
    %eq3A_67 = arith.cmpf oeq, %select_n3A_62, %eq3A_66 : vector<512x4096xf32>
    %jit3A_68 = arith.constant 4.096000e+03 : f32
    %broadcast_in_dim3A_69 = vector.broadcast %jit3A_68 : f32 to vector<512x4096xf32>
    %select_n3A_70 = arith.select %eq3A_67, %convert_element_type3A, %broadcast_in_dim3A_69 : vector<512x4096xi1>, vector<512x4096xf32>
    %reduce_min3A_71 = arith.constant dense<0x7F800000> : vector<512xf32>
    %reduce_min3A_72 = vector.multi_reduction <minimumf>, %select_n3A_70, %reduce_min3A_71 [1] : vector<512x4096xf32> to vector<512xf32>
    %broadcast_in_dim3A_73 = vector.shape_cast %reduce_min3A_72 : vector<512xf32> to vector<512x1xf32>
    %convert_element_type3A_74 = arith.fptosi %broadcast_in_dim3A_73 : vector<512x1xf32> to vector<512x1xi32>
    %eq3A_75 = vector.broadcast %broadcast_in_dim3A_73 : vector<512x1xf32> to vector<512x4096xf32>
    %eq3A_76 = arith.cmpf oeq, %convert_element_type3A, %eq3A_75 : vector<512x4096xf32>
    %jit3A_77 = arith.constant 0x7F800000 : f32
    %broadcast_in_dim3A_78 = vector.broadcast %jit3A_77 : f32 to vector<512x4096xf32>
    %select_n3A_79 = arith.select %eq3A_76, %broadcast_in_dim3A_78, %select_n3A_62 : vector<512x4096xi1>, vector<512x4096xf32>
    %reduce_min3A_80 = arith.constant dense<0x7F800000> : vector<512xf32>
    %reduce_min3A_81 = vector.multi_reduction <minimumf>, %select_n3A_79, %reduce_min3A_80 [1] : vector<512x4096xf32> to vector<512xf32>
    %broadcast_in_dim3A_82 = vector.shape_cast %reduce_min3A_81 : vector<512xf32> to vector<512x1xf32>
    %eq3A_83 = vector.broadcast %broadcast_in_dim3A_82 : vector<512x1xf32> to vector<512x4096xf32>
    %eq3A_84 = arith.cmpf oeq, %select_n3A_79, %eq3A_83 : vector<512x4096xf32>
    %jit3A_85 = arith.constant 4.096000e+03 : f32
    %broadcast_in_dim3A_86 = vector.broadcast %jit3A_85 : f32 to vector<512x4096xf32>
    %select_n3A_87 = arith.select %eq3A_84, %convert_element_type3A, %broadcast_in_dim3A_86 : vector<512x4096xi1>, vector<512x4096xf32>
    %reduce_min3A_88 = arith.constant dense<0x7F800000> : vector<512xf32>
    %reduce_min3A_89 = vector.multi_reduction <minimumf>, %select_n3A_87, %reduce_min3A_88 [1] : vector<512x4096xf32> to vector<512xf32>
    %broadcast_in_dim3A_90 = vector.shape_cast %reduce_min3A_89 : vector<512xf32> to vector<512x1xf32>
    %convert_element_type3A_91 = arith.fptosi %broadcast_in_dim3A_90 : vector<512x1xf32> to vector<512x1xi32>
    %eq3A_92 = vector.broadcast %broadcast_in_dim3A_90 : vector<512x1xf32> to vector<512x4096xf32>
    %eq3A_93 = arith.cmpf oeq, %convert_element_type3A, %eq3A_92 : vector<512x4096xf32>
    %jit3A_94 = arith.constant 0x7F800000 : f32
    %broadcast_in_dim3A_95 = vector.broadcast %jit3A_94 : f32 to vector<512x4096xf32>
    %select_n3A_96 = arith.select %eq3A_93, %broadcast_in_dim3A_95, %select_n3A_79 : vector<512x4096xi1>, vector<512x4096xf32>
    %reduce_min3A_97 = arith.constant dense<0x7F800000> : vector<512xf32>
    %reduce_min3A_98 = vector.multi_reduction <minimumf>, %select_n3A_96, %reduce_min3A_97 [1] : vector<512x4096xf32> to vector<512xf32>
    %broadcast_in_dim3A_99 = vector.shape_cast %reduce_min3A_98 : vector<512xf32> to vector<512x1xf32>
    %eq3A_100 = vector.broadcast %broadcast_in_dim3A_99 : vector<512x1xf32> to vector<512x4096xf32>
    %eq3A_101 = arith.cmpf oeq, %select_n3A_96, %eq3A_100 : vector<512x4096xf32>
    %jit3A_102 = arith.constant 4.096000e+03 : f32
    %broadcast_in_dim3A_103 = vector.broadcast %jit3A_102 : f32 to vector<512x4096xf32>
    %select_n3A_104 = arith.select %eq3A_101, %convert_element_type3A, %broadcast_in_dim3A_103 : vector<512x4096xi1>, vector<512x4096xf32>
    %reduce_min3A_105 = arith.constant dense<0x7F800000> : vector<512xf32>
    %reduce_min3A_106 = vector.multi_reduction <minimumf>, %select_n3A_104, %reduce_min3A_105 [1] : vector<512x4096xf32> to vector<512xf32>
    %broadcast_in_dim3A_107 = vector.shape_cast %reduce_min3A_106 : vector<512xf32> to vector<512x1xf32>
    %convert_element_type3A_108 = arith.fptosi %broadcast_in_dim3A_107 : vector<512x1xf32> to vector<512x1xi32>
    %eq3A_109 = vector.broadcast %broadcast_in_dim3A_107 : vector<512x1xf32> to vector<512x4096xf32>
    %eq3A_110 = arith.cmpf oeq, %convert_element_type3A, %eq3A_109 : vector<512x4096xf32>
    %jit3A_111 = arith.constant 0x7F800000 : f32
    %broadcast_in_dim3A_112 = vector.broadcast %jit3A_111 : f32 to vector<512x4096xf32>
    %select_n3A_113 = arith.select %eq3A_110, %broadcast_in_dim3A_112, %select_n3A_96 : vector<512x4096xi1>, vector<512x4096xf32>
    %reduce_min3A_114 = arith.constant dense<0x7F800000> : vector<512xf32>
    %reduce_min3A_115 = vector.multi_reduction <minimumf>, %select_n3A_113, %reduce_min3A_114 [1] : vector<512x4096xf32> to vector<512xf32>
    %broadcast_in_dim3A_116 = vector.shape_cast %reduce_min3A_115 : vector<512xf32> to vector<512x1xf32>
    %eq3A_117 = vector.broadcast %broadcast_in_dim3A_116 : vector<512x1xf32> to vector<512x4096xf32>
    %eq3A_118 = arith.cmpf oeq, %select_n3A_113, %eq3A_117 : vector<512x4096xf32>
    %jit3A_119 = arith.constant 4.096000e+03 : f32
    %broadcast_in_dim3A_120 = vector.broadcast %jit3A_119 : f32 to vector<512x4096xf32>
    %select_n3A_121 = arith.select %eq3A_118, %convert_element_type3A, %broadcast_in_dim3A_120 : vector<512x4096xi1>, vector<512x4096xf32>
    %reduce_min3A_122 = arith.constant dense<0x7F800000> : vector<512xf32>
    %reduce_min3A_123 = vector.multi_reduction <minimumf>, %select_n3A_121, %reduce_min3A_122 [1] : vector<512x4096xf32> to vector<512xf32>
    %broadcast_in_dim3A_124 = vector.shape_cast %reduce_min3A_123 : vector<512xf32> to vector<512x1xf32>
    %convert_element_type3A_125 = arith.fptosi %broadcast_in_dim3A_124 : vector<512x1xf32> to vector<512x1xi32>
    %eq3A_126 = vector.broadcast %broadcast_in_dim3A_124 : vector<512x1xf32> to vector<512x4096xf32>
    %eq3A_127 = arith.cmpf oeq, %convert_element_type3A, %eq3A_126 : vector<512x4096xf32>
    %jit3A_128 = arith.constant 0x7F800000 : f32
    %broadcast_in_dim3A_129 = vector.broadcast %jit3A_128 : f32 to vector<512x4096xf32>
    %select_n3A_130 = arith.select %eq3A_127, %broadcast_in_dim3A_129, %select_n3A_113 : vector<512x4096xi1>, vector<512x4096xf32>
    %reduce_min3A_131 = arith.constant dense<0x7F800000> : vector<512xf32>
    %reduce_min3A_132 = vector.multi_reduction <minimumf>, %select_n3A_130, %reduce_min3A_131 [1] : vector<512x4096xf32> to vector<512xf32>
    %broadcast_in_dim3A_133 = vector.shape_cast %reduce_min3A_132 : vector<512xf32> to vector<512x1xf32>
    %eq3A_134 = vector.broadcast %broadcast_in_dim3A_133 : vector<512x1xf32> to vector<512x4096xf32>
    %eq3A_135 = arith.cmpf oeq, %select_n3A_130, %eq3A_134 : vector<512x4096xf32>
    %jit3A_136 = arith.constant 4.096000e+03 : f32
    %broadcast_in_dim3A_137 = vector.broadcast %jit3A_136 : f32 to vector<512x4096xf32>
    %select_n3A_138 = arith.select %eq3A_135, %convert_element_type3A, %broadcast_in_dim3A_137 : vector<512x4096xi1>, vector<512x4096xf32>
    %reduce_min3A_139 = arith.constant dense<0x7F800000> : vector<512xf32>
    %reduce_min3A_140 = vector.multi_reduction <minimumf>, %select_n3A_138, %reduce_min3A_139 [1] : vector<512x4096xf32> to vector<512xf32>
    %broadcast_in_dim3A_141 = vector.shape_cast %reduce_min3A_140 : vector<512xf32> to vector<512x1xf32>
    %convert_element_type3A_142 = arith.fptosi %broadcast_in_dim3A_141 : vector<512x1xf32> to vector<512x1xi32>
    %eq3A_143 = vector.broadcast %broadcast_in_dim3A_141 : vector<512x1xf32> to vector<512x4096xf32>
    %eq3A_144 = arith.cmpf oeq, %convert_element_type3A, %eq3A_143 : vector<512x4096xf32>
    %jit3A_145 = arith.constant 0x7F800000 : f32
    %broadcast_in_dim3A_146 = vector.broadcast %jit3A_145 : f32 to vector<512x4096xf32>
    %select_n3A_147 = arith.select %eq3A_144, %broadcast_in_dim3A_146, %select_n3A_130 : vector<512x4096xi1>, vector<512x4096xf32>
    %reduce_min3A_148 = arith.constant dense<0x7F800000> : vector<512xf32>
    %reduce_min3A_149 = vector.multi_reduction <minimumf>, %select_n3A_147, %reduce_min3A_148 [1] : vector<512x4096xf32> to vector<512xf32>
    %broadcast_in_dim3A_150 = vector.shape_cast %reduce_min3A_149 : vector<512xf32> to vector<512x1xf32>
    %eq3A_151 = vector.broadcast %broadcast_in_dim3A_150 : vector<512x1xf32> to vector<512x4096xf32>
    %eq3A_152 = arith.cmpf oeq, %select_n3A_147, %eq3A_151 : vector<512x4096xf32>
    %jit3A_153 = arith.constant 4.096000e+03 : f32
    %broadcast_in_dim3A_154 = vector.broadcast %jit3A_153 : f32 to vector<512x4096xf32>
    %select_n3A_155 = arith.select %eq3A_152, %convert_element_type3A, %broadcast_in_dim3A_154 : vector<512x4096xi1>, vector<512x4096xf32>
    %reduce_min3A_156 = arith.constant dense<0x7F800000> : vector<512xf32>
    %reduce_min3A_157 = vector.multi_reduction <minimumf>, %select_n3A_155, %reduce_min3A_156 [1] : vector<512x4096xf32> to vector<512xf32>
    %broadcast_in_dim3A_158 = vector.shape_cast %reduce_min3A_157 : vector<512xf32> to vector<512x1xf32>
    %convert_element_type3A_159 = arith.fptosi %broadcast_in_dim3A_158 : vector<512x1xf32> to vector<512x1xi32>
    %concatenate3A = tpu.concatenate %broadcast_in_dim3A_33, %broadcast_in_dim3A_48, %broadcast_in_dim3A_65, %broadcast_in_dim3A_82, %broadcast_in_dim3A_99, %broadcast_in_dim3A_116, %broadcast_in_dim3A_133, %broadcast_in_dim3A_150 in 1 : vector<512x1xf32>, vector<512x1xf32>, vector<512x1xf32>, vector<512x1xf32>, vector<512x1xf32>, vector<512x1xf32>, vector<512x1xf32>, vector<512x1xf32> -> vector<512x8xf32>
    %swap3A = arith.constant 0 : index
    %swap3A_160 = arith.constant 0 : index
    %swap3A_161 = arith.constant 0 : index
    %swap3A_162 = vector.load %arg4[%swap3A, %swap3A_160, %swap3A_161] : memref<1x512x8xf32, #tpu.memory_space<vmem>>, vector<1x512x8xf32>
    %swap3A_163 = vector.shape_cast %swap3A_162 : vector<1x512x8xf32> to vector<512x8xf32>
    %swap3A_164 = vector.shape_cast %concatenate3A : vector<512x8xf32> to vector<1x512x8xf32>
    tpu.vector_store %arg4[%swap3A, %swap3A_160, %swap3A_161], %swap3A_164 {strides = array<i32>} : memref<1x512x8xf32, #tpu.memory_space<vmem>>, vector<1x512x8xf32>,
    %concatenate3A_165 = tpu.concatenate %convert_element_type3A_40, %convert_element_type3A_57, %convert_element_type3A_74, %convert_element_type3A_91, %convert_element_type3A_108, %convert_element_type3A_125, %convert_element_type3A_142, %convert_element_type3A_159 in 1 : vector<512x1xi32>, vector<512x1xi32>, vector<512x1xi32>, vector<512x1xi32>, vector<512x1xi32>, vector<512x1xi32>, vector<512x1xi32>, vector<512x1xi32> -> vector<512x8xi32>
    %mul3A_166 = arith.constant 4096 : i32
    %mul3A_167 = arith.muli %add3A_0, %mul3A_166 : i32
    %add3A_168 = vector.broadcast %mul3A_167 : i32 to vector<512x8xi32>
    %add3A_169 = arith.addi %concatenate3A_165, %add3A_168 : vector<512x8xi32>
    %swap3A_170 = arith.constant 0 : index
    %swap3A_171 = arith.constant 0 : index
    %swap3A_172 = arith.constant 0 : index
    %swap3A_173 = vector.load %arg5[%swap3A_170, %swap3A_171, %swap3A_172] : memref<1x512x8xi32, #tpu.memory_space<vmem>>, vector<1x512x8xi32>
    %swap3A_174 = vector.shape_cast %swap3A_173 : vector<1x512x8xi32> to vector<512x8xi32>
    %swap3A_175 = vector.shape_cast %add3A_169 : vector<512x8xi32> to vector<1x512x8xi32>
    tpu.vector_store %arg5[%swap3A_170, %swap3A_171, %swap3A_172], %swap3A_175 {strides = array<i32>} : memref<1x512x8xi32, #tpu.memory_space<vmem>>, vector<1x512x8xi32>,
    %div3A = arith.constant 1.000000e+00 : f32
    %div3A_176 = vector.broadcast %div3A : f32 to vector<512x8xf32>
    %div3A_177 = arith.divf %div3A_176, %concatenate3A : vector<512x8xf32>
    %reduce_sum3A = arith.constant dense<0.000000e+00> : vector<8xf32>
    %reduce_sum3A_178 = vector.multi_reduction <add>, %div3A_177, %reduce_sum3A [0] : vector<512x8xf32> to vector<8xf32>
    %broadcast_in_dim3A_179 = vector.shape_cast %reduce_sum3A_178 : vector<8xf32> to vector<1x8xf32>
    %eq3A_180 = arith.constant 0 : i32
    %eq3A_181 = arith.cmpi eq, %arg1, %eq3A_180 : i32
    %convert_element_type3A_182 = arith.extui %eq3A_181 : i1 to i32
    %cond3A = arith.constant 0 : i32
    %cond3A_183 = arith.cmpi ne, %convert_element_type3A_182, %cond3A : i32
    scf.if %cond3A_183 {
      %swap3A_446 = arith.constant 0 : index
      %swap3A_447 = arith.constant 0 : index
      %swap3A_448 = arith.constant 0 : index
      %swap3A_449 = vector.load %arg6[%swap3A_446, %swap3A_447, %swap3A_448] : memref<1x1x8xf32, #tpu.memory_space<vmem>>, vector<1x1x8xf32>
      %swap3A_450 = vector.shape_cast %swap3A_449 : vector<1x1x8xf32> to vector<1x8xf32>
      %swap3A_451 = vector.shape_cast %broadcast_in_dim3A_179 : vector<1x8xf32> to vector<1x1x8xf32>
      tpu.vector_store %arg6[%swap3A_446, %swap3A_447, %swap3A_448], %swap3A_451 {strides = array<i32>} : memref<1x1x8xf32, #tpu.memory_space<vmem>>, vector<1x1x8xf32>,
    } else {
    }
    %ne3A = arith.constant 0 : i32
    %ne3A_184 = arith.cmpi ne, %arg1, %ne3A : i32
    %convert_element_type3A_185 = arith.extui %ne3A_184 : i1 to i32
    %cond3A_186 = arith.constant 0 : i32
    %cond3A_187 = arith.cmpi ne, %convert_element_type3A_185, %cond3A_186 : i32
    scf.if %cond3A_187 {
      %get3A_446 = arith.constant 0 : index
      %get3A_447 = arith.constant 0 : index
      %get3A_448 = arith.constant 0 : index
      %get3A_449 = vector.load %arg6[%get3A_446, %get3A_447, %get3A_448] : memref<1x1x8xf32, #tpu.memory_space<vmem>>, vector<1x1x8xf32>
      %get3A_450 = vector.shape_cast %get3A_449 : vector<1x1x8xf32> to vector<1x8xf32>
      %add3A_451 = arith.addf %get3A_450, %broadcast_in_dim3A_179 : vector<1x8xf32>
      %swap3A_452 = arith.constant 0 : index
      %swap3A_453 = arith.constant 0 : index
      %swap3A_454 = arith.constant 0 : index
      %swap3A_455 = vector.load %arg6[%swap3A_452, %swap3A_453, %swap3A_454] : memref<1x1x8xf32, #tpu.memory_space<vmem>>, vector<1x1x8xf32>
      %swap3A_456 = vector.shape_cast %swap3A_455 : vector<1x1x8xf32> to vector<1x8xf32>
      %swap3A_457 = vector.shape_cast %add3A_451 : vector<1x8xf32> to vector<1x1x8xf32>
      tpu.vector_store %arg6[%swap3A_452, %swap3A_453, %swap3A_454], %swap3A_457 {strides = array<i32>} : memref<1x1x8xf32, #tpu.memory_space<vmem>>, vector<1x1x8xf32>,
    } else {
    }
    %slice3A_188 = vector.extract_strided_slice %min3A_7 {offsets = [0, 0], sizes = [512, 1], strides = [1, 1]} : vector<512x3xf32> to vector<512x1xf32>
    %slice3A_189 = vector.extract_strided_slice %min3A_7 {offsets = [0, 1], sizes = [512, 1], strides = [1, 1]} : vector<512x3xf32> to vector<512x1xf32>
    %add3A_190 = arith.constant 1.000000e+00 : f32
    %add3A_191 = vector.broadcast %add3A_190 : f32 to vector<512x1xf32>
    %add3A_192 = arith.addf %slice3A_188, %add3A_191 : vector<512x1xf32>
    %mul3A_193 = arith.constant 5.000000e-01 : f32
    %mul3A_194 = vector.broadcast %mul3A_193 : f32 to vector<512x1xf32>
    %mul3A_195 = arith.mulf %add3A_192, %mul3A_194 : vector<512x1xf32>
    %mul3A_196 = arith.constant 2.560000e+02 : f32
    %mul3A_197 = vector.broadcast %mul3A_196 : f32 to vector<512x1xf32>
    %mul3A_198 = arith.mulf %mul3A_195, %mul3A_197 : vector<512x1xf32>
    %sub3A_199 = arith.constant 5.000000e-01 : f32
    %sub3A_200 = vector.broadcast %sub3A_199 : f32 to vector<512x1xf32>
    %sub3A_201 = arith.subf %mul3A_198, %sub3A_200 : vector<512x1xf32>
    %add3A_202 = arith.constant 1.000000e+00 : f32
    %add3A_203 = vector.broadcast %add3A_202 : f32 to vector<512x1xf32>
    %add3A_204 = arith.addf %slice3A_189, %add3A_203 : vector<512x1xf32>
    %mul3A_205 = arith.constant 5.000000e-01 : f32
    %mul3A_206 = vector.broadcast %mul3A_205 : f32 to vector<512x1xf32>
    %mul3A_207 = arith.mulf %add3A_204, %mul3A_206 : vector<512x1xf32>
    %mul3A_208 = arith.constant 2.560000e+02 : f32
    %mul3A_209 = vector.broadcast %mul3A_208 : f32 to vector<512x1xf32>
    %mul3A_210 = arith.mulf %mul3A_207, %mul3A_209 : vector<512x1xf32>
    %sub3A_211 = arith.constant 5.000000e-01 : f32
    %sub3A_212 = vector.broadcast %sub3A_211 : f32 to vector<512x1xf32>
    %sub3A_213 = arith.subf %mul3A_210, %sub3A_212 : vector<512x1xf32>
    %floor3A = math.floor %sub3A_201 : vector<512x1xf32>
    %convert_element_type3A_214 = arith.fptosi %floor3A : vector<512x1xf32> to vector<512x1xi32>
    %jit3A_215 = arith.constant 0 : i32
    %jit3A_216 = arith.constant 255 : i32
    %max3A_217 = vector.broadcast %jit3A_215 : i32 to vector<512x1xi32>
    %max3A_218 = arith.maxsi %max3A_217, %convert_element_type3A_214 : vector<512x1xi32>
    %min3A_219 = vector.broadcast %jit3A_216 : i32 to vector<512x1xi32>
    %min3A_220 = arith.minsi %min3A_219, %max3A_218 : vector<512x1xi32>
    %floor3A_221 = math.floor %sub3A_213 : vector<512x1xf32>
    %convert_element_type3A_222 = arith.fptosi %floor3A_221 : vector<512x1xf32> to vector<512x1xi32>
    %jit3A_223 = arith.constant 0 : i32
    %jit3A_224 = arith.constant 255 : i32
    %max3A_225 = vector.broadcast %jit3A_223 : i32 to vector<512x1xi32>
    %max3A_226 = arith.maxsi %max3A_225, %convert_element_type3A_222 : vector<512x1xi32>
    %min3A_227 = vector.broadcast %jit3A_224 : i32 to vector<512x1xi32>
    %min3A_228 = arith.minsi %min3A_227, %max3A_226 : vector<512x1xi32>
    %add3A_229 = arith.constant 1 : i32
    %add3A_230 = vector.broadcast %add3A_229 : i32 to vector<512x1xi32>
    %add3A_231 = arith.addi %min3A_220, %add3A_230 : vector<512x1xi32>
    %min3A_232 = arith.constant 255 : i32
    %min3A_233 = vector.broadcast %min3A_232 : i32 to vector<512x1xi32>
    %min3A_234 = arith.minsi %add3A_231, %min3A_233 : vector<512x1xi32>
    %add3A_235 = arith.constant 1 : i32
    %add3A_236 = vector.broadcast %add3A_235 : i32 to vector<512x1xi32>
    %add3A_237 = arith.addi %min3A_228, %add3A_236 : vector<512x1xi32>
    %min3A_238 = arith.constant 255 : i32
    %min3A_239 = vector.broadcast %min3A_238 : i32 to vector<512x1xi32>
    %min3A_240 = arith.minsi %add3A_237, %min3A_239 : vector<512x1xi32>
    %mul3A_241 = arith.constant 3 : i32
    %mul3A_242 = arith.muli %add3A_0, %mul3A_241 : i32
    %add3A_243 = arith.constant 0 : i32
    %add3A_244 = arith.addi %mul3A_242, %add3A_243 : i32
    %mul3A_245 = arith.constant 65536 : i32
    %mul3A_246 = arith.muli %add3A_244, %mul3A_245 : i32
    %mul3A_247 = arith.constant 256 : i32
    %mul3A_248 = vector.broadcast %mul3A_247 : i32 to vector<512x1xi32>
    %mul3A_249 = arith.muli %min3A_228, %mul3A_248 : vector<512x1xi32>
    %add3A_250 = vector.broadcast %mul3A_246 : i32 to vector<512x1xi32>
    %add3A_251 = arith.addi %add3A_250, %mul3A_249 : vector<512x1xi32>
    %add3A_252 = arith.addi %add3A_251, %min3A_220 : vector<512x1xi32>
    %mul3A_253 = arith.constant 256 : i32
    %mul3A_254 = vector.broadcast %mul3A_253 : i32 to vector<512x1xi32>
    %mul3A_255 = arith.muli %min3A_228, %mul3A_254 : vector<512x1xi32>
    %add3A_256 = vector.broadcast %mul3A_246 : i32 to vector<512x1xi32>
    %add3A_257 = arith.addi %add3A_256, %mul3A_255 : vector<512x1xi32>
    %add3A_258 = arith.addi %add3A_257, %min3A_234 : vector<512x1xi32>
    %mul3A_259 = arith.constant 256 : i32
    %mul3A_260 = vector.broadcast %mul3A_259 : i32 to vector<512x1xi32>
    %mul3A_261 = arith.muli %min3A_240, %mul3A_260 : vector<512x1xi32>
    %add3A_262 = vector.broadcast %mul3A_246 : i32 to vector<512x1xi32>
    %add3A_263 = arith.addi %add3A_262, %mul3A_261 : vector<512x1xi32>
    %add3A_264 = arith.addi %add3A_263, %min3A_220 : vector<512x1xi32>
    %mul3A_265 = arith.constant 256 : i32
    %mul3A_266 = vector.broadcast %mul3A_265 : i32 to vector<512x1xi32>
    %mul3A_267 = arith.muli %min3A_240, %mul3A_266 : vector<512x1xi32>
    %add3A_268 = vector.broadcast %mul3A_246 : i32 to vector<512x1xi32>
    %add3A_269 = arith.addi %add3A_268, %mul3A_267 : vector<512x1xi32>
    %add3A_270 = arith.addi %add3A_269, %min3A_234 : vector<512x1xi32>
    %slice3A_271 = vector.extract_strided_slice %min3A_7 {offsets = [0, 0], sizes = [512, 1], strides = [1, 1]} : vector<512x3xf32> to vector<512x1xf32>
    %slice3A_272 = vector.extract_strided_slice %min3A_7 {offsets = [0, 2], sizes = [512, 1], strides = [1, 1]} : vector<512x3xf32> to vector<512x1xf32>
    %add3A_273 = arith.constant 1.000000e+00 : f32
    %add3A_274 = vector.broadcast %add3A_273 : f32 to vector<512x1xf32>
    %add3A_275 = arith.addf %slice3A_271, %add3A_274 : vector<512x1xf32>
    %mul3A_276 = arith.constant 5.000000e-01 : f32
    %mul3A_277 = vector.broadcast %mul3A_276 : f32 to vector<512x1xf32>
    %mul3A_278 = arith.mulf %add3A_275, %mul3A_277 : vector<512x1xf32>
    %mul3A_279 = arith.constant 2.560000e+02 : f32
    %mul3A_280 = vector.broadcast %mul3A_279 : f32 to vector<512x1xf32>
    %mul3A_281 = arith.mulf %mul3A_278, %mul3A_280 : vector<512x1xf32>
    %sub3A_282 = arith.constant 5.000000e-01 : f32
    %sub3A_283 = vector.broadcast %sub3A_282 : f32 to vector<512x1xf32>
    %sub3A_284 = arith.subf %mul3A_281, %sub3A_283 : vector<512x1xf32>
    %add3A_285 = arith.constant 1.000000e+00 : f32
    %add3A_286 = vector.broadcast %add3A_285 : f32 to vector<512x1xf32>
    %add3A_287 = arith.addf %slice3A_272, %add3A_286 : vector<512x1xf32>
    %mul3A_288 = arith.constant 5.000000e-01 : f32
    %mul3A_289 = vector.broadcast %mul3A_288 : f32 to vector<512x1xf32>
    %mul3A_290 = arith.mulf %add3A_287, %mul3A_289 : vector<512x1xf32>
    %mul3A_291 = arith.constant 2.560000e+02 : f32
    %mul3A_292 = vector.broadcast %mul3A_291 : f32 to vector<512x1xf32>
    %mul3A_293 = arith.mulf %mul3A_290, %mul3A_292 : vector<512x1xf32>
    %sub3A_294 = arith.constant 5.000000e-01 : f32
    %sub3A_295 = vector.broadcast %sub3A_294 : f32 to vector<512x1xf32>
    %sub3A_296 = arith.subf %mul3A_293, %sub3A_295 : vector<512x1xf32>
    %floor3A_297 = math.floor %sub3A_284 : vector<512x1xf32>
    %convert_element_type3A_298 = arith.fptosi %floor3A_297 : vector<512x1xf32> to vector<512x1xi32>
    %jit3A_299 = arith.constant 0 : i32
    %jit3A_300 = arith.constant 255 : i32
    %max3A_301 = vector.broadcast %jit3A_299 : i32 to vector<512x1xi32>
    %max3A_302 = arith.maxsi %max3A_301, %convert_element_type3A_298 : vector<512x1xi32>
    %min3A_303 = vector.broadcast %jit3A_300 : i32 to vector<512x1xi32>
    %min3A_304 = arith.minsi %min3A_303, %max3A_302 : vector<512x1xi32>
    %floor3A_305 = math.floor %sub3A_296 : vector<512x1xf32>
    %convert_element_type3A_306 = arith.fptosi %floor3A_305 : vector<512x1xf32> to vector<512x1xi32>
    %jit3A_307 = arith.constant 0 : i32
    %jit3A_308 = arith.constant 255 : i32
    %max3A_309 = vector.broadcast %jit3A_307 : i32 to vector<512x1xi32>
    %max3A_310 = arith.maxsi %max3A_309, %convert_element_type3A_306 : vector<512x1xi32>
    %min3A_311 = vector.broadcast %jit3A_308 : i32 to vector<512x1xi32>
    %min3A_312 = arith.minsi %min3A_311, %max3A_310 : vector<512x1xi32>
    %add3A_313 = arith.constant 1 : i32
    %add3A_314 = vector.broadcast %add3A_313 : i32 to vector<512x1xi32>
    %add3A_315 = arith.addi %min3A_304, %add3A_314 : vector<512x1xi32>
    %min3A_316 = arith.constant 255 : i32
    %min3A_317 = vector.broadcast %min3A_316 : i32 to vector<512x1xi32>
    %min3A_318 = arith.minsi %add3A_315, %min3A_317 : vector<512x1xi32>
    %add3A_319 = arith.constant 1 : i32
    %add3A_320 = vector.broadcast %add3A_319 : i32 to vector<512x1xi32>
    %add3A_321 = arith.addi %min3A_312, %add3A_320 : vector<512x1xi32>
    %min3A_322 = arith.constant 255 : i32
    %min3A_323 = vector.broadcast %min3A_322 : i32 to vector<512x1xi32>
    %min3A_324 = arith.minsi %add3A_321, %min3A_323 : vector<512x1xi32>
    %mul3A_325 = arith.constant 3 : i32
    %mul3A_326 = arith.muli %add3A_0, %mul3A_325 : i32
    %add3A_327 = arith.constant 1 : i32
    %add3A_328 = arith.addi %mul3A_326, %add3A_327 : i32
    %mul3A_329 = arith.constant 65536 : i32
    %mul3A_330 = arith.muli %add3A_328, %mul3A_329 : i32
    %mul3A_331 = arith.constant 256 : i32
    %mul3A_332 = vector.broadcast %mul3A_331 : i32 to vector<512x1xi32>
    %mul3A_333 = arith.muli %min3A_312, %mul3A_332 : vector<512x1xi32>
    %add3A_334 = vector.broadcast %mul3A_330 : i32 to vector<512x1xi32>
    %add3A_335 = arith.addi %add3A_334, %mul3A_333 : vector<512x1xi32>
    %add3A_336 = arith.addi %add3A_335, %min3A_304 : vector<512x1xi32>
    %mul3A_337 = arith.constant 256 : i32
    %mul3A_338 = vector.broadcast %mul3A_337 : i32 to vector<512x1xi32>
    %mul3A_339 = arith.muli %min3A_312, %mul3A_338 : vector<512x1xi32>
    %add3A_340 = vector.broadcast %mul3A_330 : i32 to vector<512x1xi32>
    %add3A_341 = arith.addi %add3A_340, %mul3A_339 : vector<512x1xi32>
    %add3A_342 = arith.addi %add3A_341, %min3A_318 : vector<512x1xi32>
    %mul3A_343 = arith.constant 256 : i32
    %mul3A_344 = vector.broadcast %mul3A_343 : i32 to vector<512x1xi32>
    %mul3A_345 = arith.muli %min3A_324, %mul3A_344 : vector<512x1xi32>
    %add3A_346 = vector.broadcast %mul3A_330 : i32 to vector<512x1xi32>
    %add3A_347 = arith.addi %add3A_346, %mul3A_345 : vector<512x1xi32>
    %add3A_348 = arith.addi %add3A_347, %min3A_304 : vector<512x1xi32>
    %mul3A_349 = arith.constant 256 : i32
    %mul3A_350 = vector.broadcast %mul3A_349 : i32 to vector<512x1xi32>
    %mul3A_351 = arith.muli %min3A_324, %mul3A_350 : vector<512x1xi32>
    %add3A_352 = vector.broadcast %mul3A_330 : i32 to vector<512x1xi32>
    %add3A_353 = arith.addi %add3A_352, %mul3A_351 : vector<512x1xi32>
    %add3A_354 = arith.addi %add3A_353, %min3A_318 : vector<512x1xi32>
    %slice3A_355 = vector.extract_strided_slice %min3A_7 {offsets = [0, 1], sizes = [512, 1], strides = [1, 1]} : vector<512x3xf32> to vector<512x1xf32>
    %slice3A_356 = vector.extract_strided_slice %min3A_7 {offsets = [0, 2], sizes = [512, 1], strides = [1, 1]} : vector<512x3xf32> to vector<512x1xf32>
    %add3A_357 = arith.constant 1.000000e+00 : f32
    %add3A_358 = vector.broadcast %add3A_357 : f32 to vector<512x1xf32>
    %add3A_359 = arith.addf %slice3A_355, %add3A_358 : vector<512x1xf32>
    %mul3A_360 = arith.constant 5.000000e-01 : f32
    %mul3A_361 = vector.broadcast %mul3A_360 : f32 to vector<512x1xf32>
    %mul3A_362 = arith.mulf %add3A_359, %mul3A_361 : vector<512x1xf32>
    %mul3A_363 = arith.constant 2.560000e+02 : f32
    %mul3A_364 = vector.broadcast %mul3A_363 : f32 to vector<512x1xf32>
    %mul3A_365 = arith.mulf %mul3A_362, %mul3A_364 : vector<512x1xf32>
    %sub3A_366 = arith.constant 5.000000e-01 : f32
    %sub3A_367 = vector.broadcast %sub3A_366 : f32 to vector<512x1xf32>
    %sub3A_368 = arith.subf %mul3A_365, %sub3A_367 : vector<512x1xf32>
    %add3A_369 = arith.constant 1.000000e+00 : f32
    %add3A_370 = vector.broadcast %add3A_369 : f32 to vector<512x1xf32>
    %add3A_371 = arith.addf %slice3A_356, %add3A_370 : vector<512x1xf32>
    %mul3A_372 = arith.constant 5.000000e-01 : f32
    %mul3A_373 = vector.broadcast %mul3A_372 : f32 to vector<512x1xf32>
    %mul3A_374 = arith.mulf %add3A_371, %mul3A_373 : vector<512x1xf32>
    %mul3A_375 = arith.constant 2.560000e+02 : f32
    %mul3A_376 = vector.broadcast %mul3A_375 : f32 to vector<512x1xf32>
    %mul3A_377 = arith.mulf %mul3A_374, %mul3A_376 : vector<512x1xf32>
    %sub3A_378 = arith.constant 5.000000e-01 : f32
    %sub3A_379 = vector.broadcast %sub3A_378 : f32 to vector<512x1xf32>
    %sub3A_380 = arith.subf %mul3A_377, %sub3A_379 : vector<512x1xf32>
    %floor3A_381 = math.floor %sub3A_368 : vector<512x1xf32>
    %convert_element_type3A_382 = arith.fptosi %floor3A_381 : vector<512x1xf32> to vector<512x1xi32>
    %jit3A_383 = arith.constant 0 : i32
    %jit3A_384 = arith.constant 255 : i32
    %max3A_385 = vector.broadcast %jit3A_383 : i32 to vector<512x1xi32>
    %max3A_386 = arith.maxsi %max3A_385, %convert_element_type3A_382 : vector<512x1xi32>
    %min3A_387 = vector.broadcast %jit3A_384 : i32 to vector<512x1xi32>
    %min3A_388 = arith.minsi %min3A_387, %max3A_386 : vector<512x1xi32>
    %floor3A_389 = math.floor %sub3A_380 : vector<512x1xf32>
    %convert_element_type3A_390 = arith.fptosi %floor3A_389 : vector<512x1xf32> to vector<512x1xi32>
    %jit3A_391 = arith.constant 0 : i32
    %jit3A_392 = arith.constant 255 : i32
    %max3A_393 = vector.broadcast %jit3A_391 : i32 to vector<512x1xi32>
    %max3A_394 = arith.maxsi %max3A_393, %convert_element_type3A_390 : vector<512x1xi32>
    %min3A_395 = vector.broadcast %jit3A_392 : i32 to vector<512x1xi32>
    %min3A_396 = arith.minsi %min3A_395, %max3A_394 : vector<512x1xi32>
    %add3A_397 = arith.constant 1 : i32
    %add3A_398 = vector.broadcast %add3A_397 : i32 to vector<512x1xi32>
    %add3A_399 = arith.addi %min3A_388, %add3A_398 : vector<512x1xi32>
    %min3A_400 = arith.constant 255 : i32
    %min3A_401 = vector.broadcast %min3A_400 : i32 to vector<512x1xi32>
    %min3A_402 = arith.minsi %add3A_399, %min3A_401 : vector<512x1xi32>
    %add3A_403 = arith.constant 1 : i32
    %add3A_404 = vector.broadcast %add3A_403 : i32 to vector<512x1xi32>
    %add3A_405 = arith.addi %min3A_396, %add3A_404 : vector<512x1xi32>
    %min3A_406 = arith.constant 255 : i32
    %min3A_407 = vector.broadcast %min3A_406 : i32 to vector<512x1xi32>
    %min3A_408 = arith.minsi %add3A_405, %min3A_407 : vector<512x1xi32>
    %mul3A_409 = arith.constant 3 : i32
    %mul3A_410 = arith.muli %add3A_0, %mul3A_409 : i32
    %add3A_411 = arith.constant 2 : i32
    %add3A_412 = arith.addi %mul3A_410, %add3A_411 : i32
    %mul3A_413 = arith.constant 65536 : i32
    %mul3A_414 = arith.muli %add3A_412, %mul3A_413 : i32
    %mul3A_415 = arith.constant 256 : i32
    %mul3A_416 = vector.broadcast %mul3A_415 : i32 to vector<512x1xi32>
    %mul3A_417 = arith.muli %min3A_396, %mul3A_416 : vector<512x1xi32>
    %add3A_418 = vector.broadcast %mul3A_414 : i32 to vector<512x1xi32>
    %add3A_419 = arith.addi %add3A_418, %mul3A_417 : vector<512x1xi32>
    %add3A_420 = arith.addi %add3A_419, %min3A_388 : vector<512x1xi32>
    %mul3A_421 = arith.constant 256 : i32
    %mul3A_422 = vector.broadcast %mul3A_421 : i32 to vector<512x1xi32>
    %mul3A_423 = arith.muli %min3A_396, %mul3A_422 : vector<512x1xi32>
    %add3A_424 = vector.broadcast %mul3A_414 : i32 to vector<512x1xi32>
    %add3A_425 = arith.addi %add3A_424, %mul3A_423 : vector<512x1xi32>
    %add3A_426 = arith.addi %add3A_425, %min3A_402 : vector<512x1xi32>
    %mul3A_427 = arith.constant 256 : i32
    %mul3A_428 = vector.broadcast %mul3A_427 : i32 to vector<512x1xi32>
    %mul3A_429 = arith.muli %min3A_408, %mul3A_428 : vector<512x1xi32>
    %add3A_430 = vector.broadcast %mul3A_414 : i32 to vector<512x1xi32>
    %add3A_431 = arith.addi %add3A_430, %mul3A_429 : vector<512x1xi32>
    %add3A_432 = arith.addi %add3A_431, %min3A_388 : vector<512x1xi32>
    %mul3A_433 = arith.constant 256 : i32
    %mul3A_434 = vector.broadcast %mul3A_433 : i32 to vector<512x1xi32>
    %mul3A_435 = arith.muli %min3A_408, %mul3A_434 : vector<512x1xi32>
    %add3A_436 = vector.broadcast %mul3A_414 : i32 to vector<512x1xi32>
    %add3A_437 = arith.addi %add3A_436, %mul3A_435 : vector<512x1xi32>
    %add3A_438 = arith.addi %add3A_437, %min3A_402 : vector<512x1xi32>
    %concatenate3A_439 = tpu.concatenate %add3A_252, %add3A_258, %add3A_264, %add3A_270, %add3A_336, %add3A_342, %add3A_348, %add3A_354, %add3A_420, %add3A_426, %add3A_432, %add3A_438 in 1 : vector<512x1xi32>, vector<512x1xi32>, vector<512x1xi32>, vector<512x1xi32>, vector<512x1xi32>, vector<512x1xi32>, vector<512x1xi32>, vector<512x1xi32>, vector<512x1xi32>, vector<512x1xi32>, vector<512x1xi32>, vector<512x1xi32> -> vector<512x12xi32>
    %swap3A_440 = arith.constant 0 : index
    %swap3A_441 = arith.constant 0 : index
    %swap3A_442 = arith.constant 0 : index
    %swap3A_443 = vector.load %arg7[%swap3A_440, %swap3A_441, %swap3A_442] : memref<1x512x12xi32, #tpu.memory_space<vmem>>, vector<1x512x12xi32>
    %swap3A_444 = vector.shape_cast %swap3A_443 : vector<1x512x12xi32> to vector<512x12xi32>
    %swap3A_445 = vector.shape_cast %concatenate3A_439 : vector<512x12xi32> to vector<1x512x12xi32>
    tpu.vector_store %arg7[%swap3A_440, %swap3A_441, %swap3A_442], %swap3A_445 {strides = array<i32>} : memref<1x512x12xi32, #tpu.memory_space<vmem>>, vector<1x512x12xi32>,
    return
  }
  func.func @transform_0(%arg0: i32, %arg1: i32) -> (i32, i32, i32) {
    %c0_i32 = arith.constant 0 : i32
    %c0_i32_0 = arith.constant 0 : i32
    return %arg0, %arg1, %c0_i32 : i32, i32, i32
  }
  func.func @transform_1(%arg0: i32, %arg1: i32) -> (i32, i32, i32) {
    %c0_i32 = arith.constant 0 : i32
    %c0_i32_0 = arith.constant 0 : i32
    %c0_i32_1 = arith.constant 0 : i32
    return %arg0, %c0_i32, %c0_i32_0 : i32, i32, i32
  }
  func.func @transform_2(%arg0: i32, %arg1: i32) -> (i32, i32, i32) {
    %c0_i32 = arith.constant 0 : i32
    %c0_i32_0 = arith.constant 0 : i32
    return %arg0, %arg1, %c0_i32 : i32, i32, i32
  }
  func.func @transform_3(%arg0: i32, %arg1: i32) -> (i32, i32, i32) {
    %c0_i32 = arith.constant 0 : i32
    %c0_i32_0 = arith.constant 0 : i32
    return %arg0, %arg1, %c0_i32 : i32, i32, i32
  }
  func.func @transform_4(%arg0: i32, %arg1: i32) -> (i32, i32, i32) {
    %c0_i32 = arith.constant 0 : i32
    %c0_i32_0 = arith.constant 0 : i32
    %c0_i32_1 = arith.constant 0 : i32
    return %arg0, %c0_i32, %c0_i32_0 : i32, i32, i32
  }
  func.func @transform_5(%arg0: i32, %arg1: i32) -> (i32, i32, i32) {
    %c0_i32 = arith.constant 0 : i32
    %c0_i32_0 = arith.constant 0 : i32
    return %arg0, %arg1, %c0_i32 : i32, i32, i32
  }
}

module attributes {stable_mosaic.version = 14 : i64} {
  func.func @_knn_body(%arg0: i32, %arg1: i32, %arg2: memref<1x512x3xf32, #tpu.memory_space<vmem>>, %arg3: memref<1x3x4096xf32, #tpu.memory_space<vmem>>, %arg4: memref<1x512x8xf32, #tpu.memory_space<vmem>>, %arg5: memref<1x512x8xi32, #tpu.memory_space<vmem>>, %arg6: memref<1x1x8xf32, #tpu.memory_space<vmem>>, %arg7: memref<1x512x12xi32, #tpu.memory_space<vmem>>) attributes {dimension_semantics = [#tpu.dimension_semantics<arbitrary>, #tpu.dimension_semantics<arbitrary>], iteration_bounds = array<i64: 1, 8>, scalar_prefetch = 0 : i64, scratch_operands = 0 : i64, tpu.core_type = #tpu.core_type<tc>, window_params = [{transform_indices = @transform_0, window_bounds = array<i64: 1, 512, 3>}, {transform_indices = @transform_1, window_bounds = array<i64: 1, 3, 4096>}, {transform_indices = @transform_2, window_bounds = array<i64: 1, 512, 8>}, {transform_indices = @transform_3, window_bounds = array<i64: 1, 512, 8>}, {transform_indices = @transform_4, window_bounds = array<i64: 1, 1, 8>}, {transform_indices = @transform_5, window_bounds = array<i64: 1, 512, 12>}]} {
    %add3A = arith.constant 1 : i32
    %add3A_0 = arith.addi %add3A, %arg0 : i32
    %get3A = arith.constant 0 : index
    %get3A_1 = arith.constant 0 : index
    %get3A_2 = arith.constant 0 : index
    %get3A_3 = vector.load %arg2[%get3A, %get3A_1, %get3A_2] : memref<1x512x3xf32, #tpu.memory_space<vmem>>, vector<1x512x3xf32>
    %get3A_4 = vector.shape_cast %get3A_3 : vector<1x512x3xf32> to vector<512x3xf32>
    %jit3A = arith.constant -9.990000e-01 : f32
    %jit3A_5 = arith.constant 9.990000e-01 : f32
    %max3A = vector.broadcast %jit3A : f32 to vector<512x3xf32>
    %max3A_6 = arith.maximumf %max3A, %get3A_4 : vector<512x3xf32>
    %min3A = vector.broadcast %jit3A_5 : f32 to vector<512x3xf32>
    %min3A_7 = arith.minimumf %min3A, %max3A_6 : vector<512x3xf32>
    %get3A_8 = arith.constant 0 : index
    %get3A_9 = arith.constant 0 : index
    %get3A_10 = arith.constant 0 : index
    %get3A_11 = vector.load %arg3[%get3A_8, %get3A_9, %get3A_10] : memref<1x3x4096xf32, #tpu.memory_space<vmem>>, vector<1x3x4096xf32>
    %get3A_12 = vector.shape_cast %get3A_11 : vector<1x3x4096xf32> to vector<3x4096xf32>
    %broadcast_in_dim3A = arith.constant 0.000000e+00 : f32
    %broadcast_in_dim3A_13 = vector.broadcast %broadcast_in_dim3A : f32 to vector<512x4096xf32>
    %slice3A = vector.extract_strided_slice %min3A_7 {offsets = [0, 0], sizes = [512, 1], strides = [1, 1]} : vector<512x3xf32> to vector<512x1xf32>
    %slice3A_14 = vector.extract_strided_slice %get3A_12 {offsets = [0, 0], sizes = [1, 4096], strides = [1, 1]} : vector<3x4096xf32> to vector<1x4096xf32>
    %sub3A = vector.broadcast %slice3A : vector<512x1xf32> to vector<512x4096xf32>
    %sub3A_15 = vector.broadcast %slice3A_14 : vector<1x4096xf32> to vector<512x4096xf32>
    %sub3A_16 = arith.subf %sub3A, %sub3A_15 : vector<512x4096xf32>
    %mul3A = arith.mulf %sub3A_16, %sub3A_16 : vector<512x4096xf32>
    %add3A_17 = arith.addf %broadcast_in_dim3A_13, %mul3A : vector<512x4096xf32>
    %slice3A_18 = vector.extract_strided_slice %min3A_7 {offsets = [0, 1], sizes = [512, 1], strides = [1, 1]} : vector<512x3xf32> to vector<512x1xf32>
    %slice3A_19 = vector.extract_strided_slice %get3A_12 {offsets = [1, 0], sizes = [1, 4096], strides = [1, 1]} : vector<3x4096xf32> to vector<1x4096xf32>
    %sub3A_20 = vector.broadcast %slice3A_18 : vector<512x1xf32> to vector<512x4096xf32>
    %sub3A_21 = vector.broadcast %slice3A_19 : vector<1x4096xf32> to vector<512x4096xf32>
    %sub3A_22 = arith.subf %sub3A_20, %sub3A_21 : vector<512x4096xf32>
    %mul3A_23 = arith.mulf %sub3A_22, %sub3A_22 : vector<512x4096xf32>
    %add3A_24 = arith.addf %add3A_17, %mul3A_23 : vector<512x4096xf32>
    %slice3A_25 = vector.extract_strided_slice %min3A_7 {offsets = [0, 2], sizes = [512, 1], strides = [1, 1]} : vector<512x3xf32> to vector<512x1xf32>
    %slice3A_26 = vector.extract_strided_slice %get3A_12 {offsets = [2, 0], sizes = [1, 4096], strides = [1, 1]} : vector<3x4096xf32> to vector<1x4096xf32>
    %sub3A_27 = vector.broadcast %slice3A_25 : vector<512x1xf32> to vector<512x4096xf32>
    %sub3A_28 = vector.broadcast %slice3A_26 : vector<1x4096xf32> to vector<512x4096xf32>
    %sub3A_29 = arith.subf %sub3A_27, %sub3A_28 : vector<512x4096xf32>
    %mul3A_30 = arith.mulf %sub3A_29, %sub3A_29 : vector<512x4096xf32>
    %add3A_31 = arith.addf %add3A_24, %mul3A_30 : vector<512x4096xf32>
    %iota3A = tpu.iota {dimensions = array<i32: 1>} : vector<512x4096xi32>
    %convert_element_type3A = arith.sitofp %iota3A : vector<512x4096xi32> to vector<512x4096xf32>
    %reduce_min3A = arith.constant dense<0x7F800000> : vector<512xf32>
    %reduce_min3A_32 = vector.multi_reduction <minimumf>, %add3A_31, %reduce_min3A [1] : vector<512x4096xf32> to vector<512xf32>
    %broadcast_in_dim3A_33 = vector.shape_cast %reduce_min3A_32 : vector<512xf32> to vector<512x1xf32>
    %eq3A = vector.broadcast %broadcast_in_dim3A_33 : vector<512x1xf32> to vector<512x4096xf32>
    %eq3A_34 = arith.cmpf oeq, %add3A_31, %eq3A : vector<512x4096xf32>
    %jit3A_35 = arith.constant 4.096000e+03 : f32
    %broadcast_in_dim3A_36 = vector.broadcast %jit3A_35 : f32 to vector<512x4096xf32>
    %select_n3A = arith.select %eq3A_34, %convert_element_type3A, %broadcast_in_dim3A_36 : vector<512x4096xi1>, vector<512x4096xf32>
    %reduce_min3A_37 = arith.constant dense<0x7F800000> : vector<512xf32>
    %reduce_min3A_38 = vector.multi_reduction <minimumf>, %select_n3A, %reduce_min3A_37 [1] : vector<512x4096xf32> to vector<512xf32>
    %broadcast_in_dim3A_39 = vector.shape_cast %reduce_min3A_38 : vector<512xf32> to vector<512x1xf32>
    %convert_element_type3A_40 = arith.fptosi %broadcast_in_dim3A_39 : vector<512x1xf32> to vector<512x1xi32>
    %eq3A_41 = vector.broadcast %broadcast_in_dim3A_39 : vector<512x1xf32> to vector<512x4096xf32>
    %eq3A_42 = arith.cmpf oeq, %convert_element_type3A, %eq3A_41 : vector<512x4096xf32>
    %jit3A_43 = arith.constant 0x7F800000 : f32
    %broadcast_in_dim3A_44 = vector.broadcast %jit3A_43 : f32 to vector<512x4096xf32>
    %select_n3A_45 = arith.select %eq3A_42, %broadcast_in_dim3A_44, %add3A_31 : vector<512x4096xi1>, vector<512x4096xf32>
    %reduce_min3A_46 = arith.constant dense<0x7F800000> : vector<512xf32>
    %reduce_min3A_47 = vector.multi_reduction <minimumf>, %select_n3A_45, %reduce_min3A_46 [1] : vector<512x4096xf32> to vector<512xf32>
    %broadcast_in_dim3A_48 = vector.shape_cast %reduce_min3A_47 : vector<512xf32> to vector<512x1xf32>
    %eq3A_49 = vector.broadcast %broadcast_in_dim3A_48 : vector<512x1xf32> to vector<512x4096xf32>
    %eq3A_50 = arith.cmpf oeq, %select_n3A_45, %eq3A_49 : vector<512x4096xf32>
    %jit3A_51 = arith.constant 4.096000e+03 : f32
    %broadcast_in_dim3A_52 = vector.broadcast %jit3A_51 : f32 to vector<512x4096xf32>
    %select_n3A_53 = arith.select %eq3A_50, %convert_element_type3A, %broadcast_in_dim3A_52 : vector<512x4096xi1>, vector<512x4096xf32>
    %reduce_min3A_54 = arith.constant dense<0x7F800000> : vector<512xf32>
    %reduce_min3A_55 = vector.multi_reduction <minimumf>, %select_n3A_53, %reduce_min3A_54 [1] : vector<512x4096xf32> to vector<512xf32>
    %broadcast_in_dim3A_56 = vector.shape_cast %reduce_min3A_55 : vector<512xf32> to vector<512x1xf32>
    %convert_element_type3A_57 = arith.fptosi %broadcast_in_dim3A_56 : vector<512x1xf32> to vector<512x1xi32>
    %eq3A_58 = vector.broadcast %broadcast_in_dim3A_56 : vector<512x1xf32> to vector<512x4096xf32>
    %eq3A_59 = arith.cmpf oeq, %convert_element_type3A, %eq3A_58 : vector<512x4096xf32>
    %jit3A_60 = arith.constant 0x7F800000 : f32
    %broadcast_in_dim3A_61 = vector.broadcast %jit3A_60 : f32 to vector<512x4096xf32>
    %select_n3A_62 = arith.select %eq3A_59, %broadcast_in_dim3A_61, %select_n3A_45 : vector<512x4096xi1>, vector<512x4096xf32>
    %reduce_min3A_63 = arith.constant dense<0x7F800000> : vector<512xf32>
    %reduce_min3A_64 = vector.multi_reduction <minimumf>, %select_n3A_62, %reduce_min3A_63 [1] : vector<512x4096xf32> to vector<512xf32>
    %broadcast_in_dim3A_65 = vector.shape_cast %reduce_min3A_64 : vector<512xf32> to vector<512x1xf32>
    %eq3A_66 = vector.broadcast %broadcast_in_dim3A_65 : vector<512x1xf32> to vector<512x4096xf32>
    %eq3A_67 = arith.cmpf oeq, %select_n3A_62, %eq3A_66 : vector<512x4096xf32>
    %jit3A_68 = arith.constant 4.096000e+03 : f32
    %broadcast_in_dim3A_69 = vector.broadcast %jit3A_68 : f32 to vector<512x4096xf32>
    %select_n3A_70 = arith.select %eq3A_67, %convert_element_type3A, %broadcast_in_dim3A_69 : vector<512x4096xi1>, vector<512x4096xf32>
    %reduce_min3A_71 = arith.constant dense<0x7F800000> : vector<512xf32>
    %reduce_min3A_72 = vector.multi_reduction <minimumf>, %select_n3A_70, %reduce_min3A_71 [1] : vector<512x4096xf32> to vector<512xf32>
    %broadcast_in_dim3A_73 = vector.shape_cast %reduce_min3A_72 : vector<512xf32> to vector<512x1xf32>
    %convert_element_type3A_74 = arith.fptosi %broadcast_in_dim3A_73 : vector<512x1xf32> to vector<512x1xi32>
    %eq3A_75 = vector.broadcast %broadcast_in_dim3A_73 : vector<512x1xf32> to vector<512x4096xf32>
    %eq3A_76 = arith.cmpf oeq, %convert_element_type3A, %eq3A_75 : vector<512x4096xf32>
    %jit3A_77 = arith.constant 0x7F800000 : f32
    %broadcast_in_dim3A_78 = vector.broadcast %jit3A_77 : f32 to vector<512x4096xf32>
    %select_n3A_79 = arith.select %eq3A_76, %broadcast_in_dim3A_78, %select_n3A_62 : vector<512x4096xi1>, vector<512x4096xf32>
    %reduce_min3A_80 = arith.constant dense<0x7F800000> : vector<512xf32>
    %reduce_min3A_81 = vector.multi_reduction <minimumf>, %select_n3A_79, %reduce_min3A_80 [1] : vector<512x4096xf32> to vector<512xf32>
    %broadcast_in_dim3A_82 = vector.shape_cast %reduce_min3A_81 : vector<512xf32> to vector<512x1xf32>
    %eq3A_83 = vector.broadcast %broadcast_in_dim3A_82 : vector<512x1xf32> to vector<512x4096xf32>
    %eq3A_84 = arith.cmpf oeq, %select_n3A_79, %eq3A_83 : vector<512x4096xf32>
    %jit3A_85 = arith.constant 4.096000e+03 : f32
    %broadcast_in_dim3A_86 = vector.broadcast %jit3A_85 : f32 to vector<512x4096xf32>
    %select_n3A_87 = arith.select %eq3A_84, %convert_element_type3A, %broadcast_in_dim3A_86 : vector<512x4096xi1>, vector<512x4096xf32>
    %reduce_min3A_88 = arith.constant dense<0x7F800000> : vector<512xf32>
    %reduce_min3A_89 = vector.multi_reduction <minimumf>, %select_n3A_87, %reduce_min3A_88 [1] : vector<512x4096xf32> to vector<512xf32>
    %broadcast_in_dim3A_90 = vector.shape_cast %reduce_min3A_89 : vector<512xf32> to vector<512x1xf32>
    %convert_element_type3A_91 = arith.fptosi %broadcast_in_dim3A_90 : vector<512x1xf32> to vector<512x1xi32>
    %eq3A_92 = vector.broadcast %broadcast_in_dim3A_90 : vector<512x1xf32> to vector<512x4096xf32>
    %eq3A_93 = arith.cmpf oeq, %convert_element_type3A, %eq3A_92 : vector<512x4096xf32>
    %jit3A_94 = arith.constant 0x7F800000 : f32
    %broadcast_in_dim3A_95 = vector.broadcast %jit3A_94 : f32 to vector<512x4096xf32>
    %select_n3A_96 = arith.select %eq3A_93, %broadcast_in_dim3A_95, %select_n3A_79 : vector<512x4096xi1>, vector<512x4096xf32>
    %reduce_min3A_97 = arith.constant dense<0x7F800000> : vector<512xf32>
    %reduce_min3A_98 = vector.multi_reduction <minimumf>, %select_n3A_96, %reduce_min3A_97 [1] : vector<512x4096xf32> to vector<512xf32>
    %broadcast_in_dim3A_99 = vector.shape_cast %reduce_min3A_98 : vector<512xf32> to vector<512x1xf32>
    %eq3A_100 = vector.broadcast %broadcast_in_dim3A_99 : vector<512x1xf32> to vector<512x4096xf32>
    %eq3A_101 = arith.cmpf oeq, %select_n3A_96, %eq3A_100 : vector<512x4096xf32>
    %jit3A_102 = arith.constant 4.096000e+03 : f32
    %broadcast_in_dim3A_103 = vector.broadcast %jit3A_102 : f32 to vector<512x4096xf32>
    %select_n3A_104 = arith.select %eq3A_101, %convert_element_type3A, %broadcast_in_dim3A_103 : vector<512x4096xi1>, vector<512x4096xf32>
    %reduce_min3A_105 = arith.constant dense<0x7F800000> : vector<512xf32>
    %reduce_min3A_106 = vector.multi_reduction <minimumf>, %select_n3A_104, %reduce_min3A_105 [1] : vector<512x4096xf32> to vector<512xf32>
    %broadcast_in_dim3A_107 = vector.shape_cast %reduce_min3A_106 : vector<512xf32> to vector<512x1xf32>
    %convert_element_type3A_108 = arith.fptosi %broadcast_in_dim3A_107 : vector<512x1xf32> to vector<512x1xi32>
    %eq3A_109 = vector.broadcast %broadcast_in_dim3A_107 : vector<512x1xf32> to vector<512x4096xf32>
    %eq3A_110 = arith.cmpf oeq, %convert_element_type3A, %eq3A_109 : vector<512x4096xf32>
    %jit3A_111 = arith.constant 0x7F800000 : f32
    %broadcast_in_dim3A_112 = vector.broadcast %jit3A_111 : f32 to vector<512x4096xf32>
    %select_n3A_113 = arith.select %eq3A_110, %broadcast_in_dim3A_112, %select_n3A_96 : vector<512x4096xi1>, vector<512x4096xf32>
    %reduce_min3A_114 = arith.constant dense<0x7F800000> : vector<512xf32>
    %reduce_min3A_115 = vector.multi_reduction <minimumf>, %select_n3A_113, %reduce_min3A_114 [1] : vector<512x4096xf32> to vector<512xf32>
    %broadcast_in_dim3A_116 = vector.shape_cast %reduce_min3A_115 : vector<512xf32> to vector<512x1xf32>
    %eq3A_117 = vector.broadcast %broadcast_in_dim3A_116 : vector<512x1xf32> to vector<512x4096xf32>
    %eq3A_118 = arith.cmpf oeq, %select_n3A_113, %eq3A_117 : vector<512x4096xf32>
    %jit3A_119 = arith.constant 4.096000e+03 : f32
    %broadcast_in_dim3A_120 = vector.broadcast %jit3A_119 : f32 to vector<512x4096xf32>
    %select_n3A_121 = arith.select %eq3A_118, %convert_element_type3A, %broadcast_in_dim3A_120 : vector<512x4096xi1>, vector<512x4096xf32>
    %reduce_min3A_122 = arith.constant dense<0x7F800000> : vector<512xf32>
    %reduce_min3A_123 = vector.multi_reduction <minimumf>, %select_n3A_121, %reduce_min3A_122 [1] : vector<512x4096xf32> to vector<512xf32>
    %broadcast_in_dim3A_124 = vector.shape_cast %reduce_min3A_123 : vector<512xf32> to vector<512x1xf32>
    %convert_element_type3A_125 = arith.fptosi %broadcast_in_dim3A_124 : vector<512x1xf32> to vector<512x1xi32>
    %eq3A_126 = vector.broadcast %broadcast_in_dim3A_124 : vector<512x1xf32> to vector<512x4096xf32>
    %eq3A_127 = arith.cmpf oeq, %convert_element_type3A, %eq3A_126 : vector<512x4096xf32>
    %jit3A_128 = arith.constant 0x7F800000 : f32
    %broadcast_in_dim3A_129 = vector.broadcast %jit3A_128 : f32 to vector<512x4096xf32>
    %select_n3A_130 = arith.select %eq3A_127, %broadcast_in_dim3A_129, %select_n3A_113 : vector<512x4096xi1>, vector<512x4096xf32>
    %reduce_min3A_131 = arith.constant dense<0x7F800000> : vector<512xf32>
    %reduce_min3A_132 = vector.multi_reduction <minimumf>, %select_n3A_130, %reduce_min3A_131 [1] : vector<512x4096xf32> to vector<512xf32>
    %broadcast_in_dim3A_133 = vector.shape_cast %reduce_min3A_132 : vector<512xf32> to vector<512x1xf32>
    %eq3A_134 = vector.broadcast %broadcast_in_dim3A_133 : vector<512x1xf32> to vector<512x4096xf32>
    %eq3A_135 = arith.cmpf oeq, %select_n3A_130, %eq3A_134 : vector<512x4096xf32>
    %jit3A_136 = arith.constant 4.096000e+03 : f32
    %broadcast_in_dim3A_137 = vector.broadcast %jit3A_136 : f32 to vector<512x4096xf32>
    %select_n3A_138 = arith.select %eq3A_135, %convert_element_type3A, %broadcast_in_dim3A_137 : vector<512x4096xi1>, vector<512x4096xf32>
    %reduce_min3A_139 = arith.constant dense<0x7F800000> : vector<512xf32>
    %reduce_min3A_140 = vector.multi_reduction <minimumf>, %select_n3A_138, %reduce_min3A_139 [1] : vector<512x4096xf32> to vector<512xf32>
    %broadcast_in_dim3A_141 = vector.shape_cast %reduce_min3A_140 : vector<512xf32> to vector<512x1xf32>
    %convert_element_type3A_142 = arith.fptosi %broadcast_in_dim3A_141 : vector<512x1xf32> to vector<512x1xi32>
    %eq3A_143 = vector.broadcast %broadcast_in_dim3A_141 : vector<512x1xf32> to vector<512x4096xf32>
    %eq3A_144 = arith.cmpf oeq, %convert_element_type3A, %eq3A_143 : vector<512x4096xf32>
    %jit3A_145 = arith.constant 0x7F800000 : f32
    %broadcast_in_dim3A_146 = vector.broadcast %jit3A_145 : f32 to vector<512x4096xf32>
    %select_n3A_147 = arith.select %eq3A_144, %broadcast_in_dim3A_146, %select_n3A_130 : vector<512x4096xi1>, vector<512x4096xf32>
    %reduce_min3A_148 = arith.constant dense<0x7F800000> : vector<512xf32>
    %reduce_min3A_149 = vector.multi_reduction <minimumf>, %select_n3A_147, %reduce_min3A_148 [1] : vector<512x4096xf32> to vector<512xf32>
    %broadcast_in_dim3A_150 = vector.shape_cast %reduce_min3A_149 : vector<512xf32> to vector<512x1xf32>
    %eq3A_151 = vector.broadcast %broadcast_in_dim3A_150 : vector<512x1xf32> to vector<512x4096xf32>
    %eq3A_152 = arith.cmpf oeq, %select_n3A_147, %eq3A_151 : vector<512x4096xf32>
    %jit3A_153 = arith.constant 4.096000e+03 : f32
    %broadcast_in_dim3A_154 = vector.broadcast %jit3A_153 : f32 to vector<512x4096xf32>
    %select_n3A_155 = arith.select %eq3A_152, %convert_element_type3A, %broadcast_in_dim3A_154 : vector<512x4096xi1>, vector<512x4096xf32>
    %reduce_min3A_156 = arith.constant dense<0x7F800000> : vector<512xf32>
    %reduce_min3A_157 = vector.multi_reduction <minimumf>, %select_n3A_155, %reduce_min3A_156 [1] : vector<512x4096xf32> to vector<512xf32>
    %broadcast_in_dim3A_158 = vector.shape_cast %reduce_min3A_157 : vector<512xf32> to vector<512x1xf32>
    %convert_element_type3A_159 = arith.fptosi %broadcast_in_dim3A_158 : vector<512x1xf32> to vector<512x1xi32>
    %concatenate3A = tpu.concatenate %broadcast_in_dim3A_33, %broadcast_in_dim3A_48, %broadcast_in_dim3A_65, %broadcast_in_dim3A_82, %broadcast_in_dim3A_99, %broadcast_in_dim3A_116, %broadcast_in_dim3A_133, %broadcast_in_dim3A_150 in 1 : vector<512x1xf32>, vector<512x1xf32>, vector<512x1xf32>, vector<512x1xf32>, vector<512x1xf32>, vector<512x1xf32>, vector<512x1xf32>, vector<512x1xf32> -> vector<512x8xf32>
    %swap3A = arith.constant 0 : index
    %swap3A_160 = arith.constant 0 : index
    %swap3A_161 = arith.constant 0 : index
    %swap3A_162 = vector.load %arg4[%swap3A, %swap3A_160, %swap3A_161] : memref<1x512x8xf32, #tpu.memory_space<vmem>>, vector<1x512x8xf32>
    %swap3A_163 = vector.shape_cast %swap3A_162 : vector<1x512x8xf32> to vector<512x8xf32>
    %swap3A_164 = vector.shape_cast %concatenate3A : vector<512x8xf32> to vector<1x512x8xf32>
    tpu.vector_store %arg4[%swap3A, %swap3A_160, %swap3A_161], %swap3A_164 {strides = array<i32>} : memref<1x512x8xf32, #tpu.memory_space<vmem>>, vector<1x512x8xf32>,
    %concatenate3A_165 = tpu.concatenate %convert_element_type3A_40, %convert_element_type3A_57, %convert_element_type3A_74, %convert_element_type3A_91, %convert_element_type3A_108, %convert_element_type3A_125, %convert_element_type3A_142, %convert_element_type3A_159 in 1 : vector<512x1xi32>, vector<512x1xi32>, vector<512x1xi32>, vector<512x1xi32>, vector<512x1xi32>, vector<512x1xi32>, vector<512x1xi32>, vector<512x1xi32> -> vector<512x8xi32>
    %mul3A_166 = arith.constant 4096 : i32
    %mul3A_167 = arith.muli %add3A_0, %mul3A_166 : i32
    %add3A_168 = vector.broadcast %mul3A_167 : i32 to vector<512x8xi32>
    %add3A_169 = arith.addi %concatenate3A_165, %add3A_168 : vector<512x8xi32>
    %swap3A_170 = arith.constant 0 : index
    %swap3A_171 = arith.constant 0 : index
    %swap3A_172 = arith.constant 0 : index
    %swap3A_173 = vector.load %arg5[%swap3A_170, %swap3A_171, %swap3A_172] : memref<1x512x8xi32, #tpu.memory_space<vmem>>, vector<1x512x8xi32>
    %swap3A_174 = vector.shape_cast %swap3A_173 : vector<1x512x8xi32> to vector<512x8xi32>
    %swap3A_175 = vector.shape_cast %add3A_169 : vector<512x8xi32> to vector<1x512x8xi32>
    tpu.vector_store %arg5[%swap3A_170, %swap3A_171, %swap3A_172], %swap3A_175 {strides = array<i32>} : memref<1x512x8xi32, #tpu.memory_space<vmem>>, vector<1x512x8xi32>,
    %div3A = arith.constant 1.000000e+00 : f32
    %div3A_176 = vector.broadcast %div3A : f32 to vector<512x8xf32>
    %div3A_177 = arith.divf %div3A_176, %concatenate3A : vector<512x8xf32>
    %reduce_sum3A = arith.constant dense<0.000000e+00> : vector<8xf32>
    %reduce_sum3A_178 = vector.multi_reduction <add>, %div3A_177, %reduce_sum3A [0] : vector<512x8xf32> to vector<8xf32>
    %broadcast_in_dim3A_179 = vector.shape_cast %reduce_sum3A_178 : vector<8xf32> to vector<1x8xf32>
    %eq3A_180 = arith.constant 0 : i32
    %eq3A_181 = arith.cmpi eq, %arg1, %eq3A_180 : i32
    %convert_element_type3A_182 = arith.extui %eq3A_181 : i1 to i32
    %cond3A = arith.constant 0 : i32
    %cond3A_183 = arith.cmpi ne, %convert_element_type3A_182, %cond3A : i32
    scf.if %cond3A_183 {
      %swap3A_446 = arith.constant 0 : index
      %swap3A_447 = arith.constant 0 : index
      %swap3A_448 = arith.constant 0 : index
      %swap3A_449 = vector.load %arg6[%swap3A_446, %swap3A_447, %swap3A_448] : memref<1x1x8xf32, #tpu.memory_space<vmem>>, vector<1x1x8xf32>
      %swap3A_450 = vector.shape_cast %swap3A_449 : vector<1x1x8xf32> to vector<1x8xf32>
      %swap3A_451 = vector.shape_cast %broadcast_in_dim3A_179 : vector<1x8xf32> to vector<1x1x8xf32>
      tpu.vector_store %arg6[%swap3A_446, %swap3A_447, %swap3A_448], %swap3A_451 {strides = array<i32>} : memref<1x1x8xf32, #tpu.memory_space<vmem>>, vector<1x1x8xf32>,
    } else {
    }
    %ne3A = arith.constant 0 : i32
    %ne3A_184 = arith.cmpi ne, %arg1, %ne3A : i32
    %convert_element_type3A_185 = arith.extui %ne3A_184 : i1 to i32
    %cond3A_186 = arith.constant 0 : i32
    %cond3A_187 = arith.cmpi ne, %convert_element_type3A_185, %cond3A_186 : i32
    scf.if %cond3A_187 {
      %get3A_446 = arith.constant 0 : index
      %get3A_447 = arith.constant 0 : index
      %get3A_448 = arith.constant 0 : index
      %get3A_449 = vector.load %arg6[%get3A_446, %get3A_447, %get3A_448] : memref<1x1x8xf32, #tpu.memory_space<vmem>>, vector<1x1x8xf32>
      %get3A_450 = vector.shape_cast %get3A_449 : vector<1x1x8xf32> to vector<1x8xf32>
      %add3A_451 = arith.addf %get3A_450, %broadcast_in_dim3A_179 : vector<1x8xf32>
      %swap3A_452 = arith.constant 0 : index
      %swap3A_453 = arith.constant 0 : index
      %swap3A_454 = arith.constant 0 : index
      %swap3A_455 = vector.load %arg6[%swap3A_452, %swap3A_453, %swap3A_454] : memref<1x1x8xf32, #tpu.memory_space<vmem>>, vector<1x1x8xf32>
      %swap3A_456 = vector.shape_cast %swap3A_455 : vector<1x1x8xf32> to vector<1x8xf32>
      %swap3A_457 = vector.shape_cast %add3A_451 : vector<1x8xf32> to vector<1x1x8xf32>
      tpu.vector_store %arg6[%swap3A_452, %swap3A_453, %swap3A_454], %swap3A_457 {strides = array<i32>} : memref<1x1x8xf32, #tpu.memory_space<vmem>>, vector<1x1x8xf32>,
    } else {
    }
    %slice3A_188 = vector.extract_strided_slice %min3A_7 {offsets = [0, 0], sizes = [512, 1], strides = [1, 1]} : vector<512x3xf32> to vector<512x1xf32>
    %slice3A_189 = vector.extract_strided_slice %min3A_7 {offsets = [0, 1], sizes = [512, 1], strides = [1, 1]} : vector<512x3xf32> to vector<512x1xf32>
    %add3A_190 = arith.constant 1.000000e+00 : f32
    %add3A_191 = vector.broadcast %add3A_190 : f32 to vector<512x1xf32>
    %add3A_192 = arith.addf %slice3A_188, %add3A_191 : vector<512x1xf32>
    %mul3A_193 = arith.constant 5.000000e-01 : f32
    %mul3A_194 = vector.broadcast %mul3A_193 : f32 to vector<512x1xf32>
    %mul3A_195 = arith.mulf %add3A_192, %mul3A_194 : vector<512x1xf32>
    %mul3A_196 = arith.constant 2.560000e+02 : f32
    %mul3A_197 = vector.broadcast %mul3A_196 : f32 to vector<512x1xf32>
    %mul3A_198 = arith.mulf %mul3A_195, %mul3A_197 : vector<512x1xf32>
    %sub3A_199 = arith.constant 5.000000e-01 : f32
    %sub3A_200 = vector.broadcast %sub3A_199 : f32 to vector<512x1xf32>
    %sub3A_201 = arith.subf %mul3A_198, %sub3A_200 : vector<512x1xf32>
    %add3A_202 = arith.constant 1.000000e+00 : f32
    %add3A_203 = vector.broadcast %add3A_202 : f32 to vector<512x1xf32>
    %add3A_204 = arith.addf %slice3A_189, %add3A_203 : vector<512x1xf32>
    %mul3A_205 = arith.constant 5.000000e-01 : f32
    %mul3A_206 = vector.broadcast %mul3A_205 : f32 to vector<512x1xf32>
    %mul3A_207 = arith.mulf %add3A_204, %mul3A_206 : vector<512x1xf32>
    %mul3A_208 = arith.constant 2.560000e+02 : f32
    %mul3A_209 = vector.broadcast %mul3A_208 : f32 to vector<512x1xf32>
    %mul3A_210 = arith.mulf %mul3A_207, %mul3A_209 : vector<512x1xf32>
    %sub3A_211 = arith.constant 5.000000e-01 : f32
    %sub3A_212 = vector.broadcast %sub3A_211 : f32 to vector<512x1xf32>
    %sub3A_213 = arith.subf %mul3A_210, %sub3A_212 : vector<512x1xf32>
    %floor3A = math.floor %sub3A_201 : vector<512x1xf32>
    %convert_element_type3A_214 = arith.fptosi %floor3A : vector<512x1xf32> to vector<512x1xi32>
    %jit3A_215 = arith.constant 0 : i32
    %jit3A_216 = arith.constant 255 : i32
    %max3A_217 = vector.broadcast %jit3A_215 : i32 to vector<512x1xi32>
    %max3A_218 = arith.maxsi %max3A_217, %convert_element_type3A_214 : vector<512x1xi32>
    %min3A_219 = vector.broadcast %jit3A_216 : i32 to vector<512x1xi32>
    %min3A_220 = arith.minsi %min3A_219, %max3A_218 : vector<512x1xi32>
    %floor3A_221 = math.floor %sub3A_213 : vector<512x1xf32>
    %convert_element_type3A_222 = arith.fptosi %floor3A_221 : vector<512x1xf32> to vector<512x1xi32>
    %jit3A_223 = arith.constant 0 : i32
    %jit3A_224 = arith.constant 255 : i32
    %max3A_225 = vector.broadcast %jit3A_223 : i32 to vector<512x1xi32>
    %max3A_226 = arith.maxsi %max3A_225, %convert_element_type3A_222 : vector<512x1xi32>
    %min3A_227 = vector.broadcast %jit3A_224 : i32 to vector<512x1xi32>
    %min3A_228 = arith.minsi %min3A_227, %max3A_226 : vector<512x1xi32>
    %add3A_229 = arith.constant 1 : i32
    %add3A_230 = vector.broadcast %add3A_229 : i32 to vector<512x1xi32>
    %add3A_231 = arith.addi %min3A_220, %add3A_230 : vector<512x1xi32>
    %min3A_232 = arith.constant 255 : i32
    %min3A_233 = vector.broadcast %min3A_232 : i32 to vector<512x1xi32>
    %min3A_234 = arith.minsi %add3A_231, %min3A_233 : vector<512x1xi32>
    %add3A_235 = arith.constant 1 : i32
    %add3A_236 = vector.broadcast %add3A_235 : i32 to vector<512x1xi32>
    %add3A_237 = arith.addi %min3A_228, %add3A_236 : vector<512x1xi32>
    %min3A_238 = arith.constant 255 : i32
    %min3A_239 = vector.broadcast %min3A_238 : i32 to vector<512x1xi32>
    %min3A_240 = arith.minsi %add3A_237, %min3A_239 : vector<512x1xi32>
    %mul3A_241 = arith.constant 3 : i32
    %mul3A_242 = arith.muli %add3A_0, %mul3A_241 : i32
    %add3A_243 = arith.constant 0 : i32
    %add3A_244 = arith.addi %mul3A_242, %add3A_243 : i32
    %mul3A_245 = arith.constant 65536 : i32
    %mul3A_246 = arith.muli %add3A_244, %mul3A_245 : i32
    %mul3A_247 = arith.constant 256 : i32
    %mul3A_248 = vector.broadcast %mul3A_247 : i32 to vector<512x1xi32>
    %mul3A_249 = arith.muli %min3A_228, %mul3A_248 : vector<512x1xi32>
    %add3A_250 = vector.broadcast %mul3A_246 : i32 to vector<512x1xi32>
    %add3A_251 = arith.addi %add3A_250, %mul3A_249 : vector<512x1xi32>
    %add3A_252 = arith.addi %add3A_251, %min3A_220 : vector<512x1xi32>
    %mul3A_253 = arith.constant 256 : i32
    %mul3A_254 = vector.broadcast %mul3A_253 : i32 to vector<512x1xi32>
    %mul3A_255 = arith.muli %min3A_228, %mul3A_254 : vector<512x1xi32>
    %add3A_256 = vector.broadcast %mul3A_246 : i32 to vector<512x1xi32>
    %add3A_257 = arith.addi %add3A_256, %mul3A_255 : vector<512x1xi32>
    %add3A_258 = arith.addi %add3A_257, %min3A_234 : vector<512x1xi32>
    %mul3A_259 = arith.constant 256 : i32
    %mul3A_260 = vector.broadcast %mul3A_259 : i32 to vector<512x1xi32>
    %mul3A_261 = arith.muli %min3A_240, %mul3A_260 : vector<512x1xi32>
    %add3A_262 = vector.broadcast %mul3A_246 : i32 to vector<512x1xi32>
    %add3A_263 = arith.addi %add3A_262, %mul3A_261 : vector<512x1xi32>
    %add3A_264 = arith.addi %add3A_263, %min3A_220 : vector<512x1xi32>
    %mul3A_265 = arith.constant 256 : i32
    %mul3A_266 = vector.broadcast %mul3A_265 : i32 to vector<512x1xi32>
    %mul3A_267 = arith.muli %min3A_240, %mul3A_266 : vector<512x1xi32>
    %add3A_268 = vector.broadcast %mul3A_246 : i32 to vector<512x1xi32>
    %add3A_269 = arith.addi %add3A_268, %mul3A_267 : vector<512x1xi32>
    %add3A_270 = arith.addi %add3A_269, %min3A_234 : vector<512x1xi32>
    %slice3A_271 = vector.extract_strided_slice %min3A_7 {offsets = [0, 0], sizes = [512, 1], strides = [1, 1]} : vector<512x3xf32> to vector<512x1xf32>
    %slice3A_272 = vector.extract_strided_slice %min3A_7 {offsets = [0, 2], sizes = [512, 1], strides = [1, 1]} : vector<512x3xf32> to vector<512x1xf32>
    %add3A_273 = arith.constant 1.000000e+00 : f32
    %add3A_274 = vector.broadcast %add3A_273 : f32 to vector<512x1xf32>
    %add3A_275 = arith.addf %slice3A_271, %add3A_274 : vector<512x1xf32>
    %mul3A_276 = arith.constant 5.000000e-01 : f32
    %mul3A_277 = vector.broadcast %mul3A_276 : f32 to vector<512x1xf32>
    %mul3A_278 = arith.mulf %add3A_275, %mul3A_277 : vector<512x1xf32>
    %mul3A_279 = arith.constant 2.560000e+02 : f32
    %mul3A_280 = vector.broadcast %mul3A_279 : f32 to vector<512x1xf32>
    %mul3A_281 = arith.mulf %mul3A_278, %mul3A_280 : vector<512x1xf32>
    %sub3A_282 = arith.constant 5.000000e-01 : f32
    %sub3A_283 = vector.broadcast %sub3A_282 : f32 to vector<512x1xf32>
    %sub3A_284 = arith.subf %mul3A_281, %sub3A_283 : vector<512x1xf32>
    %add3A_285 = arith.constant 1.000000e+00 : f32
    %add3A_286 = vector.broadcast %add3A_285 : f32 to vector<512x1xf32>
    %add3A_287 = arith.addf %slice3A_272, %add3A_286 : vector<512x1xf32>
    %mul3A_288 = arith.constant 5.000000e-01 : f32
    %mul3A_289 = vector.broadcast %mul3A_288 : f32 to vector<512x1xf32>
    %mul3A_290 = arith.mulf %add3A_287, %mul3A_289 : vector<512x1xf32>
    %mul3A_291 = arith.constant 2.560000e+02 : f32
    %mul3A_292 = vector.broadcast %mul3A_291 : f32 to vector<512x1xf32>
    %mul3A_293 = arith.mulf %mul3A_290, %mul3A_292 : vector<512x1xf32>
    %sub3A_294 = arith.constant 5.000000e-01 : f32
    %sub3A_295 = vector.broadcast %sub3A_294 : f32 to vector<512x1xf32>
    %sub3A_296 = arith.subf %mul3A_293, %sub3A_295 : vector<512x1xf32>
    %floor3A_297 = math.floor %sub3A_284 : vector<512x1xf32>
    %convert_element_type3A_298 = arith.fptosi %floor3A_297 : vector<512x1xf32> to vector<512x1xi32>
    %jit3A_299 = arith.constant 0 : i32
    %jit3A_300 = arith.constant 255 : i32
    %max3A_301 = vector.broadcast %jit3A_299 : i32 to vector<512x1xi32>
    %max3A_302 = arith.maxsi %max3A_301, %convert_element_type3A_298 : vector<512x1xi32>
    %min3A_303 = vector.broadcast %jit3A_300 : i32 to vector<512x1xi32>
    %min3A_304 = arith.minsi %min3A_303, %max3A_302 : vector<512x1xi32>
    %floor3A_305 = math.floor %sub3A_296 : vector<512x1xf32>
    %convert_element_type3A_306 = arith.fptosi %floor3A_305 : vector<512x1xf32> to vector<512x1xi32>
    %jit3A_307 = arith.constant 0 : i32
    %jit3A_308 = arith.constant 255 : i32
    %max3A_309 = vector.broadcast %jit3A_307 : i32 to vector<512x1xi32>
    %max3A_310 = arith.maxsi %max3A_309, %convert_element_type3A_306 : vector<512x1xi32>
    %min3A_311 = vector.broadcast %jit3A_308 : i32 to vector<512x1xi32>
    %min3A_312 = arith.minsi %min3A_311, %max3A_310 : vector<512x1xi32>
    %add3A_313 = arith.constant 1 : i32
    %add3A_314 = vector.broadcast %add3A_313 : i32 to vector<512x1xi32>
    %add3A_315 = arith.addi %min3A_304, %add3A_314 : vector<512x1xi32>
    %min3A_316 = arith.constant 255 : i32
    %min3A_317 = vector.broadcast %min3A_316 : i32 to vector<512x1xi32>
    %min3A_318 = arith.minsi %add3A_315, %min3A_317 : vector<512x1xi32>
    %add3A_319 = arith.constant 1 : i32
    %add3A_320 = vector.broadcast %add3A_319 : i32 to vector<512x1xi32>
    %add3A_321 = arith.addi %min3A_312, %add3A_320 : vector<512x1xi32>
    %min3A_322 = arith.constant 255 : i32
    %min3A_323 = vector.broadcast %min3A_322 : i32 to vector<512x1xi32>
    %min3A_324 = arith.minsi %add3A_321, %min3A_323 : vector<512x1xi32>
    %mul3A_325 = arith.constant 3 : i32
    %mul3A_326 = arith.muli %add3A_0, %mul3A_325 : i32
    %add3A_327 = arith.constant 1 : i32
    %add3A_328 = arith.addi %mul3A_326, %add3A_327 : i32
    %mul3A_329 = arith.constant 65536 : i32
    %mul3A_330 = arith.muli %add3A_328, %mul3A_329 : i32
    %mul3A_331 = arith.constant 256 : i32
    %mul3A_332 = vector.broadcast %mul3A_331 : i32 to vector<512x1xi32>
    %mul3A_333 = arith.muli %min3A_312, %mul3A_332 : vector<512x1xi32>
    %add3A_334 = vector.broadcast %mul3A_330 : i32 to vector<512x1xi32>
    %add3A_335 = arith.addi %add3A_334, %mul3A_333 : vector<512x1xi32>
    %add3A_336 = arith.addi %add3A_335, %min3A_304 : vector<512x1xi32>
    %mul3A_337 = arith.constant 256 : i32
    %mul3A_338 = vector.broadcast %mul3A_337 : i32 to vector<512x1xi32>
    %mul3A_339 = arith.muli %min3A_312, %mul3A_338 : vector<512x1xi32>
    %add3A_340 = vector.broadcast %mul3A_330 : i32 to vector<512x1xi32>
    %add3A_341 = arith.addi %add3A_340, %mul3A_339 : vector<512x1xi32>
    %add3A_342 = arith.addi %add3A_341, %min3A_318 : vector<512x1xi32>
    %mul3A_343 = arith.constant 256 : i32
    %mul3A_344 = vector.broadcast %mul3A_343 : i32 to vector<512x1xi32>
    %mul3A_345 = arith.muli %min3A_324, %mul3A_344 : vector<512x1xi32>
    %add3A_346 = vector.broadcast %mul3A_330 : i32 to vector<512x1xi32>
    %add3A_347 = arith.addi %add3A_346, %mul3A_345 : vector<512x1xi32>
    %add3A_348 = arith.addi %add3A_347, %min3A_304 : vector<512x1xi32>
    %mul3A_349 = arith.constant 256 : i32
    %mul3A_350 = vector.broadcast %mul3A_349 : i32 to vector<512x1xi32>
    %mul3A_351 = arith.muli %min3A_324, %mul3A_350 : vector<512x1xi32>
    %add3A_352 = vector.broadcast %mul3A_330 : i32 to vector<512x1xi32>
    %add3A_353 = arith.addi %add3A_352, %mul3A_351 : vector<512x1xi32>
    %add3A_354 = arith.addi %add3A_353, %min3A_318 : vector<512x1xi32>
    %slice3A_355 = vector.extract_strided_slice %min3A_7 {offsets = [0, 1], sizes = [512, 1], strides = [1, 1]} : vector<512x3xf32> to vector<512x1xf32>
    %slice3A_356 = vector.extract_strided_slice %min3A_7 {offsets = [0, 2], sizes = [512, 1], strides = [1, 1]} : vector<512x3xf32> to vector<512x1xf32>
    %add3A_357 = arith.constant 1.000000e+00 : f32
    %add3A_358 = vector.broadcast %add3A_357 : f32 to vector<512x1xf32>
    %add3A_359 = arith.addf %slice3A_355, %add3A_358 : vector<512x1xf32>
    %mul3A_360 = arith.constant 5.000000e-01 : f32
    %mul3A_361 = vector.broadcast %mul3A_360 : f32 to vector<512x1xf32>
    %mul3A_362 = arith.mulf %add3A_359, %mul3A_361 : vector<512x1xf32>
    %mul3A_363 = arith.constant 2.560000e+02 : f32
    %mul3A_364 = vector.broadcast %mul3A_363 : f32 to vector<512x1xf32>
    %mul3A_365 = arith.mulf %mul3A_362, %mul3A_364 : vector<512x1xf32>
    %sub3A_366 = arith.constant 5.000000e-01 : f32
    %sub3A_367 = vector.broadcast %sub3A_366 : f32 to vector<512x1xf32>
    %sub3A_368 = arith.subf %mul3A_365, %sub3A_367 : vector<512x1xf32>
    %add3A_369 = arith.constant 1.000000e+00 : f32
    %add3A_370 = vector.broadcast %add3A_369 : f32 to vector<512x1xf32>
    %add3A_371 = arith.addf %slice3A_356, %add3A_370 : vector<512x1xf32>
    %mul3A_372 = arith.constant 5.000000e-01 : f32
    %mul3A_373 = vector.broadcast %mul3A_372 : f32 to vector<512x1xf32>
    %mul3A_374 = arith.mulf %add3A_371, %mul3A_373 : vector<512x1xf32>
    %mul3A_375 = arith.constant 2.560000e+02 : f32
    %mul3A_376 = vector.broadcast %mul3A_375 : f32 to vector<512x1xf32>
    %mul3A_377 = arith.mulf %mul3A_374, %mul3A_376 : vector<512x1xf32>
    %sub3A_378 = arith.constant 5.000000e-01 : f32
    %sub3A_379 = vector.broadcast %sub3A_378 : f32 to vector<512x1xf32>
    %sub3A_380 = arith.subf %mul3A_377, %sub3A_379 : vector<512x1xf32>
    %floor3A_381 = math.floor %sub3A_368 : vector<512x1xf32>
    %convert_element_type3A_382 = arith.fptosi %floor3A_381 : vector<512x1xf32> to vector<512x1xi32>
    %jit3A_383 = arith.constant 0 : i32
    %jit3A_384 = arith.constant 255 : i32
    %max3A_385 = vector.broadcast %jit3A_383 : i32 to vector<512x1xi32>
    %max3A_386 = arith.maxsi %max3A_385, %convert_element_type3A_382 : vector<512x1xi32>
    %min3A_387 = vector.broadcast %jit3A_384 : i32 to vector<512x1xi32>
    %min3A_388 = arith.minsi %min3A_387, %max3A_386 : vector<512x1xi32>
    %floor3A_389 = math.floor %sub3A_380 : vector<512x1xf32>
    %convert_element_type3A_390 = arith.fptosi %floor3A_389 : vector<512x1xf32> to vector<512x1xi32>
    %jit3A_391 = arith.constant 0 : i32
    %jit3A_392 = arith.constant 255 : i32
    %max3A_393 = vector.broadcast %jit3A_391 : i32 to vector<512x1xi32>
    %max3A_394 = arith.maxsi %max3A_393, %convert_element_type3A_390 : vector<512x1xi32>
    %min3A_395 = vector.broadcast %jit3A_392 : i32 to vector<512x1xi32>
    %min3A_396 = arith.minsi %min3A_395, %max3A_394 : vector<512x1xi32>
    %add3A_397 = arith.constant 1 : i32
    %add3A_398 = vector.broadcast %add3A_397 : i32 to vector<512x1xi32>
    %add3A_399 = arith.addi %min3A_388, %add3A_398 : vector<512x1xi32>
    %min3A_400 = arith.constant 255 : i32
    %min3A_401 = vector.broadcast %min3A_400 : i32 to vector<512x1xi32>
    %min3A_402 = arith.minsi %add3A_399, %min3A_401 : vector<512x1xi32>
    %add3A_403 = arith.constant 1 : i32
    %add3A_404 = vector.broadcast %add3A_403 : i32 to vector<512x1xi32>
    %add3A_405 = arith.addi %min3A_396, %add3A_404 : vector<512x1xi32>
    %min3A_406 = arith.constant 255 : i32
    %min3A_407 = vector.broadcast %min3A_406 : i32 to vector<512x1xi32>
    %min3A_408 = arith.minsi %add3A_405, %min3A_407 : vector<512x1xi32>
    %mul3A_409 = arith.constant 3 : i32
    %mul3A_410 = arith.muli %add3A_0, %mul3A_409 : i32
    %add3A_411 = arith.constant 2 : i32
    %add3A_412 = arith.addi %mul3A_410, %add3A_411 : i32
    %mul3A_413 = arith.constant 65536 : i32
    %mul3A_414 = arith.muli %add3A_412, %mul3A_413 : i32
    %mul3A_415 = arith.constant 256 : i32
    %mul3A_416 = vector.broadcast %mul3A_415 : i32 to vector<512x1xi32>
    %mul3A_417 = arith.muli %min3A_396, %mul3A_416 : vector<512x1xi32>
    %add3A_418 = vector.broadcast %mul3A_414 : i32 to vector<512x1xi32>
    %add3A_419 = arith.addi %add3A_418, %mul3A_417 : vector<512x1xi32>
    %add3A_420 = arith.addi %add3A_419, %min3A_388 : vector<512x1xi32>
    %mul3A_421 = arith.constant 256 : i32
    %mul3A_422 = vector.broadcast %mul3A_421 : i32 to vector<512x1xi32>
    %mul3A_423 = arith.muli %min3A_396, %mul3A_422 : vector<512x1xi32>
    %add3A_424 = vector.broadcast %mul3A_414 : i32 to vector<512x1xi32>
    %add3A_425 = arith.addi %add3A_424, %mul3A_423 : vector<512x1xi32>
    %add3A_426 = arith.addi %add3A_425, %min3A_402 : vector<512x1xi32>
    %mul3A_427 = arith.constant 256 : i32
    %mul3A_428 = vector.broadcast %mul3A_427 : i32 to vector<512x1xi32>
    %mul3A_429 = arith.muli %min3A_408, %mul3A_428 : vector<512x1xi32>
    %add3A_430 = vector.broadcast %mul3A_414 : i32 to vector<512x1xi32>
    %add3A_431 = arith.addi %add3A_430, %mul3A_429 : vector<512x1xi32>
    %add3A_432 = arith.addi %add3A_431, %min3A_388 : vector<512x1xi32>
    %mul3A_433 = arith.constant 256 : i32
    %mul3A_434 = vector.broadcast %mul3A_433 : i32 to vector<512x1xi32>
    %mul3A_435 = arith.muli %min3A_408, %mul3A_434 : vector<512x1xi32>
    %add3A_436 = vector.broadcast %mul3A_414 : i32 to vector<512x1xi32>
    %add3A_437 = arith.addi %add3A_436, %mul3A_435 : vector<512x1xi32>
    %add3A_438 = arith.addi %add3A_437, %min3A_402 : vector<512x1xi32>
    %concatenate3A_439 = tpu.concatenate %add3A_252, %add3A_258, %add3A_264, %add3A_270, %add3A_336, %add3A_342, %add3A_348, %add3A_354, %add3A_420, %add3A_426, %add3A_432, %add3A_438 in 1 : vector<512x1xi32>, vector<512x1xi32>, vector<512x1xi32>, vector<512x1xi32>, vector<512x1xi32>, vector<512x1xi32>, vector<512x1xi32>, vector<512x1xi32>, vector<512x1xi32>, vector<512x1xi32>, vector<512x1xi32>, vector<512x1xi32> -> vector<512x12xi32>
    %swap3A_440 = arith.constant 0 : index
    %swap3A_441 = arith.constant 0 : index
    %swap3A_442 = arith.constant 0 : index
    %swap3A_443 = vector.load %arg7[%swap3A_440, %swap3A_441, %swap3A_442] : memref<1x512x12xi32, #tpu.memory_space<vmem>>, vector<1x512x12xi32>
    %swap3A_444 = vector.shape_cast %swap3A_443 : vector<1x512x12xi32> to vector<512x12xi32>
    %swap3A_445 = vector.shape_cast %concatenate3A_439 : vector<512x12xi32> to vector<1x512x12xi32>
    tpu.vector_store %arg7[%swap3A_440, %swap3A_441, %swap3A_442], %swap3A_445 {strides = array<i32>} : memref<1x512x12xi32, #tpu.memory_space<vmem>>, vector<1x512x12xi32>,
    return
  }
  func.func @transform_0(%arg0: i32, %arg1: i32) -> (i32, i32, i32) {
    %c0_i32 = arith.constant 0 : i32
    %c0_i32_0 = arith.constant 0 : i32
    return %arg0, %arg1, %c0_i32 : i32, i32, i32
  }
  func.func @transform_1(%arg0: i32, %arg1: i32) -> (i32, i32, i32) {
    %c0_i32 = arith.constant 0 : i32
    %c0_i32_0 = arith.constant 0 : i32
    %c0_i32_1 = arith.constant 0 : i32
    return %arg0, %c0_i32, %c0_i32_0 : i32, i32, i32
  }
  func.func @transform_2(%arg0: i32, %arg1: i32) -> (i32, i32, i32) {
    %c0_i32 = arith.constant 0 : i32
    %c0_i32_0 = arith.constant 0 : i32
    return %arg0, %arg1, %c0_i32 : i32, i32, i32
  }
  func.func @transform_3(%arg0: i32, %arg1: i32) -> (i32, i32, i32) {
    %c0_i32 = arith.constant 0 : i32
    %c0_i32_0 = arith.constant 0 : i32
    return %arg0, %arg1, %c0_i32 : i32, i32, i32
  }
  func.func @transform_4(%arg0: i32, %arg1: i32) -> (i32, i32, i32) {
    %c0_i32 = arith.constant 0 : i32
    %c0_i32_0 = arith.constant 0 : i32
    %c0_i32_1 = arith.constant 0 : i32
    return %arg0, %c0_i32, %c0_i32_0 : i32, i32, i32
  }
  func.func @transform_5(%arg0: i32, %arg1: i32) -> (i32, i32, i32) {
    %c0_i32 = arith.constant 0 : i32
    %c0_i32_0 = arith.constant 0 : i32
    return %arg0, %arg1, %c0_i32 : i32, i32, i32
  }
}

module attributes {stable_mosaic.version = 14 : i64} {
  func.func @_decode_body(%arg0: i32, %arg1: i32, %arg2: memref<1x512x3xf32, #tpu.memory_space<vmem>>, %arg3: memref<1x3x512xf32, #tpu.memory_space<vmem>>, %arg4: memref<1x3x512xf32, #tpu.memory_space<vmem>>, %arg5: memref<1x512x8xf32, #tpu.memory_space<vmem>>, %arg6: memref<1x1x8xf32, #tpu.memory_space<vmem>>, %arg7: memref<1x512x384xf32, #tpu.memory_space<vmem>>, %arg8: memref<1x512x384xf32, #tpu.memory_space<vmem>>, %arg9: memref<71x64xf32, #tpu.memory_space<vmem>>, %arg10: memref<1x64xf32, #tpu.memory_space<vmem>>, %arg11: memref<64x32xf32, #tpu.memory_space<vmem>>, %arg12: memref<1x32xf32, #tpu.memory_space<vmem>>, %arg13: memref<64x128xf32, #tpu.memory_space<vmem>>, %arg14: memref<1x128xf32, #tpu.memory_space<vmem>>, %arg15: memref<128x128xf32, #tpu.memory_space<vmem>>, %arg16: memref<1x128xf32, #tpu.memory_space<vmem>>, %arg17: memref<128x128xf32, #tpu.memory_space<vmem>>, %arg18: memref<1x128xf32, #tpu.memory_space<vmem>>, %arg19: memref<128x1xf32, #tpu.memory_space<vmem>>, %arg20: memref<1x1xf32, #tpu.memory_space<vmem>>, %arg21: memref<128x64xf32, #tpu.memory_space<vmem>>, %arg22: memref<27x64xf32, #tpu.memory_space<vmem>>, %arg23: memref<1x64xf32, #tpu.memory_space<vmem>>, %arg24: memref<64x32xf32, #tpu.memory_space<vmem>>, %arg25: memref<1x32xf32, #tpu.memory_space<vmem>>, %arg26: memref<1x512x1xf32, #tpu.memory_space<vmem>>, %arg27: memref<1x512x32xf32, #tpu.memory_space<vmem>>) attributes {dimension_semantics = [#tpu.dimension_semantics<arbitrary>, #tpu.dimension_semantics<arbitrary>], iteration_bounds = array<i64: 1, 8>, scalar_prefetch = 0 : i64, scratch_operands = 0 : i64, tpu.core_type = #tpu.core_type<tc>, window_params = [{transform_indices = @transform_0, window_bounds = array<i64: 1, 512, 3>}, {transform_indices = @transform_1, window_bounds = array<i64: 1, 3, 512>}, {transform_indices = @transform_2, window_bounds = array<i64: 1, 3, 512>}, {transform_indices = @transform_3, window_bounds = array<i64: 1, 512, 8>}, {transform_indices = @transform_4, window_bounds = array<i64: 1, 1, 8>}, {transform_indices = @transform_5, window_bounds = array<i64: 1, 512, 384>}, {transform_indices = @transform_6, window_bounds = array<i64: 1, 512, 384>}, {pipeline_mode = #tpu.pipeline_mode<synchronous>, transform_indices = @transform_7, window_bounds = array<i64: 71, 64>}, {pipeline_mode = #tpu.pipeline_mode<synchronous>, transform_indices = @transform_8, window_bounds = array<i64: 1, 64>}, {pipeline_mode = #tpu.pipeline_mode<synchronous>, transform_indices = @transform_9, window_bounds = array<i64: 64, 32>}, {pipeline_mode = #tpu.pipeline_mode<synchronous>, transform_indices = @transform_10, window_bounds = array<i64: 1, 32>}, {pipeline_mode = #tpu.pipeline_mode<synchronous>, transform_indices = @transform_11, window_bounds = array<i64: 64, 128>}, {pipeline_mode = #tpu.pipeline_mode<synchronous>, transform_indices = @transform_12, window_bounds = array<i64: 1, 128>}, {pipeline_mode = #tpu.pipeline_mode<synchronous>, transform_indices = @transform_13, window_bounds = array<i64: 128, 128>}, {pipeline_mode = #tpu.pipeline_mode<synchronous>, transform_indices = @transform_14, window_bounds = array<i64: 1, 128>}, {pipeline_mode = #tpu.pipeline_mode<synchronous>, transform_indices = @transform_15, window_bounds = array<i64: 128, 128>}, {pipeline_mode = #tpu.pipeline_mode<synchronous>, transform_indices = @transform_16, window_bounds = array<i64: 1, 128>}, {pipeline_mode = #tpu.pipeline_mode<synchronous>, transform_indices = @transform_17, window_bounds = array<i64: 128, 1>}, {pipeline_mode = #tpu.pipeline_mode<synchronous>, transform_indices = @transform_18, window_bounds = array<i64: 1, 1>}, {pipeline_mode = #tpu.pipeline_mode<synchronous>, transform_indices = @transform_19, window_bounds = array<i64: 128, 64>}, {pipeline_mode = #tpu.pipeline_mode<synchronous>, transform_indices = @transform_20, window_bounds = array<i64: 27, 64>}, {pipeline_mode = #tpu.pipeline_mode<synchronous>, transform_indices = @transform_21, window_bounds = array<i64: 1, 64>}, {pipeline_mode = #tpu.pipeline_mode<synchronous>, transform_indices = @transform_22, window_bounds = array<i64: 64, 32>}, {pipeline_mode = #tpu.pipeline_mode<synchronous>, transform_indices = @transform_23, window_bounds = array<i64: 1, 32>}, {transform_indices = @transform_24, window_bounds = array<i64: 1, 512, 1>}, {transform_indices = @transform_25, window_bounds = array<i64: 1, 512, 32>}]} {
    %get3A = arith.constant 0 : index
    %get3A_0 = arith.constant 0 : index
    %get3A_1 = arith.constant 0 : index
    %get3A_2 = vector.load %arg2[%get3A, %get3A_0, %get3A_1] : memref<1x512x3xf32, #tpu.memory_space<vmem>>, vector<1x512x3xf32>
    %get3A_3 = vector.shape_cast %get3A_2 : vector<1x512x3xf32> to vector<512x3xf32>
    %jit3A = arith.constant -9.990000e-01 : f32
    %jit3A_4 = arith.constant 9.990000e-01 : f32
    %max3A = vector.broadcast %jit3A : f32 to vector<512x3xf32>
    %max3A_5 = arith.maximumf %max3A, %get3A_3 : vector<512x3xf32>
    %min3A = vector.broadcast %jit3A_4 : f32 to vector<512x3xf32>
    %min3A_6 = arith.minimumf %min3A, %max3A_5 : vector<512x3xf32>
    %get3A_7 = arith.constant 0 : index
    %get3A_8 = arith.constant 0 : index
    %get3A_9 = arith.constant 0 : index
    %get3A_10 = vector.load %arg3[%get3A_7, %get3A_8, %get3A_9] : memref<1x3x512xf32, #tpu.memory_space<vmem>>, vector<1x3x512xf32>
    %get3A_11 = vector.shape_cast %get3A_10 : vector<1x3x512xf32> to vector<3x512xf32>
    %jit3A_12 = arith.constant -9.990000e-01 : f32
    %jit3A_13 = arith.constant 9.990000e-01 : f32
    %max3A_14 = vector.broadcast %jit3A_12 : f32 to vector<3x512xf32>
    %max3A_15 = arith.maximumf %max3A_14, %get3A_11 : vector<3x512xf32>
    %min3A_16 = vector.broadcast %jit3A_13 : f32 to vector<3x512xf32>
    %min3A_17 = arith.minimumf %min3A_16, %max3A_15 : vector<3x512xf32>
    %get3A_18 = arith.constant 0 : index
    %get3A_19 = arith.constant 0 : index
    %get3A_20 = arith.constant 0 : index
    %get3A_21 = vector.load %arg8[%get3A_18, %get3A_19, %get3A_20] : memref<1x512x384xf32, #tpu.memory_space<vmem>>, vector<1x512x384xf32>
    %get3A_22 = vector.shape_cast %get3A_21 : vector<1x512x384xf32> to vector<512x384xf32>
    %broadcast_in_dim3A = arith.constant 0.000000e+00 : f32
    %broadcast_in_dim3A_23 = vector.broadcast %broadcast_in_dim3A : f32 to vector<512x32xf32>
    %slice3A = vector.extract_strided_slice %min3A_6 {offsets = [0, 0], sizes = [512, 1], strides = [1, 1]} : vector<512x3xf32> to vector<512x1xf32>
    %slice3A_24 = vector.extract_strided_slice %min3A_6 {offsets = [0, 1], sizes = [512, 1], strides = [1, 1]} : vector<512x3xf32> to vector<512x1xf32>
    %add3A = arith.constant 1.000000e+00 : f32
    %add3A_25 = vector.broadcast %add3A : f32 to vector<512x1xf32>
    %add3A_26 = arith.addf %slice3A, %add3A_25 : vector<512x1xf32>
    %mul3A = arith.constant 5.000000e-01 : f32
    %mul3A_27 = vector.broadcast %mul3A : f32 to vector<512x1xf32>
    %mul3A_28 = arith.mulf %add3A_26, %mul3A_27 : vector<512x1xf32>
    %mul3A_29 = arith.constant 2.560000e+02 : f32
    %mul3A_30 = vector.broadcast %mul3A_29 : f32 to vector<512x1xf32>
    %mul3A_31 = arith.mulf %mul3A_28, %mul3A_30 : vector<512x1xf32>
    %sub3A = arith.constant 5.000000e-01 : f32
    %sub3A_32 = vector.broadcast %sub3A : f32 to vector<512x1xf32>
    %sub3A_33 = arith.subf %mul3A_31, %sub3A_32 : vector<512x1xf32>
    %add3A_34 = arith.constant 1.000000e+00 : f32
    %add3A_35 = vector.broadcast %add3A_34 : f32 to vector<512x1xf32>
    %add3A_36 = arith.addf %slice3A_24, %add3A_35 : vector<512x1xf32>
    %mul3A_37 = arith.constant 5.000000e-01 : f32
    %mul3A_38 = vector.broadcast %mul3A_37 : f32 to vector<512x1xf32>
    %mul3A_39 = arith.mulf %add3A_36, %mul3A_38 : vector<512x1xf32>
    %mul3A_40 = arith.constant 2.560000e+02 : f32
    %mul3A_41 = vector.broadcast %mul3A_40 : f32 to vector<512x1xf32>
    %mul3A_42 = arith.mulf %mul3A_39, %mul3A_41 : vector<512x1xf32>
    %sub3A_43 = arith.constant 5.000000e-01 : f32
    %sub3A_44 = vector.broadcast %sub3A_43 : f32 to vector<512x1xf32>
    %sub3A_45 = arith.subf %mul3A_42, %sub3A_44 : vector<512x1xf32>
    %floor3A = math.floor %sub3A_33 : vector<512x1xf32>
    %sub3A_46 = arith.subf %sub3A_33, %floor3A : vector<512x1xf32>
    %floor3A_47 = math.floor %sub3A_45 : vector<512x1xf32>
    %sub3A_48 = arith.subf %sub3A_45, %floor3A_47 : vector<512x1xf32>
    %sub3A_49 = arith.constant 1.000000e+00 : f32
    %sub3A_50 = vector.broadcast %sub3A_49 : f32 to vector<512x1xf32>
    %sub3A_51 = arith.subf %sub3A_50, %sub3A_46 : vector<512x1xf32>
    %sub3A_52 = arith.constant 1.000000e+00 : f32
    %sub3A_53 = vector.broadcast %sub3A_52 : f32 to vector<512x1xf32>
    %sub3A_54 = arith.subf %sub3A_53, %sub3A_48 : vector<512x1xf32>
    %mul3A_55 = arith.mulf %sub3A_51, %sub3A_54 : vector<512x1xf32>
    %sub3A_56 = arith.constant 1.000000e+00 : f32
    %sub3A_57 = vector.broadcast %sub3A_56 : f32 to vector<512x1xf32>
    %sub3A_58 = arith.subf %sub3A_57, %sub3A_48 : vector<512x1xf32>
    %mul3A_59 = arith.mulf %sub3A_46, %sub3A_58 : vector<512x1xf32>
    %sub3A_60 = arith.constant 1.000000e+00 : f32
    %sub3A_61 = vector.broadcast %sub3A_60 : f32 to vector<512x1xf32>
    %sub3A_62 = arith.subf %sub3A_61, %sub3A_46 : vector<512x1xf32>
    %mul3A_63 = arith.mulf %sub3A_62, %sub3A_48 : vector<512x1xf32>
    %mul3A_64 = arith.mulf %sub3A_46, %sub3A_48 : vector<512x1xf32>
    %slice3A_65 = vector.extract_strided_slice %get3A_22 {offsets = [0, 0], sizes = [512, 32], strides = [1, 1]} : vector<512x384xf32> to vector<512x32xf32>
    %mul3A_66 = vector.broadcast %mul3A_55 : vector<512x1xf32> to vector<512x32xf32>
    %mul3A_67 = arith.mulf %mul3A_66, %slice3A_65 : vector<512x32xf32>
    %add3A_68 = arith.addf %broadcast_in_dim3A_23, %mul3A_67 : vector<512x32xf32>
    %slice3A_69 = vector.extract_strided_slice %get3A_22 {offsets = [0, 32], sizes = [512, 32], strides = [1, 1]} : vector<512x384xf32> to vector<512x32xf32>
    %mul3A_70 = vector.broadcast %mul3A_59 : vector<512x1xf32> to vector<512x32xf32>
    %mul3A_71 = arith.mulf %mul3A_70, %slice3A_69 : vector<512x32xf32>
    %add3A_72 = arith.addf %add3A_68, %mul3A_71 : vector<512x32xf32>
    %slice3A_73 = vector.extract_strided_slice %get3A_22 {offsets = [0, 64], sizes = [512, 32], strides = [1, 1]} : vector<512x384xf32> to vector<512x32xf32>
    %mul3A_74 = vector.broadcast %mul3A_63 : vector<512x1xf32> to vector<512x32xf32>
    %mul3A_75 = arith.mulf %mul3A_74, %slice3A_73 : vector<512x32xf32>
    %add3A_76 = arith.addf %add3A_72, %mul3A_75 : vector<512x32xf32>
    %slice3A_77 = vector.extract_strided_slice %get3A_22 {offsets = [0, 96], sizes = [512, 32], strides = [1, 1]} : vector<512x384xf32> to vector<512x32xf32>
    %mul3A_78 = vector.broadcast %mul3A_64 : vector<512x1xf32> to vector<512x32xf32>
    %mul3A_79 = arith.mulf %mul3A_78, %slice3A_77 : vector<512x32xf32>
    %add3A_80 = arith.addf %add3A_76, %mul3A_79 : vector<512x32xf32>
    %slice3A_81 = vector.extract_strided_slice %min3A_6 {offsets = [0, 0], sizes = [512, 1], strides = [1, 1]} : vector<512x3xf32> to vector<512x1xf32>
    %slice3A_82 = vector.extract_strided_slice %min3A_6 {offsets = [0, 2], sizes = [512, 1], strides = [1, 1]} : vector<512x3xf32> to vector<512x1xf32>
    %add3A_83 = arith.constant 1.000000e+00 : f32
    %add3A_84 = vector.broadcast %add3A_83 : f32 to vector<512x1xf32>
    %add3A_85 = arith.addf %slice3A_81, %add3A_84 : vector<512x1xf32>
    %mul3A_86 = arith.constant 5.000000e-01 : f32
    %mul3A_87 = vector.broadcast %mul3A_86 : f32 to vector<512x1xf32>
    %mul3A_88 = arith.mulf %add3A_85, %mul3A_87 : vector<512x1xf32>
    %mul3A_89 = arith.constant 2.560000e+02 : f32
    %mul3A_90 = vector.broadcast %mul3A_89 : f32 to vector<512x1xf32>
    %mul3A_91 = arith.mulf %mul3A_88, %mul3A_90 : vector<512x1xf32>
    %sub3A_92 = arith.constant 5.000000e-01 : f32
    %sub3A_93 = vector.broadcast %sub3A_92 : f32 to vector<512x1xf32>
    %sub3A_94 = arith.subf %mul3A_91, %sub3A_93 : vector<512x1xf32>
    %add3A_95 = arith.constant 1.000000e+00 : f32
    %add3A_96 = vector.broadcast %add3A_95 : f32 to vector<512x1xf32>
    %add3A_97 = arith.addf %slice3A_82, %add3A_96 : vector<512x1xf32>
    %mul3A_98 = arith.constant 5.000000e-01 : f32
    %mul3A_99 = vector.broadcast %mul3A_98 : f32 to vector<512x1xf32>
    %mul3A_100 = arith.mulf %add3A_97, %mul3A_99 : vector<512x1xf32>
    %mul3A_101 = arith.constant 2.560000e+02 : f32
    %mul3A_102 = vector.broadcast %mul3A_101 : f32 to vector<512x1xf32>
    %mul3A_103 = arith.mulf %mul3A_100, %mul3A_102 : vector<512x1xf32>
    %sub3A_104 = arith.constant 5.000000e-01 : f32
    %sub3A_105 = vector.broadcast %sub3A_104 : f32 to vector<512x1xf32>
    %sub3A_106 = arith.subf %mul3A_103, %sub3A_105 : vector<512x1xf32>
    %floor3A_107 = math.floor %sub3A_94 : vector<512x1xf32>
    %sub3A_108 = arith.subf %sub3A_94, %floor3A_107 : vector<512x1xf32>
    %floor3A_109 = math.floor %sub3A_106 : vector<512x1xf32>
    %sub3A_110 = arith.subf %sub3A_106, %floor3A_109 : vector<512x1xf32>
    %sub3A_111 = arith.constant 1.000000e+00 : f32
    %sub3A_112 = vector.broadcast %sub3A_111 : f32 to vector<512x1xf32>
    %sub3A_113 = arith.subf %sub3A_112, %sub3A_108 : vector<512x1xf32>
    %sub3A_114 = arith.constant 1.000000e+00 : f32
    %sub3A_115 = vector.broadcast %sub3A_114 : f32 to vector<512x1xf32>
    %sub3A_116 = arith.subf %sub3A_115, %sub3A_110 : vector<512x1xf32>
    %mul3A_117 = arith.mulf %sub3A_113, %sub3A_116 : vector<512x1xf32>
    %sub3A_118 = arith.constant 1.000000e+00 : f32
    %sub3A_119 = vector.broadcast %sub3A_118 : f32 to vector<512x1xf32>
    %sub3A_120 = arith.subf %sub3A_119, %sub3A_110 : vector<512x1xf32>
    %mul3A_121 = arith.mulf %sub3A_108, %sub3A_120 : vector<512x1xf32>
    %sub3A_122 = arith.constant 1.000000e+00 : f32
    %sub3A_123 = vector.broadcast %sub3A_122 : f32 to vector<512x1xf32>
    %sub3A_124 = arith.subf %sub3A_123, %sub3A_108 : vector<512x1xf32>
    %mul3A_125 = arith.mulf %sub3A_124, %sub3A_110 : vector<512x1xf32>
    %mul3A_126 = arith.mulf %sub3A_108, %sub3A_110 : vector<512x1xf32>
    %slice3A_127 = vector.extract_strided_slice %get3A_22 {offsets = [0, 128], sizes = [512, 32], strides = [1, 1]} : vector<512x384xf32> to vector<512x32xf32>
    %mul3A_128 = vector.broadcast %mul3A_117 : vector<512x1xf32> to vector<512x32xf32>
    %mul3A_129 = arith.mulf %mul3A_128, %slice3A_127 : vector<512x32xf32>
    %add3A_130 = arith.addf %add3A_80, %mul3A_129 : vector<512x32xf32>
    %slice3A_131 = vector.extract_strided_slice %get3A_22 {offsets = [0, 160], sizes = [512, 32], strides = [1, 1]} : vector<512x384xf32> to vector<512x32xf32>
    %mul3A_132 = vector.broadcast %mul3A_121 : vector<512x1xf32> to vector<512x32xf32>
    %mul3A_133 = arith.mulf %mul3A_132, %slice3A_131 : vector<512x32xf32>
    %add3A_134 = arith.addf %add3A_130, %mul3A_133 : vector<512x32xf32>
    %slice3A_135 = vector.extract_strided_slice %get3A_22 {offsets = [0, 192], sizes = [512, 32], strides = [1, 1]} : vector<512x384xf32> to vector<512x32xf32>
    %mul3A_136 = vector.broadcast %mul3A_125 : vector<512x1xf32> to vector<512x32xf32>
    %mul3A_137 = arith.mulf %mul3A_136, %slice3A_135 : vector<512x32xf32>
    %add3A_138 = arith.addf %add3A_134, %mul3A_137 : vector<512x32xf32>
    %slice3A_139 = vector.extract_strided_slice %get3A_22 {offsets = [0, 224], sizes = [512, 32], strides = [1, 1]} : vector<512x384xf32> to vector<512x32xf32>
    %mul3A_140 = vector.broadcast %mul3A_126 : vector<512x1xf32> to vector<512x32xf32>
    %mul3A_141 = arith.mulf %mul3A_140, %slice3A_139 : vector<512x32xf32>
    %add3A_142 = arith.addf %add3A_138, %mul3A_141 : vector<512x32xf32>
    %slice3A_143 = vector.extract_strided_slice %min3A_6 {offsets = [0, 1], sizes = [512, 1], strides = [1, 1]} : vector<512x3xf32> to vector<512x1xf32>
    %slice3A_144 = vector.extract_strided_slice %min3A_6 {offsets = [0, 2], sizes = [512, 1], strides = [1, 1]} : vector<512x3xf32> to vector<512x1xf32>
    %add3A_145 = arith.constant 1.000000e+00 : f32
    %add3A_146 = vector.broadcast %add3A_145 : f32 to vector<512x1xf32>
    %add3A_147 = arith.addf %slice3A_143, %add3A_146 : vector<512x1xf32>
    %mul3A_148 = arith.constant 5.000000e-01 : f32
    %mul3A_149 = vector.broadcast %mul3A_148 : f32 to vector<512x1xf32>
    %mul3A_150 = arith.mulf %add3A_147, %mul3A_149 : vector<512x1xf32>
    %mul3A_151 = arith.constant 2.560000e+02 : f32
    %mul3A_152 = vector.broadcast %mul3A_151 : f32 to vector<512x1xf32>
    %mul3A_153 = arith.mulf %mul3A_150, %mul3A_152 : vector<512x1xf32>
    %sub3A_154 = arith.constant 5.000000e-01 : f32
    %sub3A_155 = vector.broadcast %sub3A_154 : f32 to vector<512x1xf32>
    %sub3A_156 = arith.subf %mul3A_153, %sub3A_155 : vector<512x1xf32>
    %add3A_157 = arith.constant 1.000000e+00 : f32
    %add3A_158 = vector.broadcast %add3A_157 : f32 to vector<512x1xf32>
    %add3A_159 = arith.addf %slice3A_144, %add3A_158 : vector<512x1xf32>
    %mul3A_160 = arith.constant 5.000000e-01 : f32
    %mul3A_161 = vector.broadcast %mul3A_160 : f32 to vector<512x1xf32>
    %mul3A_162 = arith.mulf %add3A_159, %mul3A_161 : vector<512x1xf32>
    %mul3A_163 = arith.constant 2.560000e+02 : f32
    %mul3A_164 = vector.broadcast %mul3A_163 : f32 to vector<512x1xf32>
    %mul3A_165 = arith.mulf %mul3A_162, %mul3A_164 : vector<512x1xf32>
    %sub3A_166 = arith.constant 5.000000e-01 : f32
    %sub3A_167 = vector.broadcast %sub3A_166 : f32 to vector<512x1xf32>
    %sub3A_168 = arith.subf %mul3A_165, %sub3A_167 : vector<512x1xf32>
    %floor3A_169 = math.floor %sub3A_156 : vector<512x1xf32>
    %sub3A_170 = arith.subf %sub3A_156, %floor3A_169 : vector<512x1xf32>
    %floor3A_171 = math.floor %sub3A_168 : vector<512x1xf32>
    %sub3A_172 = arith.subf %sub3A_168, %floor3A_171 : vector<512x1xf32>
    %sub3A_173 = arith.constant 1.000000e+00 : f32
    %sub3A_174 = vector.broadcast %sub3A_173 : f32 to vector<512x1xf32>
    %sub3A_175 = arith.subf %sub3A_174, %sub3A_170 : vector<512x1xf32>
    %sub3A_176 = arith.constant 1.000000e+00 : f32
    %sub3A_177 = vector.broadcast %sub3A_176 : f32 to vector<512x1xf32>
    %sub3A_178 = arith.subf %sub3A_177, %sub3A_172 : vector<512x1xf32>
    %mul3A_179 = arith.mulf %sub3A_175, %sub3A_178 : vector<512x1xf32>
    %sub3A_180 = arith.constant 1.000000e+00 : f32
    %sub3A_181 = vector.broadcast %sub3A_180 : f32 to vector<512x1xf32>
    %sub3A_182 = arith.subf %sub3A_181, %sub3A_172 : vector<512x1xf32>
    %mul3A_183 = arith.mulf %sub3A_170, %sub3A_182 : vector<512x1xf32>
    %sub3A_184 = arith.constant 1.000000e+00 : f32
    %sub3A_185 = vector.broadcast %sub3A_184 : f32 to vector<512x1xf32>
    %sub3A_186 = arith.subf %sub3A_185, %sub3A_170 : vector<512x1xf32>
    %mul3A_187 = arith.mulf %sub3A_186, %sub3A_172 : vector<512x1xf32>
    %mul3A_188 = arith.mulf %sub3A_170, %sub3A_172 : vector<512x1xf32>
    %slice3A_189 = vector.extract_strided_slice %get3A_22 {offsets = [0, 256], sizes = [512, 32], strides = [1, 1]} : vector<512x384xf32> to vector<512x32xf32>
    %mul3A_190 = vector.broadcast %mul3A_179 : vector<512x1xf32> to vector<512x32xf32>
    %mul3A_191 = arith.mulf %mul3A_190, %slice3A_189 : vector<512x32xf32>
    %add3A_192 = arith.addf %add3A_142, %mul3A_191 : vector<512x32xf32>
    %slice3A_193 = vector.extract_strided_slice %get3A_22 {offsets = [0, 288], sizes = [512, 32], strides = [1, 1]} : vector<512x384xf32> to vector<512x32xf32>
    %mul3A_194 = vector.broadcast %mul3A_183 : vector<512x1xf32> to vector<512x32xf32>
    %mul3A_195 = arith.mulf %mul3A_194, %slice3A_193 : vector<512x32xf32>
    %add3A_196 = arith.addf %add3A_192, %mul3A_195 : vector<512x32xf32>
    %slice3A_197 = vector.extract_strided_slice %get3A_22 {offsets = [0, 320], sizes = [512, 32], strides = [1, 1]} : vector<512x384xf32> to vector<512x32xf32>
    %mul3A_198 = vector.broadcast %mul3A_187 : vector<512x1xf32> to vector<512x32xf32>
    %mul3A_199 = arith.mulf %mul3A_198, %slice3A_197 : vector<512x32xf32>
    %add3A_200 = arith.addf %add3A_196, %mul3A_199 : vector<512x32xf32>
    %slice3A_201 = vector.extract_strided_slice %get3A_22 {offsets = [0, 352], sizes = [512, 32], strides = [1, 1]} : vector<512x384xf32> to vector<512x32xf32>
    %mul3A_202 = vector.broadcast %mul3A_188 : vector<512x1xf32> to vector<512x32xf32>
    %mul3A_203 = arith.mulf %mul3A_202, %slice3A_201 : vector<512x32xf32>
    %add3A_204 = arith.addf %add3A_200, %mul3A_203 : vector<512x32xf32>
    %div3A = arith.constant 3.000000e+00 : f32
    %div3A_205 = vector.broadcast %div3A : f32 to vector<512x32xf32>
    %div3A_206 = arith.divf %add3A_204, %div3A_205 : vector<512x32xf32>
    %get3A_207 = arith.constant 0 : index
    %get3A_208 = arith.constant 0 : index
    %get3A_209 = arith.constant 0 : index
    %get3A_210 = vector.load %arg7[%get3A_207, %get3A_208, %get3A_209] : memref<1x512x384xf32, #tpu.memory_space<vmem>>, vector<1x512x384xf32>
    %get3A_211 = vector.shape_cast %get3A_210 : vector<1x512x384xf32> to vector<512x384xf32>
    %transpose3A = tpu.transpose %get3A_211, [1, 0] : vector<512x384xf32> -> vector<384x512xf32>
    %slice3A_212 = vector.extract_strided_slice %transpose3A {offsets = [0, 0], sizes = [32, 512], strides = [1, 1]} : vector<384x512xf32> to vector<32x512xf32>
    %slice3A_213 = vector.extract_strided_slice %transpose3A {offsets = [48, 0], sizes = [32, 512], strides = [1, 1]} : vector<384x512xf32> to vector<32x512xf32>
    %slice3A_214 = vector.extract_strided_slice %transpose3A {offsets = [96, 0], sizes = [32, 512], strides = [1, 1]} : vector<384x512xf32> to vector<32x512xf32>
    %slice3A_215 = vector.extract_strided_slice %transpose3A {offsets = [144, 0], sizes = [32, 512], strides = [1, 1]} : vector<384x512xf32> to vector<32x512xf32>
    %slice3A_216 = vector.extract_strided_slice %transpose3A {offsets = [192, 0], sizes = [32, 512], strides = [1, 1]} : vector<384x512xf32> to vector<32x512xf32>
    %slice3A_217 = vector.extract_strided_slice %transpose3A {offsets = [240, 0], sizes = [32, 512], strides = [1, 1]} : vector<384x512xf32> to vector<32x512xf32>
    %slice3A_218 = vector.extract_strided_slice %transpose3A {offsets = [288, 0], sizes = [32, 512], strides = [1, 1]} : vector<384x512xf32> to vector<32x512xf32>
    %slice3A_219 = vector.extract_strided_slice %transpose3A {offsets = [336, 0], sizes = [32, 512], strides = [1, 1]} : vector<384x512xf32> to vector<32x512xf32>
    %concatenate3A = tpu.concatenate %slice3A_212, %slice3A_213, %slice3A_214, %slice3A_215, %slice3A_216, %slice3A_217, %slice3A_218, %slice3A_219 in 1 : vector<32x512xf32>, vector<32x512xf32>, vector<32x512xf32>, vector<32x512xf32>, vector<32x512xf32>, vector<32x512xf32>, vector<32x512xf32>, vector<32x512xf32> -> vector<32x4096xf32>
    %slice3A_220 = vector.extract_strided_slice %transpose3A {offsets = [32, 0], sizes = [3, 512], strides = [1, 1]} : vector<384x512xf32> to vector<3x512xf32>
    %slice3A_221 = vector.extract_strided_slice %transpose3A {offsets = [80, 0], sizes = [3, 512], strides = [1, 1]} : vector<384x512xf32> to vector<3x512xf32>
    %slice3A_222 = vector.extract_strided_slice %transpose3A {offsets = [128, 0], sizes = [3, 512], strides = [1, 1]} : vector<384x512xf32> to vector<3x512xf32>
    %slice3A_223 = vector.extract_strided_slice %transpose3A {offsets = [176, 0], sizes = [3, 512], strides = [1, 1]} : vector<384x512xf32> to vector<3x512xf32>
    %slice3A_224 = vector.extract_strided_slice %transpose3A {offsets = [224, 0], sizes = [3, 512], strides = [1, 1]} : vector<384x512xf32> to vector<3x512xf32>
    %slice3A_225 = vector.extract_strided_slice %transpose3A {offsets = [272, 0], sizes = [3, 512], strides = [1, 1]} : vector<384x512xf32> to vector<3x512xf32>
    %slice3A_226 = vector.extract_strided_slice %transpose3A {offsets = [320, 0], sizes = [3, 512], strides = [1, 1]} : vector<384x512xf32> to vector<3x512xf32>
    %slice3A_227 = vector.extract_strided_slice %transpose3A {offsets = [368, 0], sizes = [3, 512], strides = [1, 1]} : vector<384x512xf32> to vector<3x512xf32>
    %concatenate3A_228 = tpu.concatenate %slice3A_220, %slice3A_221, %slice3A_222, %slice3A_223, %slice3A_224, %slice3A_225, %slice3A_226, %slice3A_227 in 1 : vector<3x512xf32>, vector<3x512xf32>, vector<3x512xf32>, vector<3x512xf32>, vector<3x512xf32>, vector<3x512xf32>, vector<3x512xf32>, vector<3x512xf32> -> vector<3x4096xf32>
    %concatenate3A_229 = tpu.concatenate %min3A_17, %min3A_17, %min3A_17, %min3A_17, %min3A_17, %min3A_17, %min3A_17, %min3A_17 in 1 : vector<3x512xf32>, vector<3x512xf32>, vector<3x512xf32>, vector<3x512xf32>, vector<3x512xf32>, vector<3x512xf32>, vector<3x512xf32>, vector<3x512xf32> -> vector<3x4096xf32>
    %sub3A_230 = arith.subf %concatenate3A_229, %concatenate3A_228 : vector<3x4096xf32>
    %sin3A = math.sin %sub3A_230 : vector<3x4096xf32>
    %cos3A = math.cos %sub3A_230 : vector<3x4096xf32>
    %mul3A_231 = arith.constant 2.000000e+00 : f32
    %mul3A_232 = vector.broadcast %mul3A_231 : f32 to vector<3x4096xf32>
    %mul3A_233 = arith.mulf %mul3A_232, %sin3A : vector<3x4096xf32>
    %mul3A_234 = arith.mulf %mul3A_233, %cos3A : vector<3x4096xf32>
    %mul3A_235 = arith.constant 2.000000e+00 : f32
    %mul3A_236 = vector.broadcast %mul3A_235 : f32 to vector<3x4096xf32>
    %mul3A_237 = arith.mulf %mul3A_236, %sin3A : vector<3x4096xf32>
    %mul3A_238 = arith.mulf %mul3A_237, %sin3A : vector<3x4096xf32>
    %sub3A_239 = arith.constant 1.000000e+00 : f32
    %sub3A_240 = vector.broadcast %sub3A_239 : f32 to vector<3x4096xf32>
    %sub3A_241 = arith.subf %sub3A_240, %mul3A_238 : vector<3x4096xf32>
    %mul3A_242 = arith.constant 2.000000e+00 : f32
    %mul3A_243 = vector.broadcast %mul3A_242 : f32 to vector<3x4096xf32>
    %mul3A_244 = arith.mulf %mul3A_243, %mul3A_234 : vector<3x4096xf32>
    %mul3A_245 = arith.mulf %mul3A_244, %sub3A_241 : vector<3x4096xf32>
    %mul3A_246 = arith.constant 2.000000e+00 : f32
    %mul3A_247 = vector.broadcast %mul3A_246 : f32 to vector<3x4096xf32>
    %mul3A_248 = arith.mulf %mul3A_247, %mul3A_234 : vector<3x4096xf32>
    %mul3A_249 = arith.mulf %mul3A_248, %mul3A_234 : vector<3x4096xf32>
    %sub3A_250 = arith.constant 1.000000e+00 : f32
    %sub3A_251 = vector.broadcast %sub3A_250 : f32 to vector<3x4096xf32>
    %sub3A_252 = arith.subf %sub3A_251, %mul3A_249 : vector<3x4096xf32>
    %mul3A_253 = arith.constant 2.000000e+00 : f32
    %mul3A_254 = vector.broadcast %mul3A_253 : f32 to vector<3x4096xf32>
    %mul3A_255 = arith.mulf %mul3A_254, %mul3A_245 : vector<3x4096xf32>
    %mul3A_256 = arith.mulf %mul3A_255, %sub3A_252 : vector<3x4096xf32>
    %mul3A_257 = arith.constant 2.000000e+00 : f32
    %mul3A_258 = vector.broadcast %mul3A_257 : f32 to vector<3x4096xf32>
    %mul3A_259 = arith.mulf %mul3A_258, %mul3A_245 : vector<3x4096xf32>
    %mul3A_260 = arith.mulf %mul3A_259, %mul3A_245 : vector<3x4096xf32>
    %sub3A_261 = arith.constant 1.000000e+00 : f32
    %sub3A_262 = vector.broadcast %sub3A_261 : f32 to vector<3x4096xf32>
    %sub3A_263 = arith.subf %sub3A_262, %mul3A_260 : vector<3x4096xf32>
    %mul3A_264 = arith.constant 2.000000e+00 : f32
    %mul3A_265 = vector.broadcast %mul3A_264 : f32 to vector<3x4096xf32>
    %mul3A_266 = arith.mulf %mul3A_265, %mul3A_256 : vector<3x4096xf32>
    %mul3A_267 = arith.mulf %mul3A_266, %sub3A_263 : vector<3x4096xf32>
    %mul3A_268 = arith.constant 2.000000e+00 : f32
    %mul3A_269 = vector.broadcast %mul3A_268 : f32 to vector<3x4096xf32>
    %mul3A_270 = arith.mulf %mul3A_269, %mul3A_256 : vector<3x4096xf32>
    %mul3A_271 = arith.mulf %mul3A_270, %mul3A_256 : vector<3x4096xf32>
    %sub3A_272 = arith.constant 1.000000e+00 : f32
    %sub3A_273 = vector.broadcast %sub3A_272 : f32 to vector<3x4096xf32>
    %sub3A_274 = arith.subf %sub3A_273, %mul3A_271 : vector<3x4096xf32>
    %mul3A_275 = arith.constant 2.000000e+00 : f32
    %mul3A_276 = vector.broadcast %mul3A_275 : f32 to vector<3x4096xf32>
    %mul3A_277 = arith.mulf %mul3A_276, %mul3A_267 : vector<3x4096xf32>
    %mul3A_278 = arith.mulf %mul3A_277, %sub3A_274 : vector<3x4096xf32>
    %mul3A_279 = arith.constant 2.000000e+00 : f32
    %mul3A_280 = vector.broadcast %mul3A_279 : f32 to vector<3x4096xf32>
    %mul3A_281 = arith.mulf %mul3A_280, %mul3A_267 : vector<3x4096xf32>
    %mul3A_282 = arith.mulf %mul3A_281, %mul3A_267 : vector<3x4096xf32>
    %sub3A_283 = arith.constant 1.000000e+00 : f32
    %sub3A_284 = vector.broadcast %sub3A_283 : f32 to vector<3x4096xf32>
    %sub3A_285 = arith.subf %sub3A_284, %mul3A_282 : vector<3x4096xf32>
    %concatenate3A_286 = tpu.concatenate %concatenate3A, %sin3A, %mul3A_234, %mul3A_245, %mul3A_256, %mul3A_267, %mul3A_278, %cos3A, %sub3A_241, %sub3A_252, %sub3A_263, %sub3A_274, %sub3A_285, %sub3A_230 in 0 : vector<32x4096xf32>, vector<3x4096xf32>, vector<3x4096xf32>, vector<3x4096xf32>, vector<3x4096xf32>, vector<3x4096xf32>, vector<3x4096xf32>, vector<3x4096xf32>, vector<3x4096xf32>, vector<3x4096xf32>, vector<3x4096xf32>, vector<3x4096xf32>, vector<3x4096xf32>, vector<3x4096xf32> -> vector<71x4096xf32>
    %get3A_287 = arith.constant 0 : index
    %get3A_288 = arith.constant 0 : index
    %get3A_289 = arith.constant 0 : index
    %get3A_290 = vector.load %arg6[%get3A_287, %get3A_288, %get3A_289] : memref<1x1x8xf32, #tpu.memory_space<vmem>>, vector<1x1x8xf32>
    %get3A_291 = vector.shape_cast %get3A_290 : vector<1x1x8xf32> to vector<1x8xf32>
    %get3A_292 = arith.constant 0 : index
    %get3A_293 = arith.constant 0 : index
    %get3A_294 = arith.constant 0 : index
    %get3A_295 = vector.load %arg5[%get3A_292, %get3A_293, %get3A_294] : memref<1x512x8xf32, #tpu.memory_space<vmem>>, vector<1x512x8xf32>
    %get3A_296 = vector.shape_cast %get3A_295 : vector<1x512x8xf32> to vector<512x8xf32>
    %slice3A_297 = vector.extract_strided_slice %get3A_296 {offsets = [0, 0], sizes = [512, 1], strides = [1, 1]} : vector<512x8xf32> to vector<512x1xf32>
    %div3A_298 = arith.constant 1.000000e+00 : f32
    %div3A_299 = vector.broadcast %div3A_298 : f32 to vector<512x1xf32>
    %div3A_300 = arith.divf %div3A_299, %slice3A_297 : vector<512x1xf32>
    %slice3A_301 = vector.extract_strided_slice %get3A_291 {offsets = [0, 0], sizes = [1, 1], strides = [1, 1]} : vector<1x8xf32> to vector<1x1xf32>
    %div3A_302 = vector.broadcast %slice3A_301 : vector<1x1xf32> to vector<512x1xf32>
    %div3A_303 = arith.divf %div3A_300, %div3A_302 : vector<512x1xf32>
    %slice3A_304 = vector.extract_strided_slice %get3A_296 {offsets = [0, 1], sizes = [512, 1], strides = [1, 1]} : vector<512x8xf32> to vector<512x1xf32>
    %div3A_305 = arith.constant 1.000000e+00 : f32
    %div3A_306 = vector.broadcast %div3A_305 : f32 to vector<512x1xf32>
    %div3A_307 = arith.divf %div3A_306, %slice3A_304 : vector<512x1xf32>
    %slice3A_308 = vector.extract_strided_slice %get3A_291 {offsets = [0, 1], sizes = [1, 1], strides = [1, 1]} : vector<1x8xf32> to vector<1x1xf32>
    %div3A_309 = vector.broadcast %slice3A_308 : vector<1x1xf32> to vector<512x1xf32>
    %div3A_310 = arith.divf %div3A_307, %div3A_309 : vector<512x1xf32>
    %slice3A_311 = vector.extract_strided_slice %get3A_296 {offsets = [0, 2], sizes = [512, 1], strides = [1, 1]} : vector<512x8xf32> to vector<512x1xf32>
    %div3A_312 = arith.constant 1.000000e+00 : f32
    %div3A_313 = vector.broadcast %div3A_312 : f32 to vector<512x1xf32>
    %div3A_314 = arith.divf %div3A_313, %slice3A_311 : vector<512x1xf32>
    %slice3A_315 = vector.extract_strided_slice %get3A_291 {offsets = [0, 2], sizes = [1, 1], strides = [1, 1]} : vector<1x8xf32> to vector<1x1xf32>
    %div3A_316 = vector.broadcast %slice3A_315 : vector<1x1xf32> to vector<512x1xf32>
    %div3A_317 = arith.divf %div3A_314, %div3A_316 : vector<512x1xf32>
    %slice3A_318 = vector.extract_strided_slice %get3A_296 {offsets = [0, 3], sizes = [512, 1], strides = [1, 1]} : vector<512x8xf32> to vector<512x1xf32>
    %div3A_319 = arith.constant 1.000000e+00 : f32
    %div3A_320 = vector.broadcast %div3A_319 : f32 to vector<512x1xf32>
    %div3A_321 = arith.divf %div3A_320, %slice3A_318 : vector<512x1xf32>
    %slice3A_322 = vector.extract_strided_slice %get3A_291 {offsets = [0, 3], sizes = [1, 1], strides = [1, 1]} : vector<1x8xf32> to vector<1x1xf32>
    %div3A_323 = vector.broadcast %slice3A_322 : vector<1x1xf32> to vector<512x1xf32>
    %div3A_324 = arith.divf %div3A_321, %div3A_323 : vector<512x1xf32>
    %slice3A_325 = vector.extract_strided_slice %get3A_296 {offsets = [0, 4], sizes = [512, 1], strides = [1, 1]} : vector<512x8xf32> to vector<512x1xf32>
    %div3A_326 = arith.constant 1.000000e+00 : f32
    %div3A_327 = vector.broadcast %div3A_326 : f32 to vector<512x1xf32>
    %div3A_328 = arith.divf %div3A_327, %slice3A_325 : vector<512x1xf32>
    %slice3A_329 = vector.extract_strided_slice %get3A_291 {offsets = [0, 4], sizes = [1, 1], strides = [1, 1]} : vector<1x8xf32> to vector<1x1xf32>
    %div3A_330 = vector.broadcast %slice3A_329 : vector<1x1xf32> to vector<512x1xf32>
    %div3A_331 = arith.divf %div3A_328, %div3A_330 : vector<512x1xf32>
    %slice3A_332 = vector.extract_strided_slice %get3A_296 {offsets = [0, 5], sizes = [512, 1], strides = [1, 1]} : vector<512x8xf32> to vector<512x1xf32>
    %div3A_333 = arith.constant 1.000000e+00 : f32
    %div3A_334 = vector.broadcast %div3A_333 : f32 to vector<512x1xf32>
    %div3A_335 = arith.divf %div3A_334, %slice3A_332 : vector<512x1xf32>
    %slice3A_336 = vector.extract_strided_slice %get3A_291 {offsets = [0, 5], sizes = [1, 1], strides = [1, 1]} : vector<1x8xf32> to vector<1x1xf32>
    %div3A_337 = vector.broadcast %slice3A_336 : vector<1x1xf32> to vector<512x1xf32>
    %div3A_338 = arith.divf %div3A_335, %div3A_337 : vector<512x1xf32>
    %slice3A_339 = vector.extract_strided_slice %get3A_296 {offsets = [0, 6], sizes = [512, 1], strides = [1, 1]} : vector<512x8xf32> to vector<512x1xf32>
    %div3A_340 = arith.constant 1.000000e+00 : f32
    %div3A_341 = vector.broadcast %div3A_340 : f32 to vector<512x1xf32>
    %div3A_342 = arith.divf %div3A_341, %slice3A_339 : vector<512x1xf32>
    %slice3A_343 = vector.extract_strided_slice %get3A_291 {offsets = [0, 6], sizes = [1, 1], strides = [1, 1]} : vector<1x8xf32> to vector<1x1xf32>
    %div3A_344 = vector.broadcast %slice3A_343 : vector<1x1xf32> to vector<512x1xf32>
    %div3A_345 = arith.divf %div3A_342, %div3A_344 : vector<512x1xf32>
    %slice3A_346 = vector.extract_strided_slice %get3A_296 {offsets = [0, 7], sizes = [512, 1], strides = [1, 1]} : vector<512x8xf32> to vector<512x1xf32>
    %div3A_347 = arith.constant 1.000000e+00 : f32
    %div3A_348 = vector.broadcast %div3A_347 : f32 to vector<512x1xf32>
    %div3A_349 = arith.divf %div3A_348, %slice3A_346 : vector<512x1xf32>
    %slice3A_350 = vector.extract_strided_slice %get3A_291 {offsets = [0, 7], sizes = [1, 1], strides = [1, 1]} : vector<1x8xf32> to vector<1x1xf32>
    %div3A_351 = vector.broadcast %slice3A_350 : vector<1x1xf32> to vector<512x1xf32>
    %div3A_352 = arith.divf %div3A_349, %div3A_351 : vector<512x1xf32>
    %get3A_353 = arith.constant 0 : index
    %get3A_354 = arith.constant 0 : index
    %get3A_355 = vector.load %arg9[%get3A_353, %get3A_354] : memref<71x64xf32, #tpu.memory_space<vmem>>, vector<71x64xf32>
    %dot_general3A = arith.constant dense<0.000000e+00> : vector<4096x64xf32>
    %dot_general3A_356 = tpu.matmul %concatenate3A_286, %get3A_355, %dot_general3A {dimension_numbers = #tpu.dot_dimension_numbers<[0], [0], [1], [1], [0, 1, 1, 1], [], []>, transpose_lhs_hint = false} : vector<71x4096xf32>, vector<71x64xf32>, vector<4096x64xf32> -> vector<4096x64xf32>
    %get3A_357 = arith.constant 0 : index
    %get3A_358 = arith.constant 0 : index
    %get3A_359 = vector.load %arg10[%get3A_357, %get3A_358] : memref<1x64xf32, #tpu.memory_space<vmem>>, vector<1x64xf32>
    %add3A_360 = vector.broadcast %get3A_359 : vector<1x64xf32> to vector<4096x64xf32>
    %add3A_361 = arith.addf %dot_general3A_356, %add3A_360 : vector<4096x64xf32>
    %max3A_362 = arith.constant 0.000000e+00 : f32
    %max3A_363 = vector.broadcast %max3A_362 : f32 to vector<4096x64xf32>
    %max3A_364 = arith.maximumf %add3A_361, %max3A_363 : vector<4096x64xf32>
    %get3A_365 = arith.constant 0 : index
    %get3A_366 = arith.constant 0 : index
    %get3A_367 = vector.load %arg11[%get3A_365, %get3A_366] : memref<64x32xf32, #tpu.memory_space<vmem>>, vector<64x32xf32>
    %dot_general3A_368 = arith.constant dense<0.000000e+00> : vector<4096x32xf32>
    %dot_general3A_369 = tpu.matmul %max3A_364, %get3A_367, %dot_general3A_368 {dimension_numbers = #tpu.dot_dimension_numbers<[1], [0], [0], [1], [0, 0, 1, 1], [], []>, transpose_lhs_hint = false} : vector<4096x64xf32>, vector<64x32xf32>, vector<4096x32xf32> -> vector<4096x32xf32>
    %get3A_370 = arith.constant 0 : index
    %get3A_371 = arith.constant 0 : index
    %get3A_372 = vector.load %arg12[%get3A_370, %get3A_371] : memref<1x32xf32, #tpu.memory_space<vmem>>, vector<1x32xf32>
    %add3A_373 = vector.broadcast %get3A_372 : vector<1x32xf32> to vector<4096x32xf32>
    %add3A_374 = arith.addf %dot_general3A_369, %add3A_373 : vector<4096x32xf32>
    %broadcast_in_dim3A_375 = arith.constant 0.000000e+00 : f32
    %broadcast_in_dim3A_376 = vector.broadcast %broadcast_in_dim3A_375 : f32 to vector<512x32xf32>
    %slice3A_377 = vector.extract_strided_slice %add3A_374 {offsets = [0, 0], sizes = [512, 32], strides = [1, 1]} : vector<4096x32xf32> to vector<512x32xf32>
    %mul3A_378 = vector.broadcast %div3A_303 : vector<512x1xf32> to vector<512x32xf32>
    %mul3A_379 = arith.mulf %slice3A_377, %mul3A_378 : vector<512x32xf32>
    %add3A_380 = arith.addf %broadcast_in_dim3A_376, %mul3A_379 : vector<512x32xf32>
    %slice3A_381 = vector.extract_strided_slice %add3A_374 {offsets = [512, 0], sizes = [512, 32], strides = [1, 1]} : vector<4096x32xf32> to vector<512x32xf32>
    %mul3A_382 = vector.broadcast %div3A_310 : vector<512x1xf32> to vector<512x32xf32>
    %mul3A_383 = arith.mulf %slice3A_381, %mul3A_382 : vector<512x32xf32>
    %add3A_384 = arith.addf %add3A_380, %mul3A_383 : vector<512x32xf32>
    %slice3A_385 = vector.extract_strided_slice %add3A_374 {offsets = [1024, 0], sizes = [512, 32], strides = [1, 1]} : vector<4096x32xf32> to vector<512x32xf32>
    %mul3A_386 = vector.broadcast %div3A_317 : vector<512x1xf32> to vector<512x32xf32>
    %mul3A_387 = arith.mulf %slice3A_385, %mul3A_386 : vector<512x32xf32>
    %add3A_388 = arith.addf %add3A_384, %mul3A_387 : vector<512x32xf32>
    %slice3A_389 = vector.extract_strided_slice %add3A_374 {offsets = [1536, 0], sizes = [512, 32], strides = [1, 1]} : vector<4096x32xf32> to vector<512x32xf32>
    %mul3A_390 = vector.broadcast %div3A_324 : vector<512x1xf32> to vector<512x32xf32>
    %mul3A_391 = arith.mulf %slice3A_389, %mul3A_390 : vector<512x32xf32>
    %add3A_392 = arith.addf %add3A_388, %mul3A_391 : vector<512x32xf32>
    %slice3A_393 = vector.extract_strided_slice %add3A_374 {offsets = [2048, 0], sizes = [512, 32], strides = [1, 1]} : vector<4096x32xf32> to vector<512x32xf32>
    %mul3A_394 = vector.broadcast %div3A_331 : vector<512x1xf32> to vector<512x32xf32>
    %mul3A_395 = arith.mulf %slice3A_393, %mul3A_394 : vector<512x32xf32>
    %add3A_396 = arith.addf %add3A_392, %mul3A_395 : vector<512x32xf32>
    %slice3A_397 = vector.extract_strided_slice %add3A_374 {offsets = [2560, 0], sizes = [512, 32], strides = [1, 1]} : vector<4096x32xf32> to vector<512x32xf32>
    %mul3A_398 = vector.broadcast %div3A_338 : vector<512x1xf32> to vector<512x32xf32>
    %mul3A_399 = arith.mulf %slice3A_397, %mul3A_398 : vector<512x32xf32>
    %add3A_400 = arith.addf %add3A_396, %mul3A_399 : vector<512x32xf32>
    %slice3A_401 = vector.extract_strided_slice %add3A_374 {offsets = [3072, 0], sizes = [512, 32], strides = [1, 1]} : vector<4096x32xf32> to vector<512x32xf32>
    %mul3A_402 = vector.broadcast %div3A_345 : vector<512x1xf32> to vector<512x32xf32>
    %mul3A_403 = arith.mulf %slice3A_401, %mul3A_402 : vector<512x32xf32>
    %add3A_404 = arith.addf %add3A_400, %mul3A_403 : vector<512x32xf32>
    %slice3A_405 = vector.extract_strided_slice %add3A_374 {offsets = [3584, 0], sizes = [512, 32], strides = [1, 1]} : vector<4096x32xf32> to vector<512x32xf32>
    %mul3A_406 = vector.broadcast %div3A_352 : vector<512x1xf32> to vector<512x32xf32>
    %mul3A_407 = arith.mulf %slice3A_405, %mul3A_406 : vector<512x32xf32>
    %add3A_408 = arith.addf %add3A_404, %mul3A_407 : vector<512x32xf32>
    %concatenate3A_409 = tpu.concatenate %div3A_206, %add3A_408 in 1 : vector<512x32xf32>, vector<512x32xf32> -> vector<512x64xf32>
    %get3A_410 = arith.constant 0 : index
    %get3A_411 = arith.constant 0 : index
    %get3A_412 = vector.load %arg13[%get3A_410, %get3A_411] : memref<64x128xf32, #tpu.memory_space<vmem>>, vector<64x128xf32>
    %dot_general3A_413 = arith.constant dense<0.000000e+00> : vector<512x128xf32>
    %dot_general3A_414 = tpu.matmul %concatenate3A_409, %get3A_412, %dot_general3A_413 {dimension_numbers = #tpu.dot_dimension_numbers<[1], [0], [0], [1], [0, 0, 1, 1], [], []>, transpose_lhs_hint = false} : vector<512x64xf32>, vector<64x128xf32>, vector<512x128xf32> -> vector<512x128xf32>
    %get3A_415 = arith.constant 0 : index
    %get3A_416 = arith.constant 0 : index
    %get3A_417 = vector.load %arg14[%get3A_415, %get3A_416] : memref<1x128xf32, #tpu.memory_space<vmem>>, vector<1x128xf32>
    %add3A_418 = vector.broadcast %get3A_417 : vector<1x128xf32> to vector<512x128xf32>
    %add3A_419 = arith.addf %dot_general3A_414, %add3A_418 : vector<512x128xf32>
    %max3A_420 = arith.constant 0.000000e+00 : f32
    %max3A_421 = vector.broadcast %max3A_420 : f32 to vector<512x128xf32>
    %max3A_422 = arith.maximumf %add3A_419, %max3A_421 : vector<512x128xf32>
    %get3A_423 = arith.constant 0 : index
    %get3A_424 = arith.constant 0 : index
    %get3A_425 = vector.load %arg15[%get3A_423, %get3A_424] : memref<128x128xf32, #tpu.memory_space<vmem>>, vector<128x128xf32>
    %dot_general3A_426 = arith.constant dense<0.000000e+00> : vector<512x128xf32>
    %dot_general3A_427 = tpu.matmul %max3A_422, %get3A_425, %dot_general3A_426 {dimension_numbers = #tpu.dot_dimension_numbers<[1], [0], [0], [1], [0, 0, 1, 1], [], []>, transpose_lhs_hint = false} : vector<512x128xf32>, vector<128x128xf32>, vector<512x128xf32> -> vector<512x128xf32>
    %get3A_428 = arith.constant 0 : index
    %get3A_429 = arith.constant 0 : index
    %get3A_430 = vector.load %arg16[%get3A_428, %get3A_429] : memref<1x128xf32, #tpu.memory_space<vmem>>, vector<1x128xf32>
    %add3A_431 = vector.broadcast %get3A_430 : vector<1x128xf32> to vector<512x128xf32>
    %add3A_432 = arith.addf %dot_general3A_427, %add3A_431 : vector<512x128xf32>
    %max3A_433 = arith.constant 0.000000e+00 : f32
    %max3A_434 = vector.broadcast %max3A_433 : f32 to vector<512x128xf32>
    %max3A_435 = arith.maximumf %add3A_432, %max3A_434 : vector<512x128xf32>
    %get3A_436 = arith.constant 0 : index
    %get3A_437 = arith.constant 0 : index
    %get3A_438 = vector.load %arg17[%get3A_436, %get3A_437] : memref<128x128xf32, #tpu.memory_space<vmem>>, vector<128x128xf32>
    %dot_general3A_439 = arith.constant dense<0.000000e+00> : vector<512x128xf32>
    %dot_general3A_440 = tpu.matmul %max3A_435, %get3A_438, %dot_general3A_439 {dimension_numbers = #tpu.dot_dimension_numbers<[1], [0], [0], [1], [0, 0, 1, 1], [], []>, transpose_lhs_hint = false} : vector<512x128xf32>, vector<128x128xf32>, vector<512x128xf32> -> vector<512x128xf32>
    %get3A_441 = arith.constant 0 : index
    %get3A_442 = arith.constant 0 : index
    %get3A_443 = vector.load %arg18[%get3A_441, %get3A_442] : memref<1x128xf32, #tpu.memory_space<vmem>>, vector<1x128xf32>
    %add3A_444 = vector.broadcast %get3A_443 : vector<1x128xf32> to vector<512x128xf32>
    %add3A_445 = arith.addf %dot_general3A_440, %add3A_444 : vector<512x128xf32>
    %get3A_446 = arith.constant 0 : index
    %get3A_447 = arith.constant 0 : index
    %get3A_448 = vector.load %arg19[%get3A_446, %get3A_447] : memref<128x1xf32, #tpu.memory_space<vmem>>, vector<128x1xf32>
    %dot_general3A_449 = arith.constant dense<0.000000e+00> : vector<512x1xf32>
    %dot_general3A_450 = tpu.matmul %add3A_445, %get3A_448, %dot_general3A_449 {dimension_numbers = #tpu.dot_dimension_numbers<[1], [0], [0], [1], [0, 0, 1, 1], [], []>, transpose_lhs_hint = false} : vector<512x128xf32>, vector<128x1xf32>, vector<512x1xf32> -> vector<512x1xf32>
    %get3A_451 = arith.constant 0 : index
    %get3A_452 = arith.constant 0 : index
    %get3A_453 = vector.load %arg20[%get3A_451, %get3A_452] : memref<1x1xf32, #tpu.memory_space<vmem>>, vector<1x1xf32>
    %add3A_454 = vector.broadcast %get3A_453 : vector<1x1xf32> to vector<512x1xf32>
    %add3A_455 = arith.addf %dot_general3A_450, %add3A_454 : vector<512x1xf32>
    %mul3A_456 = arith.constant 1.000000e+01 : f32
    %mul3A_457 = vector.broadcast %mul3A_456 : f32 to vector<512x1xf32>
    %mul3A_458 = arith.mulf %mul3A_457, %add3A_455 : vector<512x1xf32>
    %max3A_459 = arith.constant 0.000000e+00 : f32
    %max3A_460 = vector.broadcast %max3A_459 : f32 to vector<512x1xf32>
    %max3A_461 = arith.maximumf %mul3A_458, %max3A_460 : vector<512x1xf32>
    %abs3A = math.absf %mul3A_458 : vector<512x1xf32>
    %neg3A = arith.constant 0.000000e+00 : f32
    %neg3A_462 = vector.broadcast %neg3A : f32 to vector<512x1xf32>
    %neg3A_463 = arith.subf %neg3A_462, %abs3A : vector<512x1xf32>
    %exp3A = math.exp %neg3A_463 : vector<512x1xf32>
    %log1p3A = math.log1p %exp3A : vector<512x1xf32>
    %add3A_464 = arith.addf %max3A_461, %log1p3A : vector<512x1xf32>
    %div3A_465 = arith.constant 1.000000e+01 : f32
    %div3A_466 = vector.broadcast %div3A_465 : f32 to vector<512x1xf32>
    %div3A_467 = arith.divf %add3A_464, %div3A_466 : vector<512x1xf32>
    %neg3A_468 = arith.constant 0.000000e+00 : f32
    %neg3A_469 = vector.broadcast %neg3A_468 : f32 to vector<512x1xf32>
    %neg3A_470 = arith.subf %neg3A_469, %div3A_467 : vector<512x1xf32>
    %exp3A_471 = math.exp %neg3A_470 : vector<512x1xf32>
    %sub3A_472 = arith.constant 1.000000e+00 : f32
    %sub3A_473 = vector.broadcast %sub3A_472 : f32 to vector<512x1xf32>
    %sub3A_474 = arith.subf %sub3A_473, %exp3A_471 : vector<512x1xf32>
    %swap3A = arith.constant 0 : index
    %swap3A_475 = arith.constant 0 : index
    %swap3A_476 = arith.constant 0 : index
    %swap3A_477 = vector.load %arg26[%swap3A, %swap3A_475, %swap3A_476] : memref<1x512x1xf32, #tpu.memory_space<vmem>>, vector<1x512x1xf32>
    %swap3A_478 = vector.shape_cast %swap3A_477 : vector<1x512x1xf32> to vector<512x1xf32>
    %swap3A_479 = vector.shape_cast %sub3A_474 : vector<512x1xf32> to vector<1x512x1xf32>
    tpu.vector_store %arg26[%swap3A, %swap3A_475, %swap3A_476], %swap3A_479 {strides = array<i32>} : memref<1x512x1xf32, #tpu.memory_space<vmem>>, vector<1x512x1xf32>,
    %get3A_480 = arith.constant 0 : index
    %get3A_481 = arith.constant 0 : index
    %get3A_482 = arith.constant 0 : index
    %get3A_483 = vector.load %arg4[%get3A_480, %get3A_481, %get3A_482] : memref<1x3x512xf32, #tpu.memory_space<vmem>>, vector<1x3x512xf32>
    %get3A_484 = vector.shape_cast %get3A_483 : vector<1x3x512xf32> to vector<3x512xf32>
    %mul3A_485 = arith.mulf %get3A_484, %get3A_484 : vector<3x512xf32>
    %reduce_sum3A = arith.constant dense<0.000000e+00> : vector<512xf32>
    %reduce_sum3A_486 = vector.multi_reduction <add>, %mul3A_485, %reduce_sum3A [0] : vector<3x512xf32> to vector<512xf32>
    %broadcast_in_dim3A_487 = vector.shape_cast %reduce_sum3A_486 : vector<512xf32> to vector<1x512xf32>
    %sqrt3A = math.sqrt %broadcast_in_dim3A_487 : vector<1x512xf32>
    %max3A_488 = arith.constant 9.99999996E-13 : f32
    %max3A_489 = vector.broadcast %max3A_488 : f32 to vector<1x512xf32>
    %max3A_490 = arith.maximumf %sqrt3A, %max3A_489 : vector<1x512xf32>
    %div3A_491 = vector.broadcast %max3A_490 : vector<1x512xf32> to vector<3x512xf32>
    %div3A_492 = arith.divf %get3A_484, %div3A_491 : vector<3x512xf32>
    %sin3A_493 = math.sin %div3A_492 : vector<3x512xf32>
    %cos3A_494 = math.cos %div3A_492 : vector<3x512xf32>
    %mul3A_495 = arith.constant 2.000000e+00 : f32
    %mul3A_496 = vector.broadcast %mul3A_495 : f32 to vector<3x512xf32>
    %mul3A_497 = arith.mulf %mul3A_496, %sin3A_493 : vector<3x512xf32>
    %mul3A_498 = arith.mulf %mul3A_497, %cos3A_494 : vector<3x512xf32>
    %mul3A_499 = arith.constant 2.000000e+00 : f32
    %mul3A_500 = vector.broadcast %mul3A_499 : f32 to vector<3x512xf32>
    %mul3A_501 = arith.mulf %mul3A_500, %sin3A_493 : vector<3x512xf32>
    %mul3A_502 = arith.mulf %mul3A_501, %sin3A_493 : vector<3x512xf32>
    %sub3A_503 = arith.constant 1.000000e+00 : f32
    %sub3A_504 = vector.broadcast %sub3A_503 : f32 to vector<3x512xf32>
    %sub3A_505 = arith.subf %sub3A_504, %mul3A_502 : vector<3x512xf32>
    %mul3A_506 = arith.constant 2.000000e+00 : f32
    %mul3A_507 = vector.broadcast %mul3A_506 : f32 to vector<3x512xf32>
    %mul3A_508 = arith.mulf %mul3A_507, %mul3A_498 : vector<3x512xf32>
    %mul3A_509 = arith.mulf %mul3A_508, %sub3A_505 : vector<3x512xf32>
    %mul3A_510 = arith.constant 2.000000e+00 : f32
    %mul3A_511 = vector.broadcast %mul3A_510 : f32 to vector<3x512xf32>
    %mul3A_512 = arith.mulf %mul3A_511, %mul3A_498 : vector<3x512xf32>
    %mul3A_513 = arith.mulf %mul3A_512, %mul3A_498 : vector<3x512xf32>
    %sub3A_514 = arith.constant 1.000000e+00 : f32
    %sub3A_515 = vector.broadcast %sub3A_514 : f32 to vector<3x512xf32>
    %sub3A_516 = arith.subf %sub3A_515, %mul3A_513 : vector<3x512xf32>
    %mul3A_517 = arith.constant 2.000000e+00 : f32
    %mul3A_518 = vector.broadcast %mul3A_517 : f32 to vector<3x512xf32>
    %mul3A_519 = arith.mulf %mul3A_518, %mul3A_509 : vector<3x512xf32>
    %mul3A_520 = arith.mulf %mul3A_519, %sub3A_516 : vector<3x512xf32>
    %mul3A_521 = arith.constant 2.000000e+00 : f32
    %mul3A_522 = vector.broadcast %mul3A_521 : f32 to vector<3x512xf32>
    %mul3A_523 = arith.mulf %mul3A_522, %mul3A_509 : vector<3x512xf32>
    %mul3A_524 = arith.mulf %mul3A_523, %mul3A_509 : vector<3x512xf32>
    %sub3A_525 = arith.constant 1.000000e+00 : f32
    %sub3A_526 = vector.broadcast %sub3A_525 : f32 to vector<3x512xf32>
    %sub3A_527 = arith.subf %sub3A_526, %mul3A_524 : vector<3x512xf32>
    %concatenate3A_528 = tpu.concatenate %sin3A_493, %mul3A_498, %mul3A_509, %mul3A_520, %cos3A_494, %sub3A_505, %sub3A_516, %sub3A_527, %div3A_492 in 0 : vector<3x512xf32>, vector<3x512xf32>, vector<3x512xf32>, vector<3x512xf32>, vector<3x512xf32>, vector<3x512xf32>, vector<3x512xf32>, vector<3x512xf32>, vector<3x512xf32> -> vector<27x512xf32>
    %get3A_529 = arith.constant 0 : index
    %get3A_530 = arith.constant 0 : index
    %get3A_531 = vector.load %arg21[%get3A_529, %get3A_530] : memref<128x64xf32, #tpu.memory_space<vmem>>, vector<128x64xf32>
    %dot_general3A_532 = arith.constant dense<0.000000e+00> : vector<512x64xf32>
    %dot_general3A_533 = tpu.matmul %add3A_445, %get3A_531, %dot_general3A_532 {dimension_numbers = #tpu.dot_dimension_numbers<[1], [0], [0], [1], [0, 0, 1, 1], [], []>, transpose_lhs_hint = false} : vector<512x128xf32>, vector<128x64xf32>, vector<512x64xf32> -> vector<512x64xf32>
    %get3A_534 = arith.constant 0 : index
    %get3A_535 = arith.constant 0 : index
    %get3A_536 = vector.load %arg22[%get3A_534, %get3A_535] : memref<27x64xf32, #tpu.memory_space<vmem>>, vector<27x64xf32>
    %dot_general3A_537 = arith.constant dense<0.000000e+00> : vector<512x64xf32>
    %dot_general3A_538 = tpu.matmul %concatenate3A_528, %get3A_536, %dot_general3A_537 {dimension_numbers = #tpu.dot_dimension_numbers<[0], [0], [1], [1], [0, 1, 1, 1], [], []>, transpose_lhs_hint = false} : vector<27x512xf32>, vector<27x64xf32>, vector<512x64xf32> -> vector<512x64xf32>
    %add3A_539 = arith.addf %dot_general3A_533, %dot_general3A_538 : vector<512x64xf32>
    %get3A_540 = arith.constant 0 : index
    %get3A_541 = arith.constant 0 : index
    %get3A_542 = vector.load %arg23[%get3A_540, %get3A_541] : memref<1x64xf32, #tpu.memory_space<vmem>>, vector<1x64xf32>
    %add3A_543 = vector.broadcast %get3A_542 : vector<1x64xf32> to vector<512x64xf32>
    %add3A_544 = arith.addf %add3A_539, %add3A_543 : vector<512x64xf32>
    %max3A_545 = arith.constant 0.000000e+00 : f32
    %max3A_546 = vector.broadcast %max3A_545 : f32 to vector<512x64xf32>
    %max3A_547 = arith.maximumf %add3A_544, %max3A_546 : vector<512x64xf32>
    %get3A_548 = arith.constant 0 : index
    %get3A_549 = arith.constant 0 : index
    %get3A_550 = vector.load %arg24[%get3A_548, %get3A_549] : memref<64x32xf32, #tpu.memory_space<vmem>>, vector<64x32xf32>
    %dot_general3A_551 = arith.constant dense<0.000000e+00> : vector<512x32xf32>
    %dot_general3A_552 = tpu.matmul %max3A_547, %get3A_550, %dot_general3A_551 {dimension_numbers = #tpu.dot_dimension_numbers<[1], [0], [0], [1], [0, 0, 1, 1], [], []>, transpose_lhs_hint = false} : vector<512x64xf32>, vector<64x32xf32>, vector<512x32xf32> -> vector<512x32xf32>
    %get3A_553 = arith.constant 0 : index
    %get3A_554 = arith.constant 0 : index
    %get3A_555 = vector.load %arg25[%get3A_553, %get3A_554] : memref<1x32xf32, #tpu.memory_space<vmem>>, vector<1x32xf32>
    %add3A_556 = vector.broadcast %get3A_555 : vector<1x32xf32> to vector<512x32xf32>
    %add3A_557 = arith.addf %dot_general3A_552, %add3A_556 : vector<512x32xf32>
    %iota3A = tpu.iota {dimensions = array<i32: 1>} : vector<512x32xi32>
    %slice3A_558 = vector.extract_strided_slice %add3A_557 {offsets = [0, 0], sizes = [512, 3], strides = [1, 1]} : vector<512x32xf32> to vector<512x3xf32>
    %logistic3A = arith.negf %slice3A_558 : vector<512x3xf32>
    %logistic3A_559 = math.exp %logistic3A : vector<512x3xf32>
    %logistic3A_560 = arith.constant 1.000000e+00 : f32
    %logistic3A_561 = vector.broadcast %logistic3A_560 : f32 to vector<512x3xf32>
    %logistic3A_562 = arith.addf %logistic3A_561, %logistic3A_559 : vector<512x3xf32>
    %logistic3A_563 = arith.divf %logistic3A_561, %logistic3A_562 : vector<512x3xf32>
    %mul3A_564 = arith.constant 1.002000e+00 : f32
    %mul3A_565 = vector.broadcast %mul3A_564 : f32 to vector<512x3xf32>
    %mul3A_566 = arith.mulf %logistic3A_563, %mul3A_565 : vector<512x3xf32>
    %sub3A_567 = arith.constant 1.000000e-03 : f32
    %sub3A_568 = vector.broadcast %sub3A_567 : f32 to vector<512x3xf32>
    %sub3A_569 = arith.subf %mul3A_566, %sub3A_568 : vector<512x3xf32>
    %slice3A_570 = vector.extract_strided_slice %add3A_557 {offsets = [0, 3], sizes = [512, 29], strides = [1, 1]} : vector<512x32xf32> to vector<512x29xf32>
    %concatenate3A_571 = tpu.concatenate %sub3A_569, %slice3A_570 in 1 : vector<512x3xf32>, vector<512x29xf32> -> vector<512x32xf32>
    %lt3A = arith.constant 3 : i32
    %lt3A_572 = vector.broadcast %lt3A : i32 to vector<512x32xi32>
    %lt3A_573 = arith.cmpi slt, %iota3A, %lt3A_572 : vector<512x32xi32>
    %select_n3A = arith.select %lt3A_573, %concatenate3A_571, %add3A_557 : vector<512x32xi1>, vector<512x32xf32>
    %swap3A_574 = arith.constant 0 : index
    %swap3A_575 = arith.constant 0 : index
    %swap3A_576 = arith.constant 0 : index
    %swap3A_577 = vector.load %arg27[%swap3A_574, %swap3A_575, %swap3A_576] : memref<1x512x32xf32, #tpu.memory_space<vmem>>, vector<1x512x32xf32>
    %swap3A_578 = vector.shape_cast %swap3A_577 : vector<1x512x32xf32> to vector<512x32xf32>
    %swap3A_579 = vector.shape_cast %select_n3A : vector<512x32xf32> to vector<1x512x32xf32>
    tpu.vector_store %arg27[%swap3A_574, %swap3A_575, %swap3A_576], %swap3A_579 {strides = array<i32>} : memref<1x512x32xf32, #tpu.memory_space<vmem>>, vector<1x512x32xf32>,
    return
  }
  func.func @transform_0(%arg0: i32, %arg1: i32) -> (i32, i32, i32) {
    %c0_i32 = arith.constant 0 : i32
    %c0_i32_0 = arith.constant 0 : i32
    return %arg0, %arg1, %c0_i32 : i32, i32, i32
  }
  func.func @transform_1(%arg0: i32, %arg1: i32) -> (i32, i32, i32) {
    %c0_i32 = arith.constant 0 : i32
    %c0_i32_0 = arith.constant 0 : i32
    return %arg0, %c0_i32, %arg1 : i32, i32, i32
  }
  func.func @transform_2(%arg0: i32, %arg1: i32) -> (i32, i32, i32) {
    %c0_i32 = arith.constant 0 : i32
    %c0_i32_0 = arith.constant 0 : i32
    return %arg0, %c0_i32, %arg1 : i32, i32, i32
  }
  func.func @transform_3(%arg0: i32, %arg1: i32) -> (i32, i32, i32) {
    %c0_i32 = arith.constant 0 : i32
    %c0_i32_0 = arith.constant 0 : i32
    return %arg0, %arg1, %c0_i32 : i32, i32, i32
  }
  func.func @transform_4(%arg0: i32, %arg1: i32) -> (i32, i32, i32) {
    %c0_i32 = arith.constant 0 : i32
    %c0_i32_0 = arith.constant 0 : i32
    %c0_i32_1 = arith.constant 0 : i32
    return %arg0, %c0_i32, %c0_i32_0 : i32, i32, i32
  }
  func.func @transform_5(%arg0: i32, %arg1: i32) -> (i32, i32, i32) {
    %c0_i32 = arith.constant 0 : i32
    %c0_i32_0 = arith.constant 0 : i32
    return %arg0, %arg1, %c0_i32 : i32, i32, i32
  }
  func.func @transform_6(%arg0: i32, %arg1: i32) -> (i32, i32, i32) {
    %c0_i32 = arith.constant 0 : i32
    %c0_i32_0 = arith.constant 0 : i32
    return %arg0, %arg1, %c0_i32 : i32, i32, i32
  }
  func.func @transform_7(%arg0: i32, %arg1: i32) -> (i32, i32) {
    %c0_i32 = arith.constant 0 : i32
    %c0_i32_0 = arith.constant 0 : i32
    %c0_i32_1 = arith.constant 0 : i32
    return %c0_i32, %c0_i32_0 : i32, i32
  }
  func.func @transform_8(%arg0: i32, %arg1: i32) -> (i32, i32) {
    %c0_i32 = arith.constant 0 : i32
    %c0_i32_0 = arith.constant 0 : i32
    %c0_i32_1 = arith.constant 0 : i32
    return %c0_i32, %c0_i32_0 : i32, i32
  }
  func.func @transform_9(%arg0: i32, %arg1: i32) -> (i32, i32) {
    %c0_i32 = arith.constant 0 : i32
    %c0_i32_0 = arith.constant 0 : i32
    %c0_i32_1 = arith.constant 0 : i32
    return %c0_i32, %c0_i32_0 : i32, i32
  }
  func.func @transform_10(%arg0: i32, %arg1: i32) -> (i32, i32) {
    %c0_i32 = arith.constant 0 : i32
    %c0_i32_0 = arith.constant 0 : i32
    %c0_i32_1 = arith.constant 0 : i32
    return %c0_i32, %c0_i32_0 : i32, i32
  }
  func.func @transform_11(%arg0: i32, %arg1: i32) -> (i32, i32) {
    %c0_i32 = arith.constant 0 : i32
    %c0_i32_0 = arith.constant 0 : i32
    %c0_i32_1 = arith.constant 0 : i32
    return %c0_i32, %c0_i32_0 : i32, i32
  }
  func.func @transform_12(%arg0: i32, %arg1: i32) -> (i32, i32) {
    %c0_i32 = arith.constant 0 : i32
    %c0_i32_0 = arith.constant 0 : i32
    %c0_i32_1 = arith.constant 0 : i32
    return %c0_i32, %c0_i32_0 : i32, i32
  }
  func.func @transform_13(%arg0: i32, %arg1: i32) -> (i32, i32) {
    %c0_i32 = arith.constant 0 : i32
    %c0_i32_0 = arith.constant 0 : i32
    %c0_i32_1 = arith.constant 0 : i32
    return %c0_i32, %c0_i32_0 : i32, i32
  }
  func.func @transform_14(%arg0: i32, %arg1: i32) -> (i32, i32) {
    %c0_i32 = arith.constant 0 : i32
    %c0_i32_0 = arith.constant 0 : i32
    %c0_i32_1 = arith.constant 0 : i32
    return %c0_i32, %c0_i32_0 : i32, i32
  }
  func.func @transform_15(%arg0: i32, %arg1: i32) -> (i32, i32) {
    %c0_i32 = arith.constant 0 : i32
    %c0_i32_0 = arith.constant 0 : i32
    %c0_i32_1 = arith.constant 0 : i32
    return %c0_i32, %c0_i32_0 : i32, i32
  }
  func.func @transform_16(%arg0: i32, %arg1: i32) -> (i32, i32) {
    %c0_i32 = arith.constant 0 : i32
    %c0_i32_0 = arith.constant 0 : i32
    %c0_i32_1 = arith.constant 0 : i32
    return %c0_i32, %c0_i32_0 : i32, i32
  }
  func.func @transform_17(%arg0: i32, %arg1: i32) -> (i32, i32) {
    %c0_i32 = arith.constant 0 : i32
    %c0_i32_0 = arith.constant 0 : i32
    %c0_i32_1 = arith.constant 0 : i32
    return %c0_i32, %c0_i32_0 : i32, i32
  }
  func.func @transform_18(%arg0: i32, %arg1: i32) -> (i32, i32) {
    %c0_i32 = arith.constant 0 : i32
    %c0_i32_0 = arith.constant 0 : i32
    %c0_i32_1 = arith.constant 0 : i32
    return %c0_i32, %c0_i32_0 : i32, i32
  }
  func.func @transform_19(%arg0: i32, %arg1: i32) -> (i32, i32) {
    %c0_i32 = arith.constant 0 : i32
    %c0_i32_0 = arith.constant 0 : i32
    %c0_i32_1 = arith.constant 0 : i32
    return %c0_i32, %c0_i32_0 : i32, i32
  }
  func.func @transform_20(%arg0: i32, %arg1: i32) -> (i32, i32) {
    %c0_i32 = arith.constant 0 : i32
    %c0_i32_0 = arith.constant 0 : i32
    %c0_i32_1 = arith.constant 0 : i32
    return %c0_i32, %c0_i32_0 : i32, i32
  }
  func.func @transform_21(%arg0: i32, %arg1: i32) -> (i32, i32) {
    %c0_i32 = arith.constant 0 : i32
    %c0_i32_0 = arith.constant 0 : i32
    %c0_i32_1 = arith.constant 0 : i32
    return %c0_i32, %c0_i32_0 : i32, i32
  }
  func.func @transform_22(%arg0: i32, %arg1: i32) -> (i32, i32) {
    %c0_i32 = arith.constant 0 : i32
    %c0_i32_0 = arith.constant 0 : i32
    %c0_i32_1 = arith.constant 0 : i32
    return %c0_i32, %c0_i32_0 : i32, i32
  }
  func.func @transform_23(%arg0: i32, %arg1: i32) -> (i32, i32) {
    %c0_i32 = arith.constant 0 : i32
    %c0_i32_0 = arith.constant 0 : i32
    %c0_i32_1 = arith.constant 0 : i32
    return %c0_i32, %c0_i32_0 : i32, i32
  }
  func.func @transform_24(%arg0: i32, %arg1: i32) -> (i32, i32, i32) {
    %c0_i32 = arith.constant 0 : i32
    %c0_i32_0 = arith.constant 0 : i32
    return %arg0, %arg1, %c0_i32 : i32, i32, i32
  }
  func.func @transform_25(%arg0: i32, %arg1: i32) -> (i32, i32, i32) {
    %c0_i32 = arith.constant 0 : i32
    %c0_i32_0 = arith.constant 0 : i32
    return %arg0, %arg1, %c0_i32 : i32, i32, i32
  }
}

</mosaic_0001>

<sc_bundles>
// kernel: kernel.11.cloned.1.call-start
scs
__scs_entry_jumppad:
0x0: {  	(pc) =	sbr.rel $0x88, $3  }
0x1: {  	(tag) =	ssettag $0x0;
	lr =	simm.s32 $0x1  }
0x2: {  	[smem:$0x3F8C] =	sst lr;
	_ =	strace $0xD0000000  }
0x3: {  	_ = 	snop  }
0x4: {  	_ = 	snop  }
0x5: {  	_ = 	snop  }
0x6: {  	_ = 	snop  }
0x7: {  	_ = 	snop  }
__scs_overlays_trampoline_lowered:
0x8: {  	[smem:$0x3F9B] =	sst s0  }
0x9: {  	[smem:$0x3F9C] =	sst s1  }
0xa: {  	[smem:$0x3F9D] =	sst s2  }
0xb: {  	[smem:$0x3F9E] =	sst s3  }
0xc: {  	[smem:$0x3F9F] =	sst s4  }
0xd: {  	[smem:$0x3FA0] =	sst s5  }
0xe: {  	[smem:$0x3FA1] =	sst s6  }
0xf: {  	[smem:$0x3FA2] =	sst s7  }
0x10: {  	[smem:$0x3FA3] =	sst s8  }
0x11: {  	[smem:$0x3FA4] =	sst s9;
	s0 =	simm.s32 @!p0 $0x0  }
0x12: {  	s1 =	sld [smem:$0x3F8A];
	s0 =	simm.s32 @p0 $0x1  }
0x13: {  	[smem:$0x3FA5] =	sst s0;
	s0 =	simm.s32 @!p1 $0x0  }
0x14: {  	s2 =	sld [smem:$0x3F89];
	s0 =	simm.s32 @p1 $0x1  }
0x15: {  	[smem:$0x3FA6] =	sst s0;
	s0 =	simm.s32 @!p2 $0x0  }
0x16: {  	s3 =	sld [smem:$0x3FDB];
	s0 =	simm.s32 @p2 $0x1  }
0x17: {  	s4 =	simm.s32 $0x1BF5;
	[smem:$0x3FA8] =	sst s0  }
0x18: {  	s0 =	sld [smem:$0x3F8B];
	_ =	swait.ge [sflag:s4], $0x0  }
0x19: {  	s7 =	sld [smem:$0x3F8C]  }
0x1a: {  	s8 =	sadd.s32 $0xFFFFE003, lr  }
0x1b: {  	s9 =	sadd.s32 $0xFFFFFEF7, lr;
	s5 =	simm.s32 $0xFFFFFFFF;
	p2 =	slt.u32 s8, $0xFFFFF086  }
0x1c: {  	p1 =	slt.u32 s9, $0xF7A;
	s5 =	simm.s32 @!p2 $0x0  }
0x1d: {  	s5 =	simm.s32 @p1 $0x1;
	p0 =	seq.s32 s7, s2  }
0x1e: {  	s7 =	smul.u32 @!p0 $0xF7A, s2;
	p2 =	seq.s32 @!p0 s5, $0x0  }
0x1f: {  	s9 =	smul.u32 $0xF7A, s1;
	s8 =	simm.s32 @!p0 $0x1BF5;
	p2 =	por !p2, p0  }
0x20: {  	[sflag:s8] =	ssyncset.s32 @!p0 $0xFFFFF086;
	s6 =	sadd.s32 @!p0 s3, s7;
	s7 =	simm.s32 @!p0 $0x108  }
0x21: {  	s3 =	sadd.s32 s3, s9;
	s6 =	sadd.s32 @!p0 $0x88, s6;
	s7 =	simm.s32 @p2 $0x1082  }
0x22: {  	[simem:s7], [sflag:s8] =	dma.local @!p0 [hbm:s6], $0xF7A  }
0x23: {  	s9 =	sor.u32 $0xD0000000, s2;
	s6 =	simm.s32 $0x108;
	_ =	swait.ge @!p0 [sflag:s8], $0x0  }
0x24: {  	s3 =	sadd.s32 $0x88, s3;
	s6 =	simm.s32 @!p1 $0x1082;
	[sflag:s4] =	ssyncset.s32 $0xFFFFF086  }
0x25: {  	[simem:s6], [sflag:s4] =	dma.local [hbm:s3], $0xF7A  }
0x26: {  	[smem:$0x3F8C] =	sst s1;
	(tag) =	ssettag s2;
	_ =	strace s9  }
0x27: {  	s1 =	sld [smem:$0x3F9C]  }
0x28: {  	s2 =	sld [smem:$0x3F9D]  }
0x29: {  	s4 =	sld [smem:$0x3F9F]  }
0x2a: {  	p0 =	seq.s32 s5, $0x0;
	s5 =	sld [smem:$0x3FA0]  }
0x2b: {  	s6 =	sld [smem:$0x3FA1]  }
0x2c: {  	s7 =	sld [smem:$0x3FA2]  }
0x2d: {  	s3 =	simm.s32 $0x108;
	s8 =	sld [smem:$0x3FA3]  }
0x2e: {  	s3 =	simm.s32 @!p0 $0x1082;
	s9 =	sld [smem:$0x3FA4]  }
0x2f: {  	lr =	sadd.s32 s0, s3;
	s0 =	sld [smem:$0x3F9B]  }
0x30: {  	s3 =	sld [smem:$0x3F9E]  }
0x31: {  	[smem:$0x3FA7] =	sst s10  }
0x32: {  	s10 =	sld [smem:$0x3FA5];
	_ =	sdelay $0x3  }
0x33: {  	p0 =	seq.s32 s10, $0x1;
	s10 =	sld [smem:$0x3FA7];
	_ =	sdelay $0x3  }
0x34: {  	[smem:$0x3FA7] =	sst s10  }
0x35: {  	s10 =	sld [smem:$0x3FA6];
	_ =	sdelay $0x3  }
0x36: {  	p1 =	seq.s32 s10, $0x1;
	s10 =	sld [smem:$0x3FA7];
	_ =	sdelay $0x3  }
0x37: {  	[smem:$0x3FA7] =	sst s10  }
0x38: {  	s10 =	sld [smem:$0x3FA8]  }
0x39: {  	_ = 	snop;
	(pc) =	sbr.ind lr, $3  }
0x3a: {  	_ = 	snop  }
0x3b: {  	_ = 	snop  }
0x3c: {  	p2 =	seq.s32 s10, $0x1;
	s10 =	sld [smem:$0x3FA7]  }
0x3d: {  	_ =	shalt  }
0x3e: {  	_ =	shalt  }
0x3f: {  	_ =	shalt  }
0x40: {  	_ =	shalt  }
0x41: {  	_ =	shalt  }
0x42: {  	_ =	shalt  }
0x43: {  	_ =	shalt  }
0x44: {  	_ =	shalt  }
0x45: {  	_ =	shalt  }
0x46: {  	_ =	shalt  }
0x47: {  	_ =	shalt  }
0x48: {  	_ =	shalt  }
0x49: {  	_ =	shalt  }
0x4a: {  	_ =	shalt  }
0x4b: {  	_ =	shalt  }
0x4c: {  	_ =	shalt  }
0x4d: {  	_ =	shalt  }
0x4e: {  	_ =	shalt  }
0x4f: {  	_ =	shalt  }
0x50: {  	_ =	shalt  }
0x51: {  	_ =	shalt  }
0x52: {  	_ =	shalt  }
0x53: {  	_ =	shalt  }
0x54: {  	_ =	shalt  }
0x55: {  	_ =	shalt  }
0x56: {  	_ =	shalt  }
0x57: {  	_ =	shalt  }
0x58: {  	_ =	shalt  }
0x59: {  	_ =	shalt  }
0x5a: {  	_ =	shalt  }
0x5b: {  	_ =	shalt  }
0x5c: {  	_ =	shalt  }
0x5d: {  	_ =	shalt  }
0x5e: {  	_ =	shalt  }
0x5f: {  	_ =	shalt  }
0x60: {  	_ =	shalt  }
0x61: {  	_ =	shalt  }
0x62: {  	_ =	shalt  }
0x63: {  	_ =	shalt  }
0x64: {  	_ =	shalt  }
0x65: {  	_ =	shalt  }
0x66: {  	_ =	shalt  }
0x67: {  	_ =	shalt  }
0x68: {  	_ =	shalt  }
0x69: {  	_ =	shalt  }
0x6a: {  	_ =	shalt  }
0x6b: {  	_ =	shalt  }
0x6c: {  	_ =	shalt  }
0x6d: {  	_ =	shalt  }
0x6e: {  	_ =	shalt  }
0x6f: {  	_ =	shalt  }
0x70: {  	_ =	shalt  }
0x71: {  	_ =	shalt  }
0x72: {  	_ =	shalt  }
0x73: {  	_ =	shalt  }
0x74: {  	_ =	shalt  }
0x75: {  	_ =	shalt  }
0x76: {  	_ =	shalt  }
0x77: {  	_ =	shalt  }
0x78: {  	_ =	shalt  }
0x79: {  	_ =	shalt  }
0x7a: {  	_ =	shalt  }
0x7b: {  	_ =	shalt  }
0x7c: {  	_ =	shalt  }
0x7d: {  	_ =	shalt  }
0x7e: {  	_ =	shalt  }
0x7f: {  	_ =	shalt  }
0x80: {  	_ =	shalt  }
0x81: {  	_ =	shalt  }
0x82: {  	_ =	shalt  }
0x83: {  	_ =	shalt  }
0x84: {  	_ =	shalt  }
0x85: {  	_ =	shalt  }
0x86: {  	_ =	shalt  }
0x87: {  	_ =	shalt  }
.Lfunc_end0:
.L_simem_size_0:
called_computation.2_lowered:
.L_overlay_start_0:
0x88: {  	s2 =	sld [smem:$0x3FD9]  }
0x89: {  	s3 =	sld [smem:$0x3FFE];
	_ =	sdelay $0x1  }
0x8a: {  	s1 =	srdreg.scid  }
0x8b: {  	s0 =	sand.u32 $0x1, s1  }
0x8c: {  	s15 =	sshll.u32 s0, $0xA;
	s2 =	sadd.s32 s3, s2  }
0x8d: {  	s2 =	sadd.s32 s2, s15  }
0x8e: {  	[smem:$0x3FB3] =	sst s2  }
0x8f: {  	_ = 	snop  }
0x90: {  	s2 =	sld [smem:$0x3FD0];
	_ =	sdelay $0x2  }
0x91: {  	s16 =	simm.s32 $0xB;
	s4 =	simm.s32 $0x10  }
0x92: {  	[smem:s4], [sflag:s16] =	dma.local [hbm:s2], $0x1  }
0x93: {  	_ =	swait.eq [sflag:s16], $0x1  }
0x94: {  	[sflag:s16] =	ssyncset.done $0x0  }
0x95: {  	[sflag:s16] =	ssyncadd.s32 $0xFFFFFFFF  }
0x96: {  	s17 =	sld [smem:$0x11];
	(tm) =	ssettm $0x1  }
0x97: {  	s18 =	sld [smem:$0x3FFB];
	_ =	sdelay $0x3  }
0x98: {  	_ =	strace s18  }
0x99: {  	s2 =	sld [smem:$0x3FFC];
	_ =	sdelay $0x3  }
0x9a: {  	_ =	strace s2  }
0x9b: {  	s2 =	sld [smem:$0x3FFD];
	_ =	sdelay $0x3  }
0x9c: {  	_ =	strace s2  }
0x9d: {  	_ =	strace $0x8FFFFFFF  }
0x9e: {  	s19 =	sld [smem:$0x3FDB];
	_ =	sdelay $0x1  }
0x9f: {  	s20 =	simm.s32 $_scs_section_size  }
0xa0: {  	s5 =	simm.s32 $_size__tile_overlayer_lowered;
	s6 =	simm.s32 $_tile_overlayer_lowered  }
0xa1: {  	s7 =	simm.s32 $0x1BFF;
	s21 =	sshll.u32 s6, $0x1;
	s4 =	sadd.s32 s20, s19  }
0xa2: {  	s22 =	simm.s32 $0x0;
	s5 =	sshll.u32 s5, $0x1;
	s6 =	sadd.s32 s21, s4  }
0xa3: {  	[timem:s22], [sflag:s7] =	dma.local [hbm:s6], s5  }
0xa4: {  	_ =	swait.ge [sflag:s7], s5  }
0xa5: {  	s5 =	ssub.s32 $0x0, s5;
	[sflag:s7] =	ssyncset.done $0x0  }
0xa6: {  	[sflag:s7] =	ssyncadd.s32 s5;
	_ =	sdelay $0x1  }
0xa7: {  	s23 =	simm.s32 $0x1B8B  }
0xa8: {  	_ =	swait.ge [sflag:s23], $0x1  }
0xa9: {  	[sflag:s23] =	ssyncset.done $0x0  }
0xaa: {  	[sflag:s23] =	ssyncadd.s32 $0xFFFFFFFF  }
0xab: {  	s5 =	sld [smem:$0x0]  }
0xac: {  	s6 =	sand.u32 $0xFFFFFFFE, s1  }
0xad: {  	p0 =	sne.s32 s1, s6  }
0xae: {  	s6 =	sshll.u32 @p0 s6, $0xE  }
0xaf: {  	s6 =	sadd.s32 @p0 $0x11B8D, s6;
	s7 =	sshll.u32 @p0 s5, $0x11  }
0xb0: {  	s6 =	sor.u32 @p0 s7, s6  }
0xb1: {  	[sflag:s6] =	ssyncadd.remote.s32 @p0 $0x1;
	_ =	sdelay $0x1  }
0xb2: {  	s6 =	simm.s32 @p0 $0x1B8D  }
0xb3: {  	_ =	swait.eq @p0 [sflag:s6], $0x1  }
0xb4: {  	[sflag:s6] =	ssyncadd.s32 @p0 $0xFFFFFFFF  }
0xb5: {  	s7 =	sshll.u32 @!p0 s1, $0xE  }
0xb6: {  	s7 =	sor.u32 @!p0 $0x4000, s7;
	s6 =	simm.s32 @!p0 $0x1B8D  }
0xb7: {  	s5 =	sshll.u32 @!p0 s5, $0x11;
	s7 =	sadd.s32 @!p0 $0x11B8D, s7;
	_ =	swait.eq @!p0 [sflag:s6], $0x1  }
0xb8: {  	s5 =	sor.u32 @!p0 s5, s7;
	[sflag:s6] =	ssyncadd.s32 @!p0 $0xFFFFFFFF  }
0xb9: {  	s25 =	simm.s32 $0x1B8E;
	s24 =	sld [smem:$0x3FFE];
	[sflag:s5] =	ssyncadd.remote.s32 @!p0 $0x1  }
0xba: {  	s26 =	simm.s32 $execute0_lowered;
	[smem:$0x3FD2] =	sst s25  }
0xbb: {  	s6 =	sshll.u32 s26, $0x1;
	_ =	strace $0x8000004C;
	[dreg:$0x1] =	wrdreg $0xFFFFFFFF  }
0xbc: {  	s28 =	simm.s32 $_size_execute0_lowered;
	s4 =	sadd.s32 s4, s6;
	[dreg:$0x0] =	wrdreg $0x0  }
0xbd: {  	s6 =	sshll.u32 s28, $0x1;
	[dreg:$0x2] =	wrdreg s4  }
0xbe: {  	[dreg:$0x3] =	wrdreg s6  }
0xbf: {  	[dreg:$0x4] =	wrdreg $0xC0  }
0xc0: {  	_ =	task [dreg:s22], $0x5FFFF  }
0xc1: {  	[dreg:$0x1] =	wrdreg $0xFFFFFFFF  }
0xc2: {  	[dreg:$0x0] =	wrdreg $0x60  }
0xc3: {  	[dreg:$0x2] =	wrdreg s24  }
0xc4: {  	[dreg:$0x3] =	wrdreg s17  }
0xc5: {  	[dreg:$0x4] =	wrdreg $0xA  }
0xc6: {  	_ =	task.clear_ibuf [dreg:s22], $0x5FFFF;
	_ =	strace $0x9000004C  }
0xc7: {  	s29 =	simm.s32 $0xA;
	_ =	strace $0x8000004E  }
0xc8: {  	_ =	swait.ge [sflag:s29], $0x1  }
0xc9: {  	[sflag:s29] =	ssyncadd.s32 $0xFFFFFFFF  }
0xca: {  	_ =	strace $0x9000004E  }
0xcb: {  	_ =	sfence  }
0xcc: {  	s30 =	sld [smem:$0x0];
	_ =	sdelay $0x2  }
0xcd: {  	s31 =	sshll.u32 s1, $0xD;
	s1 =	sshrl.u32 s1, $0x2  }
0xce: {  	s4 =	sand.u32 $0x4000, s31;
	s1 =	sadd.s32 s1, s30  }
0xcf: {  	s0 =	sor.u32 s4, s0;
	s1 =	sshll.u32 s1, $0x11  }
0xd0: {  	s0 =	sor.u32 s1, s0  }
0xd1: {  	s0 =	sadd.s32 $0x8F2B, s0  }
0xd2: {  	[sflag:s0] =	ssyncadd.remote.s32 $0x1  }
0xd3: {  	_ =	sfence.sel $0xFFFF  }
0xd4: {  	[dreg:$0x0] =	wrdreg $0xFFFFFFFF;
	(pc) =	sbr.abs _section_cstart, $3  }
0xd5: {  	[dreg:$0x1] =	wrdreg $0xFFFFFFFF  }
0xd6: {  	_ =	task.clear_ibuf [dreg:s22], $0x2FFFF;
	_ =	strace $0x9FFFFFFF  }
0xd7: {  	(tm) =	ssettm $0x7FFFFFFF  }
tec
execute0_lowered:
.L_overlay_start_1:
0x0: {  	(tag) =	ssettag $0x1  }
0x1: {  	s0 =	rddreg [dreg:$0x0]  }
0x2: {  	s1 =	rddreg [dreg:$0x1];
	s2 =	simm.s32 $0x0  }
0x3: {  	s3 =	srdreg.scid;
	s7 =	stileid.u32;
	s17 =	simm.s32 $0x2  }
0x4: {  	s19 =	simm.s32 $0x80;
	s20 =	simm.s32 $0xA00;
	s21 =	simm.s32 $0x1  }
0x5: {  	s28 =	simm.s32 $0x380;
	s29 =	simm.s32 $0x2200;
	s30 =	simm.s32 $0x0  }
0x6: {  	[smem:$0x7FF] =	sst s2;
	s10 =	sand.u32 $0x1, s3;
	s3 =	sadd.s32 $0x628800, s0  }
0x7: {  	s23 =	sshll.u32 s7, $0x1;
	s4 =	sadd.s32 $0x634800, s0;
	s7 =	smul.u32 $0x3000, s7  }
0x8: {  	_ =	strace $0x8000004D;
	s5 =	sor.u32 s10, s23;
	s31 =	smul.u32 $0x1800, s10  }
0x9: {  	s9 =	ssub.s32 $0x2, s10;
	s23 =	simm.s32 $0x180;
	s6 =	smul.u32 $0x1800, s5  }
0xa: {  	s8 =	sshll.u32 s5, $0x7;
	s5 =	smul.u32 $0x600, s5;
	s24 =	sshrl.u32 s9, $0x1  }
0xb: {  	s8 =	sadd.s32 s8, s0;
	s25 =	ssub.s32 s9, s24;
	s24 =	simm.s32 $0x200  }
0xc: {  	s15 =	sadd.s32 s6, s0;
	s0 =	sadd.s32 s7, s0;
	s26 =	sshrl.u32 s5, $0x3  }
0xd: {  	s5 =	sadd.s32 $0x65E00, s8;
	s7 =	smax.u32 s25, $0x1;
	s25 =	simm.s32 $0x280  }
0xe: {  	s6 =	sadd.s32 s1, s26;
	s8 =	sadd.s32 $0x66E00, s15;
	s9 =	sadd.s32 $0x67100, s15  }
0xf: {  	s10 =	sadd.s32 $0x67400, s15;
	s11 =	sadd.s32 $0x67700, s15;
	s12 =	sadd.s32 $0x67A00, s15  }
0x10: {  	s13 =	sadd.s32 $0x67D00, s15;
	s14 =	sadd.s32 $0x68000, s15;
	s0 =	sadd.s32 s31, s0  }
0x11: {  	s15 =	sadd.s32 $0x68300, s15;
	s26 =	simm.s32 $0x300;
	s16 =	sadd.s32 $0x96E00, s0  }
.LBB2_1:
0x12: {  	[tilespmem:s2], [sflag:$0x2] =	stream.linear.gather [hbm4b:s5+s2], $0x400, $0x38;
	[tilespmem:$0x3200] =	vst v63  }
0x13: {  	_ =	swait.ge [sflag:s17], $0x400  }
0x14: {  	[sflag:s17] =	ssyncset.done $0x0  }
0x15: {  	s0 =	simm.s32 $0x400;
	[sflag:s17] =	ssyncadd.s32 $0xFFFFFC00  }
0x16: {  	[tilespmem:s0], [sflag:$0x2] =	stream.linear.gather [hbm4b:s6+s2], $0x600, $0x38;
	[tilespmem:$0x3200] =	vst v63  }
0x17: {  	_ =	swait.ge [sflag:s17], $0x600  }
0x18: {  	[sflag:s17] =	ssyncset.done $0x0  }
0x19: {  	[sflag:s17] =	ssyncadd.s32 $0xFFFFFA00  }
0x1a: {  	[tilespmem:s20], [sflag:$0x1] =	stream.indirect.gather [hbm4b:s3+s19], $0x30, s2, s19, $0xb8;
	[tilespmem:$0x3200] =	vst v63  }
0x1b: {  	_ =	swait.ge [sflag:s21], $0x1800  }
0x1c: {  	[sflag:s21] =	ssyncset.done $0x0  }
0x1d: {  	[sflag:s21] =	ssyncadd.s32 $0xFFFFE800  }
0x1e: {  	[hbm4b:s8+s2] =	stream.linear.scatter [tilespmem:s20], [sflag:$0x2], $0x1800, $0x38;
	[tilespmem:$0x3200] =	vst v63  }
0x1f: {  	_ =	swait.ge [sflag:s17], $0x1800  }
0x20: {  	[sflag:s17] =	ssyncset.done $0x0  }
0x21: {  	[sflag:s17] =	ssyncadd.s32 $0xFFFFE800  }
0x22: {  	[tilespmem:s20], [sflag:$0x1] =	stream.indirect.gather [hbm4b:s3+s19], $0x30, s19, s19, $0xb8;
	[tilespmem:$0x3200] =	vst v63  }
0x23: {  	_ =	swait.ge [sflag:s21], $0x1800  }
0x24: {  	[sflag:s21] =	ssyncset.done $0x0  }
0x25: {  	[sflag:s21] =	ssyncadd.s32 $0xFFFFE800  }
0x26: {  	[hbm4b:s9+s2] =	stream.linear.scatter [tilespmem:s20], [sflag:$0x2], $0x1800, $0x38;
	[tilespmem:$0x3200] =	vst v63  }
0x27: {  	_ =	swait.ge [sflag:s17], $0x1800  }
0x28: {  	[sflag:s17] =	ssyncset.done $0x0  }
0x29: {  	s1 =	simm.s32 $0x100;
	[sflag:s17] =	ssyncadd.s32 $0xFFFFE800  }
0x2a: {  	[tilespmem:s20], [sflag:$0x1] =	stream.indirect.gather [hbm4b:s3+s19], $0x30, s1, s19, $0xb8;
	[tilespmem:$0x3200] =	vst v63  }
0x2b: {  	_ =	swait.ge [sflag:s21], $0x1800  }
0x2c: {  	[sflag:s21] =	ssyncset.done $0x0  }
0x2d: {  	[sflag:s21] =	ssyncadd.s32 $0xFFFFE800  }
0x2e: {  	[hbm4b:s10+s2] =	stream.linear.scatter [tilespmem:s20], [sflag:$0x2], $0x1800, $0x38;
	[tilespmem:$0x3200] =	vst v63  }
0x2f: {  	_ =	swait.ge [sflag:s17], $0x1800  }
0x30: {  	[sflag:s17] =	ssyncset.done $0x0  }
0x31: {  	[sflag:s17] =	ssyncadd.s32 $0xFFFFE800  }
0x32: {  	[tilespmem:s20], [sflag:$0x1] =	stream.indirect.gather [hbm4b:s3+s19], $0x30, s23, s19, $0xb8;
	[tilespmem:$0x3200] =	vst v63  }
0x33: {  	_ =	swait.ge [sflag:s21], $0x1800  }
0x34: {  	[sflag:s21] =	ssyncset.done $0x0  }
0x35: {  	[sflag:s21] =	ssyncadd.s32 $0xFFFFE800  }
0x36: {  	[hbm4b:s11+s2] =	stream.linear.scatter [tilespmem:s20], [sflag:$0x2], $0x1800, $0x38;
	[tilespmem:$0x3200] =	vst v63  }
0x37: {  	_ =	swait.ge [sflag:s17], $0x1800  }
0x38: {  	[sflag:s17] =	ssyncset.done $0x0  }
0x39: {  	[sflag:s17] =	ssyncadd.s32 $0xFFFFE800  }
0x3a: {  	[tilespmem:s20], [sflag:$0x1] =	stream.indirect.gather [hbm4b:s3+s19], $0x30, s24, s19, $0xb8;
	[tilespmem:$0x3200] =	vst v63  }
0x3b: {  	_ =	swait.ge [sflag:s21], $0x1800  }
0x3c: {  	[sflag:s21] =	ssyncset.done $0x0  }
0x3d: {  	[sflag:s21] =	ssyncadd.s32 $0xFFFFE800  }
0x3e: {  	[hbm4b:s12+s2] =	stream.linear.scatter [tilespmem:s20], [sflag:$0x2], $0x1800, $0x38;
	[tilespmem:$0x3200] =	vst v63  }
0x3f: {  	_ =	swait.ge [sflag:s17], $0x1800  }
0x40: {  	[sflag:s17] =	ssyncset.done $0x0  }
0x41: {  	[sflag:s17] =	ssyncadd.s32 $0xFFFFE800  }
0x42: {  	[tilespmem:s20], [sflag:$0x1] =	stream.indirect.gather [hbm4b:s3+s19], $0x30, s25, s19, $0xb8;
	[tilespmem:$0x3200] =	vst v63  }
0x43: {  	_ =	swait.ge [sflag:s21], $0x1800  }
0x44: {  	[sflag:s21] =	ssyncset.done $0x0  }
0x45: {  	[sflag:s21] =	ssyncadd.s32 $0xFFFFE800  }
0x46: {  	[hbm4b:s13+s2] =	stream.linear.scatter [tilespmem:s20], [sflag:$0x2], $0x1800, $0x38;
	[tilespmem:$0x3200] =	vst v63  }
0x47: {  	_ =	swait.ge [sflag:s17], $0x1800  }
0x48: {  	[sflag:s17] =	ssyncset.done $0x0  }
0x49: {  	[sflag:s17] =	ssyncadd.s32 $0xFFFFE800  }
0x4a: {  	[tilespmem:s20], [sflag:$0x1] =	stream.indirect.gather [hbm4b:s3+s19], $0x30, s26, s19, $0xb8;
	[tilespmem:$0x3200] =	vst v63  }
0x4b: {  	_ =	swait.ge [sflag:s21], $0x1800  }
0x4c: {  	[sflag:s21] =	ssyncset.done $0x0  }
0x4d: {  	[sflag:s21] =	ssyncadd.s32 $0xFFFFE800  }
0x4e: {  	[hbm4b:s14+s2] =	stream.linear.scatter [tilespmem:s20], [sflag:$0x2], $0x1800, $0x38;
	[tilespmem:$0x3200] =	vst v63  }
0x4f: {  	_ =	swait.ge [sflag:s17], $0x1800  }
0x50: {  	[sflag:s17] =	ssyncset.done $0x0  }
0x51: {  	[sflag:s17] =	ssyncadd.s32 $0xFFFFE800  }
0x52: {  	[tilespmem:s20], [sflag:$0x1] =	stream.indirect.gather [hbm4b:s3+s19], $0x30, s28, s19, $0xb8;
	[tilespmem:$0x3200] =	vst v63  }
0x53: {  	_ =	swait.ge [sflag:s21], $0x1800  }
0x54: {  	[sflag:s21] =	ssyncset.done $0x0  }
0x55: {  	[sflag:s21] =	ssyncadd.s32 $0xFFFFE800  }
0x56: {  	[hbm4b:s15+s2] =	stream.linear.scatter [tilespmem:s20], [sflag:$0x2], $0x1800, $0x38;
	[tilespmem:$0x3200] =	vst v63  }
0x57: {  	_ =	swait.ge [sflag:s17], $0x1800  }
0x58: {  	[sflag:s17] =	ssyncset.done $0x0  }
0x59: {  	s18 =	simm.s32 $0x400;
	[sflag:s17] =	ssyncadd.s32 $0xFFFFE800  }
0x5a: {  	[tilespmem:s29], [sflag:$0x1] =	stream.indirect.gather [hbm4b:s4+s19], $0x20, s18, s19, $0xb8;
	[tilespmem:$0x3200] =	vst v63  }
0x5b: {  	_ =	swait.ge [sflag:s21], $0x1000  }
0x5c: {  	[sflag:s21] =	ssyncset.done $0x0  }
0x5d: {  	s22 =	sadd.s32 $0x0, s16;
	[sflag:s21] =	ssyncadd.s32 $0xFFFFF000  }
0x5e: {  	[hbm4b:s22+s2] =	stream.linear.scatter [tilespmem:s29], [sflag:$0x2], $0x1000, $0x38;
	[tilespmem:$0x3200] =	vst v63  }
0x5f: {  	s31 =	simm.s32 $0x200;
	_ =	swait.ge [sflag:s17], $0x1000  }
0x60: {  	s0 =	simm.s32 $0x400;
	s1 =	simm.s32 $0x80;
	[sflag:s17] =	ssyncset.done $0x0  }
.LBB2_2:
0x61: {  	s1 =	sadd.s32 $0x400, s1  }
0x62: {  	[sflag:s17] =	ssyncadd.s32 $0xFFFFF000;
	s18 =	smov.u32 s0;
	s22 =	sadd.s32 $0x200, s0  }
0x63: {  	[tilespmem:s29], [sflag:$0x1] =	stream.indirect.gather [hbm4b:s4+s19], $0x20, s1, s19, $0xb8;
	[tilespmem:$0x3200] =	vst v63  }
0x64: {  	p0 =	sne.s32 s0, $0x1600;
	_ =	swait.ge [sflag:s21], $0x1000  }
.Ltmp0:
0x65: {  	[sflag:s21] =	ssyncset.done $0x0;
	(pc) =	sbr.rel @p0 .LBB2_2-.Ltmp0, $4  }
0x66: {  	s0 =	sadd.s32 s31, s16;
	s31 =	smov.u32 s18;
	[sflag:s21] =	ssyncadd.s32 $0xFFFFF000  }
0x67: {  	[hbm4b:s0+s2] =	stream.linear.scatter [tilespmem:s29], [sflag:$0x2], $0x1000, $0x38;
	[tilespmem:$0x3200] =	vst v63  }
0x68: {  	_ =	swait.ge [sflag:s17], $0x1000  }
0x69: {  	s1 =	sshra.s32 s31, $0x2;
	s0 =	smov.u32 s22;
	[sflag:s17] =	ssyncset.done $0x0  }
0x6a: {  	s0 =	sadd.s32 $0x400, s1;
	[sflag:s17] =	ssyncadd.s32 $0xFFFFF000  }
0x6b: {  	[tilespmem:s29], [sflag:$0x1] =	stream.indirect.gather [hbm4b:s4+s19], $0x20, s0, s19, $0xb8;
	[tilespmem:$0x3200] =	vst v63  }
0x6c: {  	s30 =	sadd.s32 $0x1, s30;
	_ =	swait.ge [sflag:s21], $0x1000  }
0x6d: {  	p0 =	sne.s32 s30, s7;
	[sflag:s21] =	ssyncset.done $0x0  }
.Ltmp1:
0x6e: {  	s31 =	sadd.s32 s31, s16;
	[sflag:s21] =	ssyncadd.s32 $0xFFFFF000;
	(pc) =	sbr.rel @p0 .LBB2_1-.Ltmp1, $4  }
0x6f: {  	[hbm4b:s31+s2] =	stream.linear.scatter [tilespmem:s29], [sflag:$0x2], $0x1000, $0x38;
	[tilespmem:$0x3200] =	vst v63  }
0x70: {  	_ =	swait.ge [sflag:s17], $0x1000  }
0x71: {  	[sflag:s17] =	ssyncset.done $0x0  }
0x72: {  	[sflag:s17] =	ssyncadd.s32 $0xFFFFF000  }
0x73: {  	_ =	sfence.sel $0x180000  }
0x74: {  	[bflag:$0x0] =	sbarrier.arrive $0xFFFF  }
0x75: {  	_ =	strace $0x9000004D  }
0x76: {  	s0 =	stileid.u32;
	[bflag:$0x2] =	sbarrier.arrive $0xFFFF  }
0x77: {  	p0 =	sne.s32 s0, $0x0;
	s0 =	rddreg [dreg:$0x2]  }
0x78: {  	s0 =	sadd.s32 @!p0 $0x100000, s0  }
0x79: {  	[sflag:s0] =	ssyncadd.tile.s32 @!p0 $0x1;
	_ =	shalt  }
.Lfunc_end2:
_tile_overlayer_lowered:
.L_overlay_start_2:
0x7a: {  	(tag) =	ssettag $0x2  }
0x7b: {  	s0 =	rddreg [dreg:$0x0];
	s2 =	stileid.u32  }
0x7c: {  	s1 =	rddreg [dreg:$0x1];
	p0 =	sne.s32 s2, $0x0  }
0x7d: {  	s3 =	rddreg [dreg:$0x2];
	[bflag:$0x3] =	sbarrier.arrive $0xFFFF;
	s2 =	simm.s32 @!p0 $0x1C02  }
0x7e: {  	[timem:s3], [sflag:s2] =	dma.local @!p0 [hbm:s0], s1  }
0x7f: {  	s0 =	simm.s32 @!p0 $0x2  }
0x80: {  	_ =	swait.ge @!p0 [sflag:s0], s1  }
0x81: {  	s1 =	ssub.s32 @!p0 $0x0, s1;
	[sflag:s0] =	ssyncset.done @!p0 $0x0  }
0x82: {  	[sflag:s0] =	ssyncadd.s32 @!p0 s1  }
0x83: {  	[bflag:$0x3] =	sbarrier.arrive $0xFFFF  }
0x84: {  	_ =	shalt  }

// kernel: kernel.8.cloned.1.call-start
scs
__scs_entry_jumppad:
0x0: {  	(pc) =	sbr.rel $0x88, $3  }
0x1: {  	(tag) =	ssettag $0x0;
	lr =	simm.s32 $0x1  }
0x2: {  	[smem:$0x3F8C] =	sst lr;
	_ =	strace $0xD0000000  }
0x3: {  	_ = 	snop  }
0x4: {  	_ = 	snop  }
0x5: {  	_ = 	snop  }
0x6: {  	_ = 	snop  }
0x7: {  	_ = 	snop  }
__scs_overlays_trampoline_lowered:
0x8: {  	[smem:$0x3F9B] =	sst s0  }
0x9: {  	[smem:$0x3F9C] =	sst s1  }
0xa: {  	[smem:$0x3F9D] =	sst s2  }
0xb: {  	[smem:$0x3F9E] =	sst s3  }
0xc: {  	[smem:$0x3F9F] =	sst s4  }
0xd: {  	[smem:$0x3FA0] =	sst s5  }
0xe: {  	[smem:$0x3FA1] =	sst s6  }
0xf: {  	[smem:$0x3FA2] =	sst s7  }
0x10: {  	[smem:$0x3FA3] =	sst s8  }
0x11: {  	[smem:$0x3FA4] =	sst s9;
	s0 =	simm.s32 @!p0 $0x0  }
0x12: {  	s1 =	sld [smem:$0x3F8A];
	s0 =	simm.s32 @p0 $0x1  }
0x13: {  	[smem:$0x3FA5] =	sst s0;
	s0 =	simm.s32 @!p1 $0x0  }
0x14: {  	s2 =	sld [smem:$0x3F89];
	s0 =	simm.s32 @p1 $0x1  }
0x15: {  	[smem:$0x3FA6] =	sst s0;
	s0 =	simm.s32 @!p2 $0x0  }
0x16: {  	s3 =	sld [smem:$0x3FDB];
	s0 =	simm.s32 @p2 $0x1  }
0x17: {  	s4 =	simm.s32 $0x1BF5;
	[smem:$0x3FA8] =	sst s0  }
0x18: {  	s0 =	sld [smem:$0x3F8B];
	_ =	swait.ge [sflag:s4], $0x0  }
0x19: {  	s7 =	sld [smem:$0x3F8C]  }
0x1a: {  	s8 =	sadd.s32 $0xFFFFE003, lr  }
0x1b: {  	s9 =	sadd.s32 $0xFFFFFEF7, lr;
	s5 =	simm.s32 $0xFFFFFFFF;
	p2 =	slt.u32 s8, $0xFFFFF086  }
0x1c: {  	p1 =	slt.u32 s9, $0xF7A;
	s5 =	simm.s32 @!p2 $0x0  }
0x1d: {  	s5 =	simm.s32 @p1 $0x1;
	p0 =	seq.s32 s7, s2  }
0x1e: {  	s7 =	smul.u32 @!p0 $0xF7A, s2;
	p2 =	seq.s32 @!p0 s5, $0x0  }
0x1f: {  	s9 =	smul.u32 $0xF7A, s1;
	s8 =	simm.s32 @!p0 $0x1BF5;
	p2 =	por !p2, p0  }
0x20: {  	[sflag:s8] =	ssyncset.s32 @!p0 $0xFFFFF086;
	s6 =	sadd.s32 @!p0 s3, s7;
	s7 =	simm.s32 @!p0 $0x108  }
0x21: {  	s3 =	sadd.s32 s3, s9;
	s6 =	sadd.s32 @!p0 $0x88, s6;
	s7 =	simm.s32 @p2 $0x1082  }
0x22: {  	[simem:s7], [sflag:s8] =	dma.local @!p0 [hbm:s6], $0xF7A  }
0x23: {  	s9 =	sor.u32 $0xD0000000, s2;
	s6 =	simm.s32 $0x108;
	_ =	swait.ge @!p0 [sflag:s8], $0x0  }
0x24: {  	s3 =	sadd.s32 $0x88, s3;
	s6 =	simm.s32 @!p1 $0x1082;
	[sflag:s4] =	ssyncset.s32 $0xFFFFF086  }
0x25: {  	[simem:s6], [sflag:s4] =	dma.local [hbm:s3], $0xF7A  }
0x26: {  	[smem:$0x3F8C] =	sst s1;
	(tag) =	ssettag s2;
	_ =	strace s9  }
0x27: {  	s1 =	sld [smem:$0x3F9C]  }
0x28: {  	s2 =	sld [smem:$0x3F9D]  }
0x29: {  	s4 =	sld [smem:$0x3F9F]  }
0x2a: {  	p0 =	seq.s32 s5, $0x0;
	s5 =	sld [smem:$0x3FA0]  }
0x2b: {  	s6 =	sld [smem:$0x3FA1]  }
0x2c: {  	s7 =	sld [smem:$0x3FA2]  }
0x2d: {  	s3 =	simm.s32 $0x108;
	s8 =	sld [smem:$0x3FA3]  }
0x2e: {  	s3 =	simm.s32 @!p0 $0x1082;
	s9 =	sld [smem:$0x3FA4]  }
0x2f: {  	lr =	sadd.s32 s0, s3;
	s0 =	sld [smem:$0x3F9B]  }
0x30: {  	s3 =	sld [smem:$0x3F9E]  }
0x31: {  	[smem:$0x3FA7] =	sst s10  }
0x32: {  	s10 =	sld [smem:$0x3FA5];
	_ =	sdelay $0x3  }
0x33: {  	p0 =	seq.s32 s10, $0x1;
	s10 =	sld [smem:$0x3FA7];
	_ =	sdelay $0x3  }
0x34: {  	[smem:$0x3FA7] =	sst s10  }
0x35: {  	s10 =	sld [smem:$0x3FA6];
	_ =	sdelay $0x3  }
0x36: {  	p1 =	seq.s32 s10, $0x1;
	s10 =	sld [smem:$0x3FA7];
	_ =	sdelay $0x3  }
0x37: {  	[smem:$0x3FA7] =	sst s10  }
0x38: {  	s10 =	sld [smem:$0x3FA8]  }
0x39: {  	_ = 	snop;
	(pc) =	sbr.ind lr, $3  }
0x3a: {  	_ = 	snop  }
0x3b: {  	_ = 	snop  }
0x3c: {  	p2 =	seq.s32 s10, $0x1;
	s10 =	sld [smem:$0x3FA7]  }
0x3d: {  	_ =	shalt  }
0x3e: {  	_ =	shalt  }
0x3f: {  	_ =	shalt  }
0x40: {  	_ =	shalt  }
0x41: {  	_ =	shalt  }
0x42: {  	_ =	shalt  }
0x43: {  	_ =	shalt  }
0x44: {  	_ =	shalt  }
0x45: {  	_ =	shalt  }
0x46: {  	_ =	shalt  }
0x47: {  	_ =	shalt  }
0x48: {  	_ =	shalt  }
0x49: {  	_ =	shalt  }
0x4a: {  	_ =	shalt  }
0x4b: {  	_ =	shalt  }
0x4c: {  	_ =	shalt  }
0x4d: {  	_ =	shalt  }
0x4e: {  	_ =	shalt  }
0x4f: {  	_ =	shalt  }
0x50: {  	_ =	shalt  }
0x51: {  	_ =	shalt  }
0x52: {  	_ =	shalt  }
0x53: {  	_ =	shalt  }
0x54: {  	_ =	shalt  }
0x55: {  	_ =	shalt  }
0x56: {  	_ =	shalt  }
0x57: {  	_ =	shalt  }
0x58: {  	_ =	shalt  }
0x59: {  	_ =	shalt  }
0x5a: {  	_ =	shalt  }
0x5b: {  	_ =	shalt  }
0x5c: {  	_ =	shalt  }
0x5d: {  	_ =	shalt  }
0x5e: {  	_ =	shalt  }
0x5f: {  	_ =	shalt  }
0x60: {  	_ =	shalt  }
0x61: {  	_ =	shalt  }
0x62: {  	_ =	shalt  }
0x63: {  	_ =	shalt  }
0x64: {  	_ =	shalt  }
0x65: {  	_ =	shalt  }
0x66: {  	_ =	shalt  }
0x67: {  	_ =	shalt  }
0x68: {  	_ =	shalt  }
0x69: {  	_ =	shalt  }
0x6a: {  	_ =	shalt  }
0x6b: {  	_ =	shalt  }
0x6c: {  	_ =	shalt  }
0x6d: {  	_ =	shalt  }
0x6e: {  	_ =	shalt  }
0x6f: {  	_ =	shalt  }
0x70: {  	_ =	shalt  }
0x71: {  	_ =	shalt  }
0x72: {  	_ =	shalt  }
0x73: {  	_ =	shalt  }
0x74: {  	_ =	shalt  }
0x75: {  	_ =	shalt  }
0x76: {  	_ =	shalt  }
0x77: {  	_ =	shalt  }
0x78: {  	_ =	shalt  }
0x79: {  	_ =	shalt  }
0x7a: {  	_ =	shalt  }
0x7b: {  	_ =	shalt  }
0x7c: {  	_ =	shalt  }
0x7d: {  	_ =	shalt  }
0x7e: {  	_ =	shalt  }
0x7f: {  	_ =	shalt  }
0x80: {  	_ =	shalt  }
0x81: {  	_ =	shalt  }
0x82: {  	_ =	shalt  }
0x83: {  	_ =	shalt  }
0x84: {  	_ =	shalt  }
0x85: {  	_ =	shalt  }
0x86: {  	_ =	shalt  }
0x87: {  	_ =	shalt  }
.Lfunc_end0:
.L_simem_size_0:
called_computation.1_lowered:
.L_overlay_start_0:
0x88: {  	s2 =	sld [smem:$0x3FD9]  }
0x89: {  	s3 =	sld [smem:$0x3FFE];
	_ =	sdelay $0x1  }
0x8a: {  	s1 =	srdreg.scid  }
0x8b: {  	s0 =	sand.u32 $0x1, s1  }
0x8c: {  	s16 =	sshll.u32 s0, $0xA;
	s2 =	sadd.s32 s3, s2  }
0x8d: {  	s2 =	sadd.s32 s2, s16  }
0x8e: {  	[smem:$0x3FB3] =	sst s2  }
0x8f: {  	_ = 	snop  }
0x90: {  	(tm) =	ssettm $0x1  }
0x91: {  	s17 =	sld [smem:$0x3FFB];
	_ =	sdelay $0x3  }
0x92: {  	_ =	strace s17  }
0x93: {  	s2 =	sld [smem:$0x3FFC];
	_ =	sdelay $0x3  }
0x94: {  	_ =	strace s2  }
0x95: {  	s2 =	sld [smem:$0x3FFD];
	_ =	sdelay $0x3  }
0x96: {  	_ =	strace s2  }
0x97: {  	_ =	strace $0x8FFFFFFF  }
0x98: {  	s18 =	sld [smem:$0x3FDB];
	_ =	sdelay $0x1  }
0x99: {  	s19 =	simm.s32 $_scs_section_size  }
0x9a: {  	s4 =	simm.s32 $_size__tile_overlayer_lowered;
	s5 =	simm.s32 $_tile_overlayer_lowered  }
0x9b: {  	s22 =	simm.s32 $0x1BFF;
	s21 =	sshll.u32 s5, $0x1;
	s2 =	sadd.s32 s19, s18  }
0x9c: {  	s6 =	simm.s32 $0x0;
	s20 =	sshll.u32 s4, $0x1;
	s4 =	sadd.s32 s21, s2  }
0x9d: {  	[timem:s6], [sflag:s22] =	dma.local [hbm:s4], s20  }
0x9e: {  	_ =	swait.ge [sflag:s22], s20  }
0x9f: {  	s3 =	ssub.s32 $0x0, s20;
	[sflag:s22] =	ssyncset.done $0x0  }
0xa0: {  	[sflag:s22] =	ssyncadd.s32 s3;
	_ =	sdelay $0x1  }
0xa1: {  	s23 =	simm.s32 $0x1B8B  }
0xa2: {  	_ =	swait.ge [sflag:s23], $0x1  }
0xa3: {  	[sflag:s23] =	ssyncset.done $0x0  }
0xa4: {  	s25 =	simm.s32 $0x1B8E;
	s24 =	sld [smem:$0x3FFE];
	[sflag:s23] =	ssyncadd.s32 $0xFFFFFFFF  }
0xa5: {  	s26 =	simm.s32 $execute0_lowered;
	[smem:$0x3FD2] =	sst s25  }
0xa6: {  	s4 =	sshll.u32 s26, $0x1;
	_ =	strace $0x80000049;
	[dreg:$0x1] =	wrdreg $0xFFFFFFFF  }
0xa7: {  	s28 =	simm.s32 $_size_execute0_lowered;
	s2 =	sadd.s32 s2, s4;
	[dreg:$0x0] =	wrdreg $0x0  }
0xa8: {  	s4 =	sshll.u32 s28, $0x1;
	[dreg:$0x2] =	wrdreg s2  }
0xa9: {  	[dreg:$0x3] =	wrdreg s4  }
0xaa: {  	[dreg:$0x4] =	wrdreg $0xC0  }
0xab: {  	_ =	task [dreg:s6], $0x5FFFF  }
0xac: {  	[dreg:$0x1] =	wrdreg $0xFFFFFFFF  }
0xad: {  	[dreg:$0x0] =	wrdreg $0x60  }
0xae: {  	[dreg:$0x2] =	wrdreg s24  }
0xaf: {  	[dreg:$0x3] =	wrdreg $0x9  }
0xb0: {  	_ =	task.clear_ibuf [dreg:s6], $0x4FFFF;
	_ =	strace $0x90000049  }
0xb1: {  	s29 =	simm.s32 $0x9;
	_ =	strace $0x8000004B  }
0xb2: {  	_ =	swait.ge [sflag:s29], $0x1  }
0xb3: {  	[sflag:s29] =	ssyncadd.s32 $0xFFFFFFFF  }
0xb4: {  	_ =	strace $0x9000004B  }
0xb5: {  	_ =	sfence  }
0xb6: {  	s30 =	sld [smem:$0x0];
	_ =	sdelay $0x2  }
0xb7: {  	s31 =	sshll.u32 s1, $0xD;
	s1 =	sshrl.u32 s1, $0x2  }
0xb8: {  	s3 =	sand.u32 $0x4000, s31;
	s1 =	sadd.s32 s1, s30  }
0xb9: {  	s0 =	sor.u32 s3, s0;
	s1 =	sshll.u32 s1, $0x11  }
0xba: {  	s0 =	sor.u32 s1, s0  }
0xbb: {  	s0 =	sadd.s32 $0x8F2B, s0  }
0xbc: {  	[sflag:s0] =	ssyncadd.remote.s32 $0x1  }
0xbd: {  	_ =	sfence.sel $0xFFFF  }
0xbe: {  	[dreg:$0x0] =	wrdreg $0xFFFFFFFF;
	(pc) =	sbr.abs _section_cstart, $3  }
0xbf: {  	[dreg:$0x1] =	wrdreg $0xFFFFFFFF  }
0xc0: {  	_ =	task.clear_ibuf [dreg:s6], $0x2FFFF;
	_ =	strace $0x9FFFFFFF  }
0xc1: {  	(tm) =	ssettm $0x7FFFFFFF  }
tec
execute0_lowered:
.L_overlay_start_1:
0x0: {  	(tag) =	ssettag $0x1  }
0x1: {  	s0 =	rddreg [dreg:$0x0];
	s2 =	simm.s32 $0x0;
	s1 =	srdreg.scid  }
0x2: {  	s8 =	stileid.u32;
	s17 =	simm.s32 $0x2;
	s19 =	simm.s32 $0x80  }
0x3: {  	s20 =	simm.s32 $0xA00;
	s21 =	simm.s32 $0x1;
	s23 =	simm.s32 $0x180  }
0x4: {  	s24 =	simm.s32 $0x200;
	s25 =	simm.s32 $0x280;
	s26 =	simm.s32 $0x300  }
0x5: {  	s28 =	simm.s32 $0x380;
	s29 =	simm.s32 $0x2200;
	[smem:$0x7FF] =	sst s2  }
0x6: {  	s1 =	sand.u32 $0x1, s1;
	s3 =	sshll.u32 s8, $0x1;
	s4 =	sadd.s32 $0x634800, s0  }
0x7: {  	s8 =	smul.u32 $0x3000, s8;
	_ =	strace $0x8000004A;
	s5 =	sor.u32 s1, s3  }
0x8: {  	s30 =	simm.s32 $0x0;
	s3 =	sadd.s32 $0x628800, s0;
	s6 =	smul.u32 $0x600, s5  }
0x9: {  	s9 =	ssub.s32 $0x2, s1;
	s7 =	sshll.u32 s5, $0x7;
	s5 =	smul.u32 $0x1800, s5  }
0xa: {  	s1 =	smul.u32 $0x1800, s1;
	s10 =	sshrl.u32 s9, $0x1;
	s7 =	sadd.s32 s7, s0  }
0xb: {  	s31 =	ssub.s32 s9, s10;
	s6 =	sshrl.u32 s6, $0x3;
	s15 =	sadd.s32 s5, s0  }
0xc: {  	s5 =	sadd.s32 $0x627800, s7;
	s7 =	smax.u32 s31, $0x1;
	s6 =	sadd.s32 s6, s0  }
0xd: {  	s0 =	sadd.s32 s8, s0;
	s8 =	sadd.s32 $0x5E00, s15;
	s9 =	sadd.s32 $0x6100, s15  }
0xe: {  	s10 =	sadd.s32 $0x6400, s15;
	s11 =	sadd.s32 $0x6700, s15;
	s12 =	sadd.s32 $0x6A00, s15  }
0xf: {  	s13 =	sadd.s32 $0x6D00, s15;
	s14 =	sadd.s32 $0x7000, s15;
	s0 =	sadd.s32 s1, s0  }
0x10: {  	s15 =	sadd.s32 $0x7300, s15;
	s6 =	sadd.s32 $0x626000, s6;
	s16 =	sadd.s32 $0x35E00, s0  }
.LBB2_1:
0x11: {  	[tilespmem:s2], [sflag:$0x2] =	stream.linear.gather [hbm4b:s5+s2], $0x400, $0x38;
	[tilespmem:$0x3200] =	vst v63  }
0x12: {  	_ =	swait.ge [sflag:s17], $0x400  }
0x13: {  	[sflag:s17] =	ssyncset.done $0x0  }
0x14: {  	s0 =	simm.s32 $0x400;
	[sflag:s17] =	ssyncadd.s32 $0xFFFFFC00  }
0x15: {  	[tilespmem:s0], [sflag:$0x2] =	stream.linear.gather [hbm4b:s6+s2], $0x600, $0x38;
	[tilespmem:$0x3200] =	vst v63  }
0x16: {  	_ =	swait.ge [sflag:s17], $0x600  }
0x17: {  	[sflag:s17] =	ssyncset.done $0x0  }
0x18: {  	[sflag:s17] =	ssyncadd.s32 $0xFFFFFA00  }
0x19: {  	[tilespmem:s20], [sflag:$0x1] =	stream.indirect.gather [hbm4b:s3+s19], $0x30, s2, s19, $0xb8;
	[tilespmem:$0x3200] =	vst v63  }
0x1a: {  	_ =	swait.ge [sflag:s21], $0x1800  }
0x1b: {  	[sflag:s21] =	ssyncset.done $0x0  }
0x1c: {  	[sflag:s21] =	ssyncadd.s32 $0xFFFFE800  }
0x1d: {  	[hbm4b:s8+s2] =	stream.linear.scatter [tilespmem:s20], [sflag:$0x2], $0x1800, $0x38;
	[tilespmem:$0x3200] =	vst v63  }
0x1e: {  	_ =	swait.ge [sflag:s17], $0x1800  }
0x1f: {  	[sflag:s17] =	ssyncset.done $0x0  }
0x20: {  	[sflag:s17] =	ssyncadd.s32 $0xFFFFE800  }
0x21: {  	[tilespmem:s20], [sflag:$0x1] =	stream.indirect.gather [hbm4b:s3+s19], $0x30, s19, s19, $0xb8;
	[tilespmem:$0x3200] =	vst v63  }
0x22: {  	_ =	swait.ge [sflag:s21], $0x1800  }
0x23: {  	[sflag:s21] =	ssyncset.done $0x0  }
0x24: {  	[sflag:s21] =	ssyncadd.s32 $0xFFFFE800  }
0x25: {  	[hbm4b:s9+s2] =	stream.linear.scatter [tilespmem:s20], [sflag:$0x2], $0x1800, $0x38;
	[tilespmem:$0x3200] =	vst v63  }
0x26: {  	_ =	swait.ge [sflag:s17], $0x1800  }
0x27: {  	[sflag:s17] =	ssyncset.done $0x0  }
0x28: {  	s1 =	simm.s32 $0x100;
	[sflag:s17] =	ssyncadd.s32 $0xFFFFE800  }
0x29: {  	[tilespmem:s20], [sflag:$0x1] =	stream.indirect.gather [hbm4b:s3+s19], $0x30, s1, s19, $0xb8;
	[tilespmem:$0x3200] =	vst v63  }
0x2a: {  	_ =	swait.ge [sflag:s21], $0x1800  }
0x2b: {  	[sflag:s21] =	ssyncset.done $0x0  }
0x2c: {  	[sflag:s21] =	ssyncadd.s32 $0xFFFFE800  }
0x2d: {  	[hbm4b:s10+s2] =	stream.linear.scatter [tilespmem:s20], [sflag:$0x2], $0x1800, $0x38;
	[tilespmem:$0x3200] =	vst v63  }
0x2e: {  	_ =	swait.ge [sflag:s17], $0x1800  }
0x2f: {  	[sflag:s17] =	ssyncset.done $0x0  }
0x30: {  	[sflag:s17] =	ssyncadd.s32 $0xFFFFE800  }
0x31: {  	[tilespmem:s20], [sflag:$0x1] =	stream.indirect.gather [hbm4b:s3+s19], $0x30, s23, s19, $0xb8;
	[tilespmem:$0x3200] =	vst v63  }
0x32: {  	_ =	swait.ge [sflag:s21], $0x1800  }
0x33: {  	[sflag:s21] =	ssyncset.done $0x0  }
0x34: {  	[sflag:s21] =	ssyncadd.s32 $0xFFFFE800  }
0x35: {  	[hbm4b:s11+s2] =	stream.linear.scatter [tilespmem:s20], [sflag:$0x2], $0x1800, $0x38;
	[tilespmem:$0x3200] =	vst v63  }
0x36: {  	_ =	swait.ge [sflag:s17], $0x1800  }
0x37: {  	[sflag:s17] =	ssyncset.done $0x0  }
0x38: {  	[sflag:s17] =	ssyncadd.s32 $0xFFFFE800  }
0x39: {  	[tilespmem:s20], [sflag:$0x1] =	stream.indirect.gather [hbm4b:s3+s19], $0x30, s24, s19, $0xb8;
	[tilespmem:$0x3200] =	vst v63  }
0x3a: {  	_ =	swait.ge [sflag:s21], $0x1800  }
0x3b: {  	[sflag:s21] =	ssyncset.done $0x0  }
0x3c: {  	[sflag:s21] =	ssyncadd.s32 $0xFFFFE800  }
0x3d: {  	[hbm4b:s12+s2] =	stream.linear.scatter [tilespmem:s20], [sflag:$0x2], $0x1800, $0x38;
	[tilespmem:$0x3200] =	vst v63  }
0x3e: {  	_ =	swait.ge [sflag:s17], $0x1800  }
0x3f: {  	[sflag:s17] =	ssyncset.done $0x0  }
0x40: {  	[sflag:s17] =	ssyncadd.s32 $0xFFFFE800  }
0x41: {  	[tilespmem:s20], [sflag:$0x1] =	stream.indirect.gather [hbm4b:s3+s19], $0x30, s25, s19, $0xb8;
	[tilespmem:$0x3200] =	vst v63  }
0x42: {  	_ =	swait.ge [sflag:s21], $0x1800  }
0x43: {  	[sflag:s21] =	ssyncset.done $0x0  }
0x44: {  	[sflag:s21] =	ssyncadd.s32 $0xFFFFE800  }
0x45: {  	[hbm4b:s13+s2] =	stream.linear.scatter [tilespmem:s20], [sflag:$0x2], $0x1800, $0x38;
	[tilespmem:$0x3200] =	vst v63  }
0x46: {  	_ =	swait.ge [sflag:s17], $0x1800  }
0x47: {  	[sflag:s17] =	ssyncset.done $0x0  }
0x48: {  	[sflag:s17] =	ssyncadd.s32 $0xFFFFE800  }
0x49: {  	[tilespmem:s20], [sflag:$0x1] =	stream.indirect.gather [hbm4b:s3+s19], $0x30, s26, s19, $0xb8;
	[tilespmem:$0x3200] =	vst v63  }
0x4a: {  	_ =	swait.ge [sflag:s21], $0x1800  }
0x4b: {  	[sflag:s21] =	ssyncset.done $0x0  }
0x4c: {  	[sflag:s21] =	ssyncadd.s32 $0xFFFFE800  }
0x4d: {  	[hbm4b:s14+s2] =	stream.linear.scatter [tilespmem:s20], [sflag:$0x2], $0x1800, $0x38;
	[tilespmem:$0x3200] =	vst v63  }
0x4e: {  	_ =	swait.ge [sflag:s17], $0x1800  }
0x4f: {  	[sflag:s17] =	ssyncset.done $0x0  }
0x50: {  	[sflag:s17] =	ssyncadd.s32 $0xFFFFE800  }
0x51: {  	[tilespmem:s20], [sflag:$0x1] =	stream.indirect.gather [hbm4b:s3+s19], $0x30, s28, s19, $0xb8;
	[tilespmem:$0x3200] =	vst v63  }
0x52: {  	_ =	swait.ge [sflag:s21], $0x1800  }
0x53: {  	[sflag:s21] =	ssyncset.done $0x0  }
0x54: {  	[sflag:s21] =	ssyncadd.s32 $0xFFFFE800  }
0x55: {  	[hbm4b:s15+s2] =	stream.linear.scatter [tilespmem:s20], [sflag:$0x2], $0x1800, $0x38;
	[tilespmem:$0x3200] =	vst v63  }
0x56: {  	_ =	swait.ge [sflag:s17], $0x1800  }
0x57: {  	[sflag:s17] =	ssyncset.done $0x0  }
0x58: {  	s18 =	simm.s32 $0x400;
	[sflag:s17] =	ssyncadd.s32 $0xFFFFE800  }
0x59: {  	[tilespmem:s29], [sflag:$0x1] =	stream.indirect.gather [hbm4b:s4+s19], $0x20, s18, s19, $0xb8;
	[tilespmem:$0x3200] =	vst v63  }
0x5a: {  	_ =	swait.ge [sflag:s21], $0x1000  }
0x5b: {  	[sflag:s21] =	ssyncset.done $0x0  }
0x5c: {  	s22 =	sadd.s32 $0x0, s16;
	[sflag:s21] =	ssyncadd.s32 $0xFFFFF000  }
0x5d: {  	[hbm4b:s22+s2] =	stream.linear.scatter [tilespmem:s29], [sflag:$0x2], $0x1000, $0x38;
	[tilespmem:$0x3200] =	vst v63  }
0x5e: {  	s31 =	simm.s32 $0x200;
	_ =	swait.ge [sflag:s17], $0x1000  }
0x5f: {  	s0 =	simm.s32 $0x400;
	s1 =	simm.s32 $0x80;
	[sflag:s17] =	ssyncset.done $0x0  }
.LBB2_2:
0x60: {  	s1 =	sadd.s32 $0x400, s1  }
0x61: {  	[sflag:s17] =	ssyncadd.s32 $0xFFFFF000;
	s18 =	smov.u32 s0;
	s22 =	sadd.s32 $0x200, s0  }
0x62: {  	[tilespmem:s29], [sflag:$0x1] =	stream.indirect.gather [hbm4b:s4+s19], $0x20, s1, s19, $0xb8;
	[tilespmem:$0x3200] =	vst v63  }
0x63: {  	p0 =	sne.s32 s0, $0x1600;
	_ =	swait.ge [sflag:s21], $0x1000  }
.Ltmp0:
0x64: {  	[sflag:s21] =	ssyncset.done $0x0;
	(pc) =	sbr.rel @p0 .LBB2_2-.Ltmp0, $4  }
0x65: {  	s0 =	sadd.s32 s31, s16;
	s31 =	smov.u32 s18;
	[sflag:s21] =	ssyncadd.s32 $0xFFFFF000  }
0x66: {  	[hbm4b:s0+s2] =	stream.linear.scatter [tilespmem:s29], [sflag:$0x2], $0x1000, $0x38;
	[tilespmem:$0x3200] =	vst v63  }
0x67: {  	_ =	swait.ge [sflag:s17], $0x1000  }
0x68: {  	s1 =	sshra.s32 s31, $0x2;
	s0 =	smov.u32 s22;
	[sflag:s17] =	ssyncset.done $0x0  }
0x69: {  	s0 =	sadd.s32 $0x400, s1;
	[sflag:s17] =	ssyncadd.s32 $0xFFFFF000  }
0x6a: {  	[tilespmem:s29], [sflag:$0x1] =	stream.indirect.gather [hbm4b:s4+s19], $0x20, s0, s19, $0xb8;
	[tilespmem:$0x3200] =	vst v63  }
0x6b: {  	s30 =	sadd.s32 $0x1, s30;
	_ =	swait.ge [sflag:s21], $0x1000  }
0x6c: {  	p0 =	sne.s32 s30, s7;
	[sflag:s21] =	ssyncset.done $0x0  }
.Ltmp1:
0x6d: {  	s31 =	sadd.s32 s31, s16;
	[sflag:s21] =	ssyncadd.s32 $0xFFFFF000;
	(pc) =	sbr.rel @p0 .LBB2_1-.Ltmp1, $4  }
0x6e: {  	[hbm4b:s31+s2] =	stream.linear.scatter [tilespmem:s29], [sflag:$0x2], $0x1000, $0x38;
	[tilespmem:$0x3200] =	vst v63  }
0x6f: {  	_ =	swait.ge [sflag:s17], $0x1000  }
0x70: {  	[sflag:s17] =	ssyncset.done $0x0  }
0x71: {  	[sflag:s17] =	ssyncadd.s32 $0xFFFFF000  }
0x72: {  	_ =	sfence.sel $0x180000  }
0x73: {  	[bflag:$0x0] =	sbarrier.arrive $0xFFFF  }
0x74: {  	_ =	strace $0x9000004A  }
0x75: {  	s0 =	stileid.u32;
	[bflag:$0x2] =	sbarrier.arrive $0xFFFF  }
0x76: {  	p0 =	sne.s32 s0, $0x0;
	s0 =	rddreg [dreg:$0x1]  }
0x77: {  	s0 =	sadd.s32 @!p0 $0x100000, s0  }
0x78: {  	[sflag:s0] =	ssyncadd.tile.s32 @!p0 $0x1;
	_ =	shalt  }
.Lfunc_end2:
_tile_overlayer_lowered:
.L_overlay_start_2:
0x79: {  	(tag) =	ssettag $0x2  }
0x7a: {  	s0 =	rddreg [dreg:$0x0];
	s2 =	stileid.u32  }
0x7b: {  	s1 =	rddreg [dreg:$0x1];
	p0 =	sne.s32 s2, $0x0  }
0x7c: {  	s3 =	rddreg [dreg:$0x2];
	[bflag:$0x3] =	sbarrier.arrive $0xFFFF;
	s2 =	simm.s32 @!p0 $0x1C02  }
0x7d: {  	[timem:s3], [sflag:s2] =	dma.local @!p0 [hbm:s0], s1  }
0x7e: {  	s0 =	simm.s32 @!p0 $0x2  }
0x7f: {  	_ =	swait.ge @!p0 [sflag:s0], s1  }
0x80: {  	s1 =	ssub.s32 @!p0 $0x0, s1;
	[sflag:s0] =	ssyncset.done @!p0 $0x0  }
0x81: {  	[sflag:s0] =	ssyncadd.s32 @!p0 s1  }
0x82: {  	[bflag:$0x3] =	sbarrier.arrive $0xFFFF  }
0x83: {  	_ =	shalt  }

// kernel: sparse-core-data-format-call.cloned.1.call-start
scs
called_computation_lowered:
.L_overlay_start_0:
0x0: {  	s2 =	sld [smem:$0x3FD9]  }
0x1: {  	s3 =	sld [smem:$0x3FFE];
	_ =	sdelay $0x1  }
0x2: {  	s1 =	srdreg.scid  }
0x3: {  	s0 =	sand.u32 $0x1, s1  }
0x4: {  	s18 =	sshll.u32 s0, $0xA;
	s2 =	sadd.s32 s3, s2  }
0x5: {  	s2 =	sadd.s32 s2, s18  }
0x6: {  	[smem:$0x3FB3] =	sst s2  }
0x7: {  	_ = 	snop  }
0x8: {  	s2 =	sld [smem:$0x3FC5];
	(tm) =	ssettm $0x1  }
0x9: {  	s19 =	sld [smem:$0x3FFB];
	_ =	sdelay $0x3  }
0xa: {  	_ =	strace s19  }
0xb: {  	s3 =	sld [smem:$0x3FFC];
	_ =	sdelay $0x3  }
0xc: {  	_ =	strace s3  }
0xd: {  	s3 =	sld [smem:$0x3FFD];
	_ =	sdelay $0x3  }
0xe: {  	_ =	strace s3  }
0xf: {  	_ =	strace $0x8FFFFFFF  }
0x10: {  	s20 =	sld [smem:$0x3FDB];
	_ =	sdelay $0x1  }
0x11: {  	s4 =	simm.s32 $_scs_section_size  }
0x12: {  	s5 =	simm.s32 $_size__tile_overlayer_lowered;
	s6 =	simm.s32 $_tile_overlayer_lowered  }
0x13: {  	s23 =	simm.s32 $0x1BFF;
	s22 =	sshll.u32 s6, $0x1;
	s3 =	sadd.s32 s4, s20  }
0x14: {  	s7 =	simm.s32 $0x0;
	s21 =	sshll.u32 s5, $0x1;
	s5 =	sadd.s32 s22, s3  }
0x15: {  	[timem:s7], [sflag:s23] =	dma.local [hbm:s5], s21  }
0x16: {  	_ =	swait.ge [sflag:s23], s21  }
0x17: {  	s4 =	ssub.s32 $0x0, s21;
	[sflag:s23] =	ssyncset.done $0x0  }
0x18: {  	[sflag:s23] =	ssyncadd.s32 s4;
	_ =	sdelay $0x1  }
0x19: {  	s24 =	simm.s32 $0x1B8B  }
0x1a: {  	_ =	swait.ge [sflag:s24], $0x1  }
0x1b: {  	[sflag:s24] =	ssyncset.done $0x0  }
0x1c: {  	s26 =	simm.s32 $0x1B8E;
	s25 =	sld [smem:$0x3FFE];
	[sflag:s24] =	ssyncadd.s32 $0xFFFFFFFF  }
0x1d: {  	s27 =	simm.s32 $execute0_lowered;
	[smem:$0x3FD2] =	sst s26  }
0x1e: {  	s5 =	sshll.u32 s27, $0x1;
	_ =	strace $0x80000046;
	[dreg:$0x1] =	wrdreg $0xFFFFFFFF  }
0x1f: {  	s28 =	simm.s32 $_size_execute0_lowered;
	s3 =	sadd.s32 s3, s5;
	[dreg:$0x0] =	wrdreg $0x0  }
0x20: {  	s5 =	sshll.u32 s28, $0x1;
	[dreg:$0x2] =	wrdreg s3  }
0x21: {  	[dreg:$0x3] =	wrdreg s5  }
0x22: {  	[dreg:$0x4] =	wrdreg $0xC0  }
0x23: {  	_ =	task [dreg:s7], $0x5FFFF  }
0x24: {  	[dreg:$0x1] =	wrdreg $0xFFFFFFFF  }
0x25: {  	[dreg:$0x0] =	wrdreg $0x60  }
0x26: {  	[dreg:$0x2] =	wrdreg s2  }
0x27: {  	[dreg:$0x3] =	wrdreg s25  }
0x28: {  	[dreg:$0x4] =	wrdreg $0x9  }
0x29: {  	_ =	task.clear_ibuf [dreg:s7], $0x5FFFF;
	_ =	strace $0x90000046  }
0x2a: {  	s29 =	simm.s32 $0x9;
	_ =	strace $0x80000048  }
0x2b: {  	_ =	swait.ge [sflag:s29], $0x1  }
0x2c: {  	[sflag:s29] =	ssyncadd.s32 $0xFFFFFFFF  }
0x2d: {  	_ =	strace $0x90000048  }
0x2e: {  	_ =	sfence  }
0x2f: {  	s30 =	sld [smem:$0x0];
	_ =	sdelay $0x2  }
0x30: {  	s31 =	sshll.u32 s1, $0xD;
	s1 =	sshrl.u32 s1, $0x2  }
0x31: {  	s3 =	sand.u32 $0x4000, s31;
	s1 =	sadd.s32 s1, s30  }
0x32: {  	s0 =	sor.u32 s3, s0;
	s1 =	sshll.u32 s1, $0x11  }
0x33: {  	s0 =	sor.u32 s1, s0  }
0x34: {  	s0 =	sadd.s32 $0x8F2B, s0  }
0x35: {  	[sflag:s0] =	ssyncadd.remote.s32 $0x1  }
0x36: {  	_ =	sfence.sel $0xFFFF  }
0x37: {  	[dreg:$0x0] =	wrdreg $0xFFFFFFFF;
	(pc) =	sbr.abs _section_cstart, $3  }
0x38: {  	[dreg:$0x1] =	wrdreg $0xFFFFFFFF  }
0x39: {  	_ =	task.clear_ibuf [dreg:s7], $0x2FFFF;
	_ =	strace $0x9FFFFFFF  }
0x3a: {  	(tm) =	ssettm $0x7FFFFFFF  }
0x3b: {  	_ =	shalt  }
tec
execute0_lowered:
.L_overlay_start_1:
0x0: {  	(tag) =	ssettag $0x1  }
0x1: {  	s1 =	rddreg [dreg:$0x0];
	s0 =	stileid.u32  }
0x2: {  	s2 =	srdreg.scid;
	s31 =	rddreg [dreg:$0x1];
	_ =	strace $0x80000047  }
0x3: {  	s3 =	sshll.u32 s2, $0x4;
	s2 =	sand.u32 $0x1, s0;
	s4 =	sshll.u32 s0, $0x2  }
0x4: {  	s5 =	sor.u32 s0, s3;
	s3 =	sand.u32 $0x18, s4;
	s27 =	ssub.s32 $0x2, s2  }
0x5: {  	s6 =	sshrl.u32 s27, $0x1;
	s7 =	sand.u32 $0x1, s27;
	s8 =	ssub.s32 $0x20, s3  }
0x6: {  	s4 =	sand.u32 $0x18, s5;
	s28 =	sadd.s32 s7, s6;
	s29 =	sand.u32 $0x18, s8  }
0x7: {  	s6 =	simm.s32 $0x1;
	s30 =	ssub.s32 $0x100, s4;
	p0 =	sne.s32 s29, $0x0  }
0x8: {  	s8 =	sshrl.u32 s8, $0x5;
	s9 =	sand.u32 $0x18, s30;
	s6 =	simm.s32 @!p0 $0x0  }
0x9: {  	p0 =	sne.s32 s9, $0x0;
	s6 =	sadd.s32 s6, s8;
	s8 =	simm.s32 $0x1  }
0xa: {  	s7 =	sshrl.u32 s30, $0x5;
	s8 =	simm.s32 @!p0 $0x0;
	s6 =	smul.u32 s6, s28  }
0xb: {  	s10 =	simm.s32 $0x2;
	s16 =	simm.s32 $0x0;
	s7 =	sadd.s32 s8, s7  }
0xc: {  	s17 =	simm.s32 $0x0;
	s18 =	simm.s32 $0x0;
	s7 =	smul.u32 s7, s6  }
.Ltmp0:
0xd: {  	s19 =	simm.s32 $0x0;
	s13 =	simm.s32 $0x0;
	(pc) =	sbr.rel .LBB1_1-.Ltmp0, $4  }
0xe: {  	s15 =	simm.s32 $0x0;
	s14 =	smov.u32 s2;
	s12 =	smov.u32 s3  }
0xf: {  	s11 =	smov.u32 s4;
	s6 =	simm.s32 $0x1;
	s7 =	smul.u32 $0x3, s7  }
0x10: {  	p0 =	por $0x0, $0x0;
	s8 =	sadd.s32 $0x5E00, s31;
	[sflag:s6] =	ssyncpa.u1 $0x0  }
0x11: {  	[sflag:s10] =	ssyncpa.u1 $0x0;
	s10 =	simm.s32 $0x80;
	s9 =	sadd.s32 $0x1, s7  }
.LBB1_7:
0x12: {  	s5 =	sadd.s32 $0x20, s11  }
0x13: {  	s16 =	sadd.s32 $0x20, s12;
	s20 =	smov.u32 s12;
	p2 =	sgt.s32 s5, $0xFF  }
0x14: {  	s20 =	smov.u32 @p2 s16  }
0x15: {  	s16 =	simm.s32 $0x1;
	p3 =	sgt.s32 s20, $0x1F  }
0x16: {  	s16 =	simm.s32 @!p3 $0x0  }
0x17: {  	s21 =	sadd.s32 s16, s13  }
0x18: {  	s22 =	smov.u32 s14;
	s16 =	sadd.s32 $0x2, s14;
	p4 =	sgt.s32 s21, $0x2  }
0x19: {  	p1 =	slt.u32 s15, $0x2;
	s22 =	smov.u32 @p4 s16  }
0x1a: {  	s17 =	smov.u32 s12;
	s5 =	smov.u32 @p2 s4;
	p2 =	sgt.s32 s22, $0x1  }
0x1b: {  	s23 =	simm.s32 @!p1 $0x2;
	s22 =	smov.u32 @p2 s2;
	p2 =	sne.s32 s15, s9  }
.Ltmp1:
0x1c: {  	s18 =	smov.u32 s13;
	_ =	swait.ge @!p1 [sflag:s23], $0x4000;
	(pc) =	sbr.rel @!p2 .LBB1_8-.Ltmp1, $4  }
0x1d: {  	s19 =	smov.u32 s14;
	[sflag:s23] =	ssyncset.done @!p1 $0x0;
	s20 =	smov.u32 @p3 s3  }
0x1e: {  	p0 =	por !p0, !p0;
	[sflag:s23] =	ssyncadd.s32 @!p1 $0xFFFFC000;
	s12 =	smov.u32 s20  }
0x1f: {  	s21 =	simm.s32 @p4 $0x0;
	s16 =	smov.u32 s11;
	s11 =	smov.u32 s5  }
0x20: {  	s13 =	smov.u32 s21;
	s15 =	sadd.s32 $0x1, s15;
	s14 =	smov.u32 s22  }
.LBB1_1:
0x21: {  	p1 =	sge.u32 s15, s7;
	s31 =	sadd.s32 $0xFFFFFFFF, s15  }
0x22: {  	s20 =	sxor.u32 @!p1 $0xFFFFFFFF, s15;
	s21 =	sshll.u32 @!p1 s11, $0x8;
	s22 =	smul.u32 @!p1 $0xC0000, s14  }
0x23: {  	s23 =	sshll.u32 @!p1 s11, $0x7;
	s24 =	sshll.u32 @!p1 s13, $0x12;
	s25 =	sshll.u32 @!p1 s12, $0xD  }
0x24: {  	s21 =	sand.u32 @!p1 $0xF800, s21;
	s23 =	sand.u32 @!p1 $0x380, s23;
	s22 =	sadd.s32 @!p1 s1, s22  }
0x25: {  	s20 =	sshll.u32 @!p1 s20, $0xE;
	s21 =	sor.u32 @!p1 s23, s21;
	s22 =	sadd.s32 @!p1 s24, s22  }
0x26: {  	s20 =	sand.u32 @!p1 $0x4000, s20;
	s21 =	sshrl.u32 @!p1 s21, $0x3;
	s22 =	sadd.s32 @!p1 s25, s22  }
0x27: {  	s23 =	simm.s32 @!p1 $0x10000;
	s21 =	sadd.s32 @!p1 s21, s22;
	s22 =	simm.s32 @!p1 $0x800  }
0x28: {  	[tilespmem:s20], [sflag:$0x1] =	stream.strided.gather @!p1 [hbm4b:s21+s22], $0x4000, s23, s22, $0x38;
	[tilespmem:$0x11000] =	vst v63  }
0x29: {  	p1 =	sge.u32 s31, s7  }
.Ltmp2:
0x2a: {  	_ = 	snop;
	(pc) =	sbr.rel @p1 .LBB1_7-.Ltmp2, $1  }
0x2b: {  	_ =	sdelay $0x3  }
0x2c: {  	s20 =	simm.s32 $0x1;
	s23 =	sand.u32 $0x1, s15  }
0x2d: {  	_ =	swait.ge [sflag:s6], $0x4000;
	s20 =	simm.s32 @!p0 $0x0;
	s24 =	smul.u32 $0x12000, s23  }
0x2e: {  	s25 =	simm.s32 $0x0;
	[sflag:s6] =	ssyncset.done $0x0;
	s21 =	smul.u32 $0x12000, s20  }
0x2f: {  	s23 =	sshll.u32 s23, $0xE;
	s20 =	sshll.u32 s20, $0xE;
	[sflag:s6] =	ssyncadd.s32 $0xFFFFC000  }
0x30: {  	s22 =	sor.u32 $0x410, s20;
	s31 =	sshrl.u32 s24, $0x2;
	s21 =	sshrl.u32 s21, $0x2  }
0x31: {  	s24 =	simm.s32 $0x0;
	s20 =	sor.u32 $0x8000, s31;
	s21 =	sor.u32 $0x8000, s21  }
.LBB1_3:
0x32: {  	s26 =	sshll.u32 s25, $0xB  }
0x33: {  	v2 =	vld [tilespmem:s22+$0xFFFFFBF0];
	v0 =	vmov s26  }
0x34: {  	v3 =	vld [tilespmem:s22+$0xFFFFFC00]  }
0x35: {  	s5 =	sand.u32 $0x300, s24;
	v4 =	vld [tilespmem:s22+$0xFFFFFC10]  }
0x36: {  	s27 =	sand.u32 $0x80, s24;
	v6 =	vld [tilespmem:s22+$0xFFFFFC20];
	s26 =	sadd.s32 s5, s23  }
0x37: {  	v7 =	vld [tilespmem:s22+$0xFFFFFC30];
	s26 =	sadd.s32 s27, s26  }
0x38: {  	v1 =	vld.idx.msk [tilespmem:v0+s26+$0x400 ss:$0x1], $0xffff;
	s26 =	sadd.s32 $0x0, s21  }
0x39: {  	v8 =	vld [tilespmem:s22+$0xFFFFFC40];
	[tilespmem:s26+$0x0 ss:$0x9] =	vst.msk $0xffff, v2  }
0x3a: {  	v9 =	vld [tilespmem:s22+$0xFFFFFC50];
	[tilespmem:s26+$0x90 ss:$0x9] =	vst.msk $0xffff, v3  }
0x3b: {  	v5 =	vld [tilespmem:s22+$0xFFFFFC60];
	[tilespmem:s26+$0x120 ss:$0x9] =	vst.msk $0xffff, v4  }
0x3c: {  	v4 =	vld [tilespmem:s22+$0x0];
	[tilespmem:s26+$0x1B0 ss:$0x9] =	vst.msk $0xffff, v6  }
0x3d: {  	v3 =	vld [tilespmem:s22+$0x10];
	[tilespmem:s26+$0x240 ss:$0x9] =	vst.msk $0xffff, v7  }
0x3e: {  	[tilespmem:s26+$0x2D0 ss:$0x9] =	vst.msk $0xffff, v8;
	v2 =	vld [tilespmem:s22+$0x30]  }
0x3f: {  	s29 =	simm.s32 $0x80;
	s30 =	simm.s32 $0x4800;
	[tilespmem:s26+$0x480 ss:$0x9] =	vst.msk $0xffff, v1;
	v1 =	vld [tilespmem:s22+$0x20]  }
0x40: {  	s28 =	smov.u32 s22;
	s31 =	sand.u32 $0x300, s29;
	s27 =	simm.s32 $0x2400;
	[tilespmem:s26+$0x360 ss:$0x9] =	vst.msk $0xffff, v9;
	v6 =	vld [tilespmem:s22+$0x40]  }
.LBB1_4:
0x41: {  	p1 =	sne.s32 s30, $0xFC00;
	s5 =	sand.u32 $0x80, s29;
	s31 =	sadd.s32 s31, s23;
	[tilespmem:s26+$0x3F0 ss:$0x9] =	vst.msk $0xffff, v5;
	v5 =	vld [tilespmem:s28+$0x50]  }
0x42: {  	s5 =	sadd.s32 s5, s31;
	[tilespmem:s26+$0x510 ss:$0x9] =	vst.msk $0xffff, v4;
	v4 =	vld [tilespmem:s28+$0x60]  }
0x43: {  	s28 =	sadd.s32 $0x80, s28;
	v7 =	vld.idx.msk [tilespmem:v0+s5+$0x400 ss:$0x1], $0xffff;
	[tilespmem:s26+$0x5A0 ss:$0x9] =	vst.msk $0xffff, v3  }
0x44: {  	v3 =	vld [tilespmem:s28+$0xFFFFFBF0];
	[tilespmem:s26+$0x630 ss:$0x9] =	vst.msk $0xffff, v1  }
0x45: {  	v1 =	vld [tilespmem:s28+$0xFFFFFC00];
	[tilespmem:s26+$0x6C0 ss:$0x9] =	vst.msk $0xffff, v2  }
0x46: {  	v2 =	vld [tilespmem:s28+$0xFFFFFC10];
	[tilespmem:s26+$0x750 ss:$0x9] =	vst.msk $0xffff, v6  }
0x47: {  	s5 =	sshra.s32 s27, $0x2;
	s27 =	smov.u32 s30;
	v6 =	vld [tilespmem:s28+$0xFFFFFC20];
	[tilespmem:s26+$0x7E0 ss:$0x9] =	vst.msk $0xffff, v5  }
0x48: {  	v8 =	vld [tilespmem:s28+$0xFFFFFC30];
	[tilespmem:s26+$0x870 ss:$0x9] =	vst.msk $0xffff, v4;
	s26 =	sadd.s32 s5, s21  }
0x49: {  	v9 =	vld [tilespmem:s28+$0xFFFFFC40];
	[tilespmem:s26+$0x480 ss:$0x9] =	vst.msk $0xffff, v7  }
0x4a: {  	[tilespmem:s26+$0x0 ss:$0x9] =	vst.msk $0xffff, v3;
	v7 =	vld [tilespmem:s28+$0xFFFFFC50]  }
0x4b: {  	[tilespmem:s26+$0x90 ss:$0x9] =	vst.msk $0xffff, v1;
	v5 =	vld [tilespmem:s28+$0xFFFFFC60]  }
.Ltmp3:
0x4c: {  	[tilespmem:s26+$0x120 ss:$0x9] =	vst.msk $0xffff, v2;
	v4 =	vld [tilespmem:s28+$0x0];
	(pc) =	sbr.rel @p1 .LBB1_4-.Ltmp3, $4  }
0x4d: {  	[tilespmem:s26+$0x1B0 ss:$0x9] =	vst.msk $0xffff, v6;
	v3 =	vld [tilespmem:s28+$0x10]  }
0x4e: {  	[tilespmem:s26+$0x240 ss:$0x9] =	vst.msk $0xffff, v8;
	v1 =	vld [tilespmem:s28+$0x20]  }
0x4f: {  	s29 =	sadd.s32 $0x80, s29;
	[tilespmem:s26+$0x2D0 ss:$0x9] =	vst.msk $0xffff, v9;
	v2 =	vld [tilespmem:s28+$0x30]  }
0x50: {  	s31 =	sand.u32 $0x300, s29;
	s30 =	sadd.s32 $0x2400, s30;
	[tilespmem:s26+$0x360 ss:$0x9] =	vst.msk $0xffff, v7;
	v6 =	vld [tilespmem:s28+$0x40]  }
0x51: {  	[tilespmem:s26+$0x3F0 ss:$0x9] =	vst.msk $0xffff, v5  }
0x52: {  	v47 =	vld [tilespmem:s28+$0x50];
	[tilespmem:s26+$0x510 ss:$0x9] =	vst.msk $0xffff, v4  }
0x53: {  	s30 =	sadd.s32 s31, s23;
	v48 =	vld [tilespmem:s28+$0x60];
	s31 =	sadd.s32 $0x80, s28;
	[tilespmem:s26+$0x5A0 ss:$0x9] =	vst.msk $0xffff, v3  }
0x54: {  	v49 =	vld [tilespmem:s31+$0xFFFFFBF0];
	[tilespmem:s26+$0x630 ss:$0x9] =	vst.msk $0xffff, v1  }
0x55: {  	v50 =	vld [tilespmem:s31+$0xFFFFFC00];
	[tilespmem:s26+$0x6C0 ss:$0x9] =	vst.msk $0xffff, v2  }
0x56: {  	v51 =	vld [tilespmem:s31+$0xFFFFFC10];
	[tilespmem:s26+$0x750 ss:$0x9] =	vst.msk $0xffff, v6  }
0x57: {  	s27 =	sshra.s32 s27, $0x2;
	v52 =	vld [tilespmem:s31+$0xFFFFFC20];
	[tilespmem:s26+$0x7E0 ss:$0x9] =	vst.msk $0xffff, v47  }
0x58: {  	s27 =	sadd.s32 s27, s21;
	v53 =	vld [tilespmem:s31+$0xFFFFFC30];
	[tilespmem:s26+$0x870 ss:$0x9] =	vst.msk $0xffff, v48  }
0x59: {  	v54 =	vld [tilespmem:s31+$0xFFFFFC40];
	[tilespmem:s27+$0x0 ss:$0x9] =	vst.msk $0xffff, v49  }
0x5a: {  	v55 =	vld [tilespmem:s31+$0xFFFFFC50];
	[tilespmem:s27+$0x90 ss:$0x9] =	vst.msk $0xffff, v50  }
0x5b: {  	v56 =	vld [tilespmem:s31+$0xFFFFFC60];
	[tilespmem:s27+$0x120 ss:$0x9] =	vst.msk $0xffff, v51  }
0x5c: {  	v57 =	vld [tilespmem:s31+$0x0];
	[tilespmem:s27+$0x1B0 ss:$0x9] =	vst.msk $0xffff, v52  }
0x5d: {  	v58 =	vld [tilespmem:s31+$0x10];
	[tilespmem:s27+$0x240 ss:$0x9] =	vst.msk $0xffff, v53  }
0x5e: {  	v59 =	vld [tilespmem:s31+$0x20];
	[tilespmem:s27+$0x2D0 ss:$0x9] =	vst.msk $0xffff, v54  }
0x5f: {  	v60 =	vld [tilespmem:s31+$0x30];
	[tilespmem:s27+$0x360 ss:$0x9] =	vst.msk $0xffff, v55  }
0x60: {  	v61 =	vld [tilespmem:s31+$0x40];
	[tilespmem:s27+$0x3F0 ss:$0x9] =	vst.msk $0xffff, v56  }
0x61: {  	s5 =	sand.u32 $0x80, s29;
	v62 =	vld [tilespmem:s31+$0x50];
	[tilespmem:s27+$0x510 ss:$0x9] =	vst.msk $0xffff, v57  }
0x62: {  	s25 =	sadd.s32 $0x1, s25;
	s5 =	sadd.s32 s5, s30;
	v63 =	vld [tilespmem:s31+$0x60];
	[tilespmem:s27+$0x5A0 ss:$0x9] =	vst.msk $0xffff, v58  }
0x63: {  	p1 =	sne.s32 s25, $0x8;
	v0 =	vld.idx.msk [tilespmem:v0+s5+$0x400 ss:$0x1], $0xffff;
	[tilespmem:s27+$0x630 ss:$0x9] =	vst.msk $0xffff, v59  }
.Ltmp4:
0x64: {  	[tilespmem:s27+$0x6C0 ss:$0x9] =	vst.msk $0xffff, v60;
	(pc) =	sbr.rel @p1 .LBB1_3-.Ltmp4, $4  }
0x65: {  	[tilespmem:s27+$0x750 ss:$0x9] =	vst.msk $0xffff, v61  }
0x66: {  	[tilespmem:s27+$0x7E0 ss:$0x9] =	vst.msk $0xffff, v62  }
0x67: {  	[tilespmem:s27+$0x870 ss:$0x9] =	vst.msk $0xffff, v63  }
0x68: {  	s22 =	sadd.s32 $0x800, s22;
	s21 =	sadd.s32 $0x1, s21;
	[tilespmem:s27+$0x480 ss:$0x9] =	vst.msk $0xffff, v0  }
0x69: {  	s5 =	smul.u32 $0x300000, s19;
	_ =	sdelay $0x1  }
0x6a: {  	s18 =	sshll.u32 s18, $0x14;
	s28 =	sand.u32 $0xF80, s17;
	s5 =	sadd.s32 s8, s5  }
.Ltmp5:
0x6b: {  	s16 =	sshll.u32 s16, $0xC;
	s5 =	sadd.s32 s18, s5;
	(pc) =	sbr.rel .LBB1_7-.Ltmp5, $4  }
0x6c: {  	s29 =	sshrl.u32 s17, $0x3;
	s30 =	sand.u32 $0x7, s17;
	s5 =	sadd.s32 s28, s5  }
0x6d: {  	s31 =	sshll.u32 s30, $0x12;
	s18 =	sand.u32 $0xF, s29;
	s5 =	sadd.s32 s16, s5  }
0x6e: {  	s16 =	sor.u32 $0x8, s31;
	s5 =	sadd.s32 s18, s5  }
0x6f: {  	[hbm4b:s5+s16] =	stream.strided.scatter [tilespmem:s20], [sflag:$0x2], $0x4000, s10, s16, $0x0;
	[tilespmem:$0x11000] =	vst v63  }
.LBB1_8:
0x70: {  	_ =	sfence.sel $0x180000  }
0x71: {  	s1 =	simm.s32 $0x1;
	[bflag:$0x0] =	sbarrier.arrive $0xFFFF  }
0x72: {  	s31 =	simm.s32 $0x2;
	[sflag:s1] =	ssyncpa.u1 $0x1  }
0x73: {  	[sflag:s31] =	ssyncpa.u1 $0x1  }
0x74: {  	_ =	strace $0x90000047  }
0x75: {  	[bflag:$0x2] =	sbarrier.arrive $0xFFFF  }
0x76: {  	p0 =	sne.s32 s0, $0x0;
	s0 =	rddreg [dreg:$0x2]  }
0x77: {  	s0 =	sadd.s32 @!p0 $0x100000, s0  }
0x78: {  	[sflag:s0] =	ssyncadd.tile.s32 @!p0 $0x1;
	_ =	shalt  }
.Lfunc_end1:
_tile_overlayer_lowered:
.L_overlay_start_2:
0x79: {  	(tag) =	ssettag $0x2  }
0x7a: {  	s0 =	rddreg [dreg:$0x0];
	s2 =	stileid.u32  }
0x7b: {  	s1 =	rddreg [dreg:$0x1];
	p0 =	sne.s32 s2, $0x0  }
0x7c: {  	s3 =	rddreg [dreg:$0x2];
	[bflag:$0x3] =	sbarrier.arrive $0xFFFF;
	s2 =	simm.s32 @!p0 $0x1C01  }
0x7d: {  	[timem:s3], [sflag:s2] =	dma.local @!p0 [hbm:s0], s1  }
0x7e: {  	s0 =	simm.s32 @!p0 $0x1  }
0x7f: {  	_ =	swait.ge @!p0 [sflag:s0], s1  }
0x80: {  	s1 =	ssub.s32 @!p0 $0x0, s1;
	[sflag:s0] =	ssyncset.done @!p0 $0x0  }
0x81: {  	[sflag:s0] =	ssyncadd.s32 @!p0 s1  }
0x82: {  	[bflag:$0x3] =	sbarrier.arrive $0xFFFF  }
0x83: {  	_ =	shalt  }

</sc_bundles>
